<compile_context>
chip_gen: v7x
topology: tpu7x:2x2x1
jax: 0.10.2.dev20260603
libtpu: 0.0.44.dev20260713+nightly
codegen_flags: <defaults>
</compile_context>

<pallas_src>
import jax
import jax.numpy as jnp
from jax import lax
from jax.experimental import pallas as pl
from jax.experimental.pallas import tpu as pltpu
from jax.experimental.pallas import tpu_sc as plsc

_MAX_OBJ = 100
_IOU_THR = 0.45
_SCORE_THR = 0.25
_BIG_I32 = 2**30
_L = 16
_OUTW = 112
_K_TC = 8
_SPB = 4


def _prep_tc_kernel(x_ref, s_ref, cls_ref, x1_ref, y1_ref, x2_ref, y2_ref,
                    ar_ref):
    blk = x_ref[0]
    cx = blk[0:1, :]
    cy = blk[1:2, :]
    w = blk[2:3, :]
    h = blk[3:4, :]
    x1 = cx - w / 2
    y1 = cy - h / 2
    x2 = cx + w / 2
    y2 = cy + h / 2

    scores = blk[4:, :]
    m = jnp.max(scores, axis=0, keepdims=True)
    iota_c = lax.broadcasted_iota(jnp.int32, scores.shape, 0)
    cls = jnp.min(jnp.where(scores == m, iota_c, _BIG_I32),
                  axis=0, keepdims=True)

    s_ref[0] = jnp.where(m > _SCORE_THR, m, -1.0)
    cls_ref[0] = cls
    x1_ref[0] = x1
    y1_ref[0] = y1
    x2_ref[0] = x2
    y2_ref[0] = y2
    ar_ref[0] = (x2 - x1) * (y2 - y1)


def _tc_nms_kernel(s_ref, cls_ref, x1_ref, y1_ref, x2_ref, y2_ref,
                   nd_ref, sc_ref, cl_ref, ix_ref,
                   b0_ref, b1_ref, b2_ref, b3_ref):
    S0 = s_ref[...]
    CLS = cls_ref[...]
    X1 = x1_ref[...]
    Y1 = y1_ref[...]
    X2 = x2_ref[...]
    Y2 = y2_ref[...]
    AREA = (X2 - X1) * (Y2 - Y1)
    K, N = S0.shape
    iota_n = lax.broadcasted_iota(jnp.int32, (K, N), 1)
    col = lax.broadcasted_iota(jnp.int32, (K, _MAX_OBJ), 1)

    def body(t, carry):
        S, nd, asc, acl, aix, ab0, ab1, ab2, ab3 = carry
        best = jnp.max(S, axis=1, keepdims=True)
        idx = jnp.min(jnp.where(S == best, iota_n, _BIG_I32),
                      axis=1, keepdims=True)
        onehot = iota_n == idx
        bx1 = jnp.sum(jnp.where(onehot, X1, 0.0), axis=1, keepdims=True)
        by1 = jnp.sum(jnp.where(onehot, Y1, 0.0), axis=1, keepdims=True)
        bx2 = jnp.sum(jnp.where(onehot, X2, 0.0), axis=1, keepdims=True)
        by2 = jnp.sum(jnp.where(onehot, Y2, 0.0), axis=1, keepdims=True)
        bcl = jnp.sum(jnp.where(onehot, CLS, 0), axis=1, keepdims=True)

        ix1 = jnp.maximum(bx1, X1)
        iy1 = jnp.maximum(by1, Y1)
        ix2 = jnp.minimum(bx2, X2)
        iy2 = jnp.minimum(by2, Y2)
        inter = jnp.clip(ix2 - ix1, 0.0) * jnp.clip(iy2 - iy1, 0.0)
        area1 = (bx2 - bx1) * (by2 - by1)
        iou = inter / (area1 + AREA - inter + 1e-9)

        S = jnp.where(iou > _IOU_THR, -1.0, S)
        S = jnp.where(onehot, -1.0, S)

        keep = best > _SCORE_THR
        sel = col == t
        asc = jnp.where(sel, jnp.where(keep, best, 0.0), asc)
        acl = jnp.where(sel, jnp.where(keep, bcl, -1), acl)
        aix = jnp.where(sel, idx, aix)
        ab0 = jnp.where(sel, jnp.where(keep, (bx1 + bx2) * 0.5, 0.0), ab0)
        ab1 = jnp.where(sel, jnp.where(keep, (by1 + by2) * 0.5, 0.0), ab1)
        ab2 = jnp.where(sel, jnp.where(keep, bx2 - bx1, 0.0), ab2)
        ab3 = jnp.where(sel, jnp.where(keep, by2 - by1, 0.0), ab3)
        nd = nd + keep.astype(jnp.int32)
        return (S, nd, asc, acl, aix, ab0, ab1, ab2, ab3)

    init = (S0,
            jnp.zeros((K, 1), jnp.int32),
            jnp.zeros((K, _MAX_OBJ), jnp.float32),
            jnp.zeros((K, _MAX_OBJ), jnp.int32),
            jnp.zeros((K, _MAX_OBJ), jnp.int32),
            jnp.zeros((K, _MAX_OBJ), jnp.float32),
            jnp.zeros((K, _MAX_OBJ), jnp.float32),
            jnp.zeros((K, _MAX_OBJ), jnp.float32),
            jnp.zeros((K, _MAX_OBJ), jnp.float32))
    (_, nd, asc, acl, aix, ab0, ab1, ab2, ab3) = lax.fori_loop(
        0, _MAX_OBJ, body, init)

    nd_ref[...] = nd
    sc_ref[...] = asc
    cl_ref[...] = acl
    ix_ref[...] = aix
    b0_ref[...] = ab0
    b1_ref[...] = ab1
    b2_ref[...] = ab2
    b3_ref[...] = ab3


def _sc_nms_body(s_h, cls_h, x1_h, y1_h, x2_h, y2_h, ar_h,
                 nd_h, sc_h, cl_h, ix_h, b0_h, b1_h, b2_h, b3_h,
                 s_v, cls_v, x1_v, y1_v, x2_v, y2_v, ar_v,
                 ix_v, kp_v, scv_v, c0_v, c1_v, c2_v, c3_v, cg_v, nd_v,
                 msg_v, grp_v, shr_v):
    cid = lax.axis_index("c")
    sid = lax.axis_index("s")
    g = sid // _SPB
    j = sid % _SPB
    ngrp = 16 // _SPB
    active = g < ngrp
    brow = cid * ngrp + g
    bs = ngrp * 2
    n = s_h.shape[0] // bs
    qpad = s_v.shape[0]
    qtail = n - (_SPB - 1) * qpad
    nch = qpad // _L
    base = pl.multiple_of(j * qpad, _L)
    off = pl.multiple_of(jnp.where(active, brow * n + base, 0), _L)

    @pl.when(active & (j < _SPB - 1))
    def _load_full():
        pltpu.sync_copy(s_h.at[pl.ds(off, qpad)], s_v)
        pltpu.sync_copy(cls_h.at[pl.ds(off, qpad)], cls_v)
        pltpu.sync_copy(x1_h.at[pl.ds(off, qpad)], x1_v)
        pltpu.sync_copy(y1_h.at[pl.ds(off, qpad)], y1_v)
        pltpu.sync_copy(x2_h.at[pl.ds(off, qpad)], x2_v)
        pltpu.sync_copy(y2_h.at[pl.ds(off, qpad)], y2_v)
        pltpu.sync_copy(ar_h.at[pl.ds(off, qpad)], ar_v)

    @pl.when(active & (j == _SPB - 1))
    def _load_tail():
        dst = pl.ds(0, qtail)
        pltpu.sync_copy(s_h.at[pl.ds(off, qtail)], s_v.at[dst])
        pltpu.sync_copy(cls_h.at[pl.ds(off, qtail)], cls_v.at[dst])
        pltpu.sync_copy(x1_h.at[pl.ds(off, qtail)], x1_v.at[dst])
        pltpu.sync_copy(y1_h.at[pl.ds(off, qtail)], y1_v.at[dst])
        pltpu.sync_copy(x2_h.at[pl.ds(off, qtail)], x2_v.at[dst])
        pltpu.sync_copy(y2_h.at[pl.ds(off, qtail)], y2_v.at[dst])
        pltpu.sync_copy(ar_h.at[pl.ds(off, qtail)], ar_v.at[dst])
        for kk in range(qtail, qpad, _L):
            ds = pl.ds(kk, _L)
            s_v[ds] = jnp.full((_L,), -1.0, jnp.float32)
            cls_v[ds] = jnp.zeros((_L,), jnp.int32)
            x1_v[ds] = jnp.zeros((_L,), jnp.float32)
            y1_v[ds] = jnp.zeros((_L,), jnp.float32)
            x2_v[ds] = jnp.zeros((_L,), jnp.float32)
            y2_v[ds] = jnp.zeros((_L,), jnp.float32)
            ar_v[ds] = jnp.zeros((_L,), jnp.float32)

    @pl.when(jnp.logical_not(active))
    def _fill_idle():
        def fill(k, c):
            s_v[pl.ds(k * _L, _L)] = jnp.full((_L,), -1.0, jnp.float32)
            x1_v[pl.ds(k * _L, _L)] = jnp.zeros((_L,), jnp.float32)
            y1_v[pl.ds(k * _L, _L)] = jnp.zeros((_L,), jnp.float32)
            x2_v[pl.ds(k * _L, _L)] = jnp.zeros((_L,), jnp.float32)
            y2_v[pl.ds(k * _L, _L)] = jnp.zeros((_L,), jnp.float32)
            ar_v[pl.ds(k * _L, _L)] = jnp.zeros((_L,), jnp.float32)
            cls_v[pl.ds(k * _L, _L)] = jnp.zeros((_L,), jnp.int32)
            return c
        lax.fori_loop(0, nch, fill, 0)

    lanes = lax.iota(jnp.int32, _L)
    lane0 = lanes == 0
    zf = jnp.zeros((_L,), jnp.float32)
    zi = jnp.zeros((_L,), jnp.int32)
    for k in range(_OUTW // _L):
        ds = pl.ds(k * _L, _L)
        ix_v[ds] = zi
        kp_v[ds] = zf
        scv_v[ds] = zf
        c0_v[ds] = zf
        c1_v[ds] = zf
        c2_v[ds] = zf
        c3_v[ds] = zf
        cg_v[ds] = zi

    def splat(v, e):
        return v.at[jnp.full((_L,), e, jnp.int32)].get(
            mode="promise_in_bounds")

    def argreduce(m, mi):
        for sh in (8, 4, 2, 1):
            pidx = lanes ^ sh
            m2 = m.at[pidx].get(mode="promise_in_bounds")
            mi2 = mi.at[pidx].get(mode="promise_in_bounds")
            swap = (m2 > m) | ((m2 == m) & (mi2 < mi))
            m = jnp.where(swap, m2, m)
            mi = jnp.where(swap, mi2, mi)
        return m, mi

    @plsc.parallel_loop(0, nch, 1, unroll=8,
                        carry=(jnp.full((_L,), -2.0, jnp.float32),
                               jnp.zeros((_L,), jnp.int32)))
    def pro(k, carry):
        m, mi = carry
        v = s_v[pl.ds(k * _L, _L)]
        gg = lanes + (base + k * _L)
        cmp = v > m
        return (jnp.where(cmp, v, m), jnp.where(cmp, gg, mi))

    m, mi = pro

    def iter_body(t, carry):
        m, mi, nd = carry
        lb, li = argreduce(m, mi)
        liv = li - base
        bx1 = plsc.load_gather(x1_v, [liv])
        by1 = plsc.load_gather(y1_v, [liv])
        bx2 = plsc.load_gather(x2_v, [liv])
        by2 = plsc.load_gather(y2_v, [liv])
        bcl = plsc.load_gather(cls_v, [liv])
        msg = jnp.where(lanes == 0, lb,
              jnp.where(lanes == 1, li.astype(jnp.float32),
              jnp.where(lanes == 2, bx1,
              jnp.where(lanes == 3, by1,
              jnp.where(lanes == 4, bx2,
              jnp.where(lanes == 5, by2,
                        bcl.astype(jnp.float32)))))))
        msg_v[...] = msg
        pltpu.sync_copy(msg_v, shr_v.at[pl.ds(pl.multiple_of(sid * _L, _L),
                                              _L)])
        plsc.subcore_barrier()
        g_safe = jnp.where(active, g, 0)
        pltpu.sync_copy(
            shr_v.at[pl.ds(pl.multiple_of(g_safe * (_SPB * _L), _SPB * _L),
                           _SPB * _L)],
            grp_v)
        plsc.subcore_barrier()

        win = grp_v[pl.ds(0, _L)]
        wb = splat(win, 0)
        wi = splat(win, 1)
        for jj in range(1, _SPB):
            r = grp_v[pl.ds(jj * _L, _L)]
            rb = splat(r, 0)
            ri = splat(r, 1)
            better = (rb > wb) | ((rb == wb) & (ri < wi))
            win = jnp.where(better, r, win)
            wb = jnp.where(better, rb, wb)
            wi = jnp.where(better, ri, wi)
        bestv = wb
        iv = wi.astype(jnp.int32)
        bx1 = splat(win, 2)
        by1 = splat(win, 3)
        bx2 = splat(win, 4)
        by2 = splat(win, 5)
        bcli = splat(win, 6).astype(jnp.int32)
        area1 = (bx2 - bx1) * (by2 - by1)

        keepv = bestv > _SCORE_THR
        kfv = jnp.where(keepv, 1.0, 0.0)

        livc = jnp.clip(iv - base, 0, qpad - 1)
        owm = lane0 & (iv >= base) & (iv < base + qpad)
        plsc.store_scatter(s_v, [livc], jnp.full((_L,), -1.0, jnp.float32),
                           mask=owm)

        @pl.when(active & (j == 0))
        def _record():
            tv = jnp.full((_L,), t, jnp.int32)
            plsc.store_scatter(ix_v, [tv], iv, mask=lane0)
            plsc.store_scatter(kp_v, [tv], kfv, mask=lane0)
            plsc.store_scatter(scv_v, [tv], bestv * kfv, mask=lane0)
            plsc.store_scatter(c0_v, [tv], (bx1 + bx2) * 0.5 * kfv,
                               mask=lane0)
            plsc.store_scatter(c1_v, [tv], (by1 + by2) * 0.5 * kfv,
                               mask=lane0)
            plsc.store_scatter(c2_v, [tv], (bx2 - bx1) * kfv, mask=lane0)
            plsc.store_scatter(c3_v, [tv], (by2 - by1) * kfv, mask=lane0)
            plsc.store_scatter(cg_v, [tv],
                               jnp.where(keepv, bcli, -1), mask=lane0)
        nd = nd + jnp.where(keepv, 1, 0)

        @plsc.parallel_loop(0, nch, 1, unroll=8,
                            carry=(jnp.full((_L,), -2.0, jnp.float32),
                                   jnp.zeros((_L,), jnp.int32)))
        def sweep(k, carry):
            m, mi = carry
            ds = pl.ds(k * _L, _L)
            sk = s_v[ds]
            ax1 = x1_v[ds]
            ay1 = y1_v[ds]
            ax2 = x2_v[ds]
            ay2 = y2_v[ds]
            ix1 = jnp.maximum(bx1, ax1)
            iy1 = jnp.maximum(by1, ay1)
            ix2 = jnp.minimum(bx2, ax2)
            iy2 = jnp.minimum(by2, ay2)
            inter = (jnp.maximum(ix2 - ix1, 0.0)
                     * jnp.maximum(iy2 - iy1, 0.0))
            area2 = ar_v[ds]
            iou = inter / (area1 + area2 - inter + 1e-9)
            gg = lanes + (base + k * _L)
            snew = jnp.where(iou > _IOU_THR, -1.0, sk)
            s_v[ds] = snew
            cmp = snew > m
            return (jnp.where(cmp, snew, m), jnp.where(cmp, gg, mi))

        m, mi = sweep
        return (m, mi, nd)

    m, mi, nd = lax.fori_loop(
        0, _MAX_OBJ, iter_body,
        (m, mi, jnp.zeros((_L,), jnp.int32)))

    @pl.when(active & (j == 0))
    def _writeout():
        nd_v[...] = nd
        ondo = pl.multiple_of(brow * _L, _L)
        outo = pl.multiple_of(brow * _OUTW, _L)
        pltpu.sync_copy(nd_v, nd_h.at[pl.ds(ondo, _L)])
        pltpu.sync_copy(scv_v, sc_h.at[pl.ds(outo, _OUTW)])
        pltpu.sync_copy(cg_v, cl_h.at[pl.ds(outo, _OUTW)])
        pltpu.sync_copy(ix_v, ix_h.at[pl.ds(outo, _OUTW)])
        pltpu.sync_copy(c0_v, b0_h.at[pl.ds(outo, _OUTW)])
        pltpu.sync_copy(c1_v, b1_h.at[pl.ds(outo, _OUTW)])
        pltpu.sync_copy(c2_v, b2_h.at[pl.ds(outo, _OUTW)])
        pltpu.sync_copy(c3_v, b3_h.at[pl.ds(outo, _OUTW)])


def kernel(x):
    B, C, N = x.shape
    f32 = jnp.float32
    i32 = jnp.int32

    prep_shapes = (
        jax.ShapeDtypeStruct((B, 1, N), f32),
        jax.ShapeDtypeStruct((B, 1, N), i32),
        jax.ShapeDtypeStruct((B, 1, N), f32),
        jax.ShapeDtypeStruct((B, 1, N), f32),
        jax.ShapeDtypeStruct((B, 1, N), f32),
        jax.ShapeDtypeStruct((B, 1, N), f32),
        jax.ShapeDtypeStruct((B, 1, N), f32),
    )
    prep_out = pl.pallas_call(
        _prep_tc_kernel,
        grid=(B,),
        in_specs=[pl.BlockSpec((1, C, N), lambda b: (b, 0, 0))],
        out_specs=tuple(pl.BlockSpec((1, 1, N), lambda b: (b, 0, 0))
                        for _ in prep_shapes),
        out_shape=prep_shapes,
        compiler_params=pltpu.CompilerParams(
            dimension_semantics=("parallel",)),
    )(x)
    s, cls, x1, y1, x2, y2, area = (jnp.reshape(a, (B, N)) for a in prep_out)

    K = _K_TC
    tc_shapes = (
        jax.ShapeDtypeStruct((K, 1), i32),
        jax.ShapeDtypeStruct((K, _MAX_OBJ), f32),
        jax.ShapeDtypeStruct((K, _MAX_OBJ), i32),
        jax.ShapeDtypeStruct((K, _MAX_OBJ), i32),
        jax.ShapeDtypeStruct((K, _MAX_OBJ), f32),
        jax.ShapeDtypeStruct((K, _MAX_OBJ), f32),
        jax.ShapeDtypeStruct((K, _MAX_OBJ), f32),
        jax.ShapeDtypeStruct((K, _MAX_OBJ), f32),
    )
    tnd, tsc, tcl, tix, tb0, tb1, tb2, tb3 = pl.pallas_call(
        _tc_nms_kernel,
        out_shape=tc_shapes,
    )(s[:K], cls[:K], x1[:K], y1[:K], x2[:K], y2[:K])

    BS = B - K
    qpad = ((N + _SPB - 1) // _SPB + _L - 1) // _L * _L
    sc_types = (
        jax.ShapeDtypeStruct((BS * _L,), i32),
        jax.ShapeDtypeStruct((BS * _OUTW,), f32),
        jax.ShapeDtypeStruct((BS * _OUTW,), i32),
        jax.ShapeDtypeStruct((BS * _OUTW,), i32),
        jax.ShapeDtypeStruct((BS * _OUTW,), f32),
        jax.ShapeDtypeStruct((BS * _OUTW,), f32),
        jax.ShapeDtypeStruct((BS * _OUTW,), f32),
        jax.ShapeDtypeStruct((BS * _OUTW,), f32),
    )
    scratch = [
        pltpu.VMEM((qpad,), f32),
        pltpu.VMEM((qpad,), i32),
        pltpu.VMEM((qpad,), f32),
        pltpu.VMEM((qpad,), f32),
        pltpu.VMEM((qpad,), f32),
        pltpu.VMEM((qpad,), f32),
        pltpu.VMEM((qpad,), f32),
        pltpu.VMEM((_OUTW,), i32),
        pltpu.VMEM((_OUTW,), f32),
        pltpu.VMEM((_OUTW,), f32),
        pltpu.VMEM((_OUTW,), f32),
        pltpu.VMEM((_OUTW,), f32),
        pltpu.VMEM((_OUTW,), f32),
        pltpu.VMEM((_OUTW,), f32),
        pltpu.VMEM((_OUTW,), i32),
        pltpu.VMEM((_L,), i32),
        pltpu.VMEM((_L,), f32),
        pltpu.VMEM((_SPB * _L,), f32),
        pltpu.VMEM_SHARED((16 * _L,), f32),
    ]
    nms = pl.kernel(
        _sc_nms_body,
        out_type=sc_types,
        mesh=plsc.VectorSubcoreMesh(core_axis_name="c",
                                    subcore_axis_name="s"),
        scratch_types=scratch,
        compiler_params=pltpu.CompilerParams(needs_layout_passes=False),
    )
    flat = lambda a: jnp.reshape(a[K:], (-1,))
    snd, ssc, scl, six, sb0, sb1, sb2, sb3 = nms(
        flat(s), flat(cls), flat(x1), flat(y1), flat(x2), flat(y2),
        flat(area))
    snd = jnp.reshape(snd, (BS, _L))
    ssc = jnp.reshape(ssc, (BS, _OUTW))
    scl = jnp.reshape(scl, (BS, _OUTW))
    six = jnp.reshape(six, (BS, _OUTW))
    sb0 = jnp.reshape(sb0, (BS, _OUTW))
    sb1 = jnp.reshape(sb1, (BS, _OUTW))
    sb2 = jnp.reshape(sb2, (BS, _OUTW))
    sb3 = jnp.reshape(sb3, (BS, _OUTW))

    nd = jnp.concatenate([tnd, snd[:, :1]], axis=0)
    asc = jnp.concatenate([tsc, ssc[:, :_MAX_OBJ]], axis=0)
    acl = jnp.concatenate([tcl, scl[:, :_MAX_OBJ]], axis=0)
    aix = jnp.concatenate([tix, six[:, :_MAX_OBJ]], axis=0)
    ab0 = jnp.concatenate([tb0, sb0[:, :_MAX_OBJ]], axis=0)
    ab1 = jnp.concatenate([tb1, sb1[:, :_MAX_OBJ]], axis=0)
    ab2 = jnp.concatenate([tb2, sb2[:, :_MAX_OBJ]], axis=0)
    ab3 = jnp.concatenate([tb3, sb3[:, :_MAX_OBJ]], axis=0)
    det_boxes = jnp.stack([ab0, ab1, ab2, ab3], axis=-1)
    return (nd, det_boxes, asc, acl, aix)

# --- scband reference (transcript-rebuilt; emitter-appended) ---
"""Pipeline reference for scband-onnx-yolo-trt-21827023798586 (READ-ONLY COPY).

The authoritative reference and input builder live on the scoring server;
editing this copy changes nothing except your own understanding.
"""

import jax
import jax.numpy as jnp
import numpy as np

MAX_OBJ = 100
IOU_THR = 0.45
SCORE_THR = 0.25
N_CLASSES = 80


def setup_inputs(seed: int = 0) -> dict:
    key = jax.random.key(seed)
    x = jax.random.uniform(key, (16, 84, 20000), dtype=jnp.float32)
    return {"x": x}


def _xyxy(b):
    cx, cy, w, h = b[..., 0], b[..., 1], b[..., 2], b[..., 3]
    return jnp.stack([cx - w / 2, cy - h / 2, cx + w / 2, cy + h / 2], axis=-1)


def _iou(box, boxes):
    x1 = jnp.maximum(box[0], boxes[:, 0])
    y1 = jnp.maximum(box[1], boxes[:, 1])
    x2 = jnp.minimum(box[2], boxes[:, 2])
    y2 = jnp.minimum(box[3], boxes[:, 3])
    inter = jnp.clip(x2 - x1, 0.0) * jnp.clip(y2 - y1, 0.0)
    area1 = (box[2] - box[0]) * (box[3] - box[1])
    area2 = (boxes[:, 2] - boxes[:, 0]) * (boxes[:, 3] - boxes[:, 1])
    return inter / (area1 + area2 - inter + 1e-9)


def _nms_one(boxes, cls_scores):
    # boxes: [N, 4] in cxcywh (box_coding=1), cls_scores: [N, C]
    scores = jnp.max(cls_scores, axis=-1)
    classes = jnp.argmax(cls_scores, axis=-1).astype(jnp.int32)
    xyxy = _xyxy(boxes)
    live = jnp.where(scores > SCORE_THR, scores, -1.0)

    def body(s, _):
        i = jnp.argmax(s)
        best = s[i]
        iou = _iou(xyxy[i], xyxy)
        s_new = jnp.where(iou > IOU_THR, -1.0, s)
        s_new = s_new.at[i].set(-1.0)
        keep = best > SCORE_THR
        return s_new, (i.astype(jnp.int32), keep)

    _, (idxs, keeps) = jax.lax.scan(body, live, None, length=MAX_OBJ)
    det_boxes = jnp.where(keeps[:, None], boxes[idxs], 0.0)
    det_scores = jnp.where(keeps, scores[idxs], 0.0)
    det_classes = jnp.where(keeps, classes[idxs], -1).astype(jnp.int32)
    num_det = jnp.sum(keeps).astype(jnp.int32)
    return num_det, det_boxes, det_scores, det_classes, idxs


def reference(x):
    # x: [B, 4+C, N] -> permute to [B, N, 4+C] like the torch module
    xt = jnp.transpose(x, (0, 2, 1))
    boxes = xt[..., 0:4]
    scores = xt[..., 4:]
    num_det, det_boxes, det_scores, det_classes, det_indices = jax.vmap(_nms_one)(boxes, scores)
    num_det = num_det[:, None]  # [B, 1] int32 to match TRT plugin output
    return (num_det, det_boxes, det_scores, det_classes, det_indices)

if __name__ == "__main__":
    import jax
    _d = setup_inputs()
    print(jax.jit(kernel)(*tuple(_d.values())))

</pallas_src>

<mosaic_0001>
#map = affine_map<(d0, d1) -> (0)>
module attributes {stable_mosaic.version = 14 : i64} {
  func.func @_sc_nms_body(%arg0: i32, %arg1: i32, %arg2: memref<160000xf32, #tpu.memory_space<hbm>>, %arg3: memref<160000xi32, #tpu.memory_space<hbm>>, %arg4: memref<160000xf32, #tpu.memory_space<hbm>>, %arg5: memref<160000xf32, #tpu.memory_space<hbm>>, %arg6: memref<160000xf32, #tpu.memory_space<hbm>>, %arg7: memref<160000xf32, #tpu.memory_space<hbm>>, %arg8: memref<160000xf32, #tpu.memory_space<hbm>>, %arg9: memref<128xi32, #tpu.memory_space<hbm>>, %arg10: memref<896xf32, #tpu.memory_space<hbm>>, %arg11: memref<896xi32, #tpu.memory_space<hbm>>, %arg12: memref<896xi32, #tpu.memory_space<hbm>>, %arg13: memref<896xf32, #tpu.memory_space<hbm>>, %arg14: memref<896xf32, #tpu.memory_space<hbm>>, %arg15: memref<896xf32, #tpu.memory_space<hbm>>, %arg16: memref<896xf32, #tpu.memory_space<hbm>>, %arg17: memref<5008xf32, #tpu.memory_space<vmem>>, %arg18: memref<5008xi32, #tpu.memory_space<vmem>>, %arg19: memref<5008xf32, #tpu.memory_space<vmem>>, %arg20: memref<5008xf32, #tpu.memory_space<vmem>>, %arg21: memref<5008xf32, #tpu.memory_space<vmem>>, %arg22: memref<5008xf32, #tpu.memory_space<vmem>>, %arg23: memref<5008xf32, #tpu.memory_space<vmem>>, %arg24: memref<112xi32, #tpu.memory_space<vmem>>, %arg25: memref<112xf32, #tpu.memory_space<vmem>>, %arg26: memref<112xf32, #tpu.memory_space<vmem>>, %arg27: memref<112xf32, #tpu.memory_space<vmem>>, %arg28: memref<112xf32, #tpu.memory_space<vmem>>, %arg29: memref<112xf32, #tpu.memory_space<vmem>>, %arg30: memref<112xf32, #tpu.memory_space<vmem>>, %arg31: memref<112xi32, #tpu.memory_space<vmem>>, %arg32: memref<16xi32, #tpu.memory_space<vmem>>, %arg33: memref<16xf32, #tpu.memory_space<vmem>>, %arg34: memref<64xf32, #tpu.memory_space<vmem>>, %arg35: memref<256xf32, #tpu.memory_space<vmem_shared>>) attributes {dimension_semantics = [#tpu.dimension_semantics<core_parallel>, #tpu.dimension_semantics<subcore_parallel>], iteration_bounds = array<i64: 2, 16>, scalar_prefetch = 0 : i64, scratch_operands = 19 : i64, tpu.core_type = #tpu.core_type<sc_vector_subcore>, window_params = [{transform_indices = #map}, {transform_indices = #map}, {transform_indices = #map}, {transform_indices = #map}, {transform_indices = #map}, {transform_indices = #map}, {transform_indices = #map}, {transform_indices = #map}, {transform_indices = #map}, {transform_indices = #map}, {transform_indices = #map}, {transform_indices = #map}, {transform_indices = #map}, {transform_indices = #map}, {transform_indices = #map}]} {
    %jit3A = arith.constant 4 : i32
    %div3A = arith.divsi %arg1, %jit3A : i32
    %sign3A = arith.constant 0 : i32
    %sign3A_0 = arith.cmpi sgt, %arg1, %sign3A : i32
    %sign3A_1 = arith.extui %sign3A_0 : i1 to i32
    %sign3A_2 = arith.constant 0 : i32
    %sign3A_3 = arith.cmpi slt, %arg1, %sign3A_2 : i32
    %sign3A_4 = arith.extui %sign3A_3 : i1 to i32
    %sign3A_5 = arith.subi %sign3A_1, %sign3A_4 : i32
    %sign3A_6 = arith.constant 0 : i32
    %sign3A_7 = arith.cmpi sgt, %jit3A, %sign3A_6 : i32
    %sign3A_8 = arith.extui %sign3A_7 : i1 to i32
    %sign3A_9 = arith.constant 0 : i32
    %sign3A_10 = arith.cmpi slt, %jit3A, %sign3A_9 : i32
    %sign3A_11 = arith.extui %sign3A_10 : i1 to i32
    %sign3A_12 = arith.subi %sign3A_8, %sign3A_11 : i32
    %ne3A = arith.cmpi ne, %sign3A_5, %sign3A_12 : i32
    %rem3A = arith.remsi %arg1, %jit3A : i32
    %ne3A_13 = arith.constant 0 : i32
    %ne3A_14 = arith.cmpi ne, %rem3A, %ne3A_13 : i32
    %and3A = arith.andi %ne3A, %ne3A_14 : i1
    %sub3A = arith.constant 1 : i32
    %sub3A_15 = arith.subi %div3A, %sub3A : i32
    %select_n3A = arith.select %and3A, %sub3A_15, %div3A : i32
    %jit3A_16 = arith.constant 4 : i32
    %eq3A = arith.constant 0 : i32
    %eq3A_17 = arith.cmpi eq, %jit3A_16, %eq3A : i32
    %jit3A_18 = arith.constant 1 : i32
    %select_n3A_19 = arith.select %eq3A_17, %jit3A_18, %jit3A_16 : i32
    %rem3A_20 = arith.remsi %arg1, %select_n3A_19 : i32
    %ne3A_21 = arith.constant 0 : i32
    %ne3A_22 = arith.cmpi ne, %rem3A_20, %ne3A_21 : i32
    %lt3A = arith.constant 0 : i32
    %lt3A_23 = arith.cmpi slt, %rem3A_20, %lt3A : i32
    %lt3A_24 = arith.constant 0 : i32
    %lt3A_25 = arith.cmpi slt, %select_n3A_19, %lt3A_24 : i32
    %ne3A_26 = arith.xori %lt3A_23, %lt3A_25 : i1
    %and3A_27 = arith.andi %ne3A_26, %ne3A_22 : i1
    %add3A = arith.addi %rem3A_20, %select_n3A_19 : i32
    %select_n3A_28 = arith.select %and3A_27, %add3A, %rem3A_20 : i32
    %lt3A_29 = arith.constant 4 : i32
    %lt3A_30 = arith.cmpi slt, %select_n3A, %lt3A_29 : i32
    %mul3A = arith.constant 4 : i32
    %mul3A_31 = arith.muli %arg0, %mul3A : i32
    %add3A_32 = arith.addi %mul3A_31, %select_n3A : i32
    %mul3A_33 = arith.constant 5008 : i32
    %mul3A_34 = arith.muli %select_n3A_28, %mul3A_33 : i32
    %multiple_of3A = tpu.assume_multiple %mul3A_34, 16 : i32
    %mul3A_35 = arith.constant 20000 : i32
    %mul3A_36 = arith.muli %add3A_32, %mul3A_35 : i32
    %add3A_37 = arith.addi %mul3A_36, %multiple_of3A : i32
    %jit3A_38 = arith.constant 0 : i32
    %select_n3A_39 = arith.select %lt3A_30, %add3A_37, %jit3A_38 : i32
    %multiple_of3A_40 = tpu.assume_multiple %select_n3A_39, 16 : i32
    %lt3A_41 = arith.constant 3 : i32
    %lt3A_42 = arith.cmpi slt, %select_n3A_28, %lt3A_41 : i32
    %and3A_43 = arith.andi %lt3A_30, %lt3A_42 : i1
    %convert_element_type3A = arith.extui %and3A_43 : i1 to i32
    %cond3A = arith.constant 0 : i32
    %cond3A_44 = arith.cmpi ne, %convert_element_type3A, %cond3A : i32
    scf.if %cond3A_44 {
      "tpu.region"() ({
        %run_scoped3A = tpu.sem_alloc : memref<!tpu.dma_semaphore, #tpu.memory_space<semaphore_mem>>
        %dma_start3A = tpu.memref_slice %arg2[%multiple_of3A_40] : memref<160000xf32, #tpu.memory_space<hbm>> -> memref<5008xf32, #tpu.memory_space<hbm>>
        %dma_start3A_192 = tpu.memref_slice %arg2[%multiple_of3A_40] : memref<160000xf32, #tpu.memory_space<hbm>> -> memref<5008xf32, #tpu.memory_space<hbm>>
        tpu.enqueue_dma source(%dma_start3A_192 : memref<5008xf32, #tpu.memory_space<hbm>>) target(%arg17 : memref<5008xf32, #tpu.memory_space<vmem>>) target_semaphore(%run_scoped3A : memref<!tpu.dma_semaphore, #tpu.memory_space<semaphore_mem>>)
        %dma_wait3A = tpu.memref_slice %arg2[%multiple_of3A_40] : memref<160000xf32, #tpu.memory_space<hbm>> -> memref<5008xf32, #tpu.memory_space<hbm>>
        %dma_wait3A_193 = tpu.memref_slice %arg2[%multiple_of3A_40] : memref<160000xf32, #tpu.memory_space<hbm>> -> memref<5008xf32, #tpu.memory_space<hbm>>
        tpu.wait_dma2 semaphore(%run_scoped3A : memref<!tpu.dma_semaphore, #tpu.memory_space<semaphore_mem>>) src(%dma_wait3A_193 : memref<5008xf32, #tpu.memory_space<hbm>>) dst(%arg17 : memref<5008xf32, #tpu.memory_space<vmem>>)
        tpu.yield
      }) : () -> ()
      "tpu.region"() ({
        %run_scoped3A = tpu.sem_alloc : memref<!tpu.dma_semaphore, #tpu.memory_space<semaphore_mem>>
        %dma_start3A = tpu.memref_slice %arg3[%multiple_of3A_40] : memref<160000xi32, #tpu.memory_space<hbm>> -> memref<5008xi32, #tpu.memory_space<hbm>>
        %dma_start3A_192 = tpu.memref_slice %arg3[%multiple_of3A_40] : memref<160000xi32, #tpu.memory_space<hbm>> -> memref<5008xi32, #tpu.memory_space<hbm>>
        tpu.enqueue_dma source(%dma_start3A_192 : memref<5008xi32, #tpu.memory_space<hbm>>) target(%arg18 : memref<5008xi32, #tpu.memory_space<vmem>>) target_semaphore(%run_scoped3A : memref<!tpu.dma_semaphore, #tpu.memory_space<semaphore_mem>>)
        %dma_wait3A = tpu.memref_slice %arg3[%multiple_of3A_40] : memref<160000xi32, #tpu.memory_space<hbm>> -> memref<5008xi32, #tpu.memory_space<hbm>>
        %dma_wait3A_193 = tpu.memref_slice %arg3[%multiple_of3A_40] : memref<160000xi32, #tpu.memory_space<hbm>> -> memref<5008xi32, #tpu.memory_space<hbm>>
        tpu.wait_dma2 semaphore(%run_scoped3A : memref<!tpu.dma_semaphore, #tpu.memory_space<semaphore_mem>>) src(%dma_wait3A_193 : memref<5008xi32, #tpu.memory_space<hbm>>) dst(%arg18 : memref<5008xi32, #tpu.memory_space<vmem>>)
        tpu.yield
      }) : () -> ()
      "tpu.region"() ({
        %run_scoped3A = tpu.sem_alloc : memref<!tpu.dma_semaphore, #tpu.memory_space<semaphore_mem>>
        %dma_start3A = tpu.memref_slice %arg4[%multiple_of3A_40] : memref<160000xf32, #tpu.memory_space<hbm>> -> memref<5008xf32, #tpu.memory_space<hbm>>
        %dma_start3A_192 = tpu.memref_slice %arg4[%multiple_of3A_40] : memref<160000xf32, #tpu.memory_space<hbm>> -> memref<5008xf32, #tpu.memory_space<hbm>>
        tpu.enqueue_dma source(%dma_start3A_192 : memref<5008xf32, #tpu.memory_space<hbm>>) target(%arg19 : memref<5008xf32, #tpu.memory_space<vmem>>) target_semaphore(%run_scoped3A : memref<!tpu.dma_semaphore, #tpu.memory_space<semaphore_mem>>)
        %dma_wait3A = tpu.memref_slice %arg4[%multiple_of3A_40] : memref<160000xf32, #tpu.memory_space<hbm>> -> memref<5008xf32, #tpu.memory_space<hbm>>
        %dma_wait3A_193 = tpu.memref_slice %arg4[%multiple_of3A_40] : memref<160000xf32, #tpu.memory_space<hbm>> -> memref<5008xf32, #tpu.memory_space<hbm>>
        tpu.wait_dma2 semaphore(%run_scoped3A : memref<!tpu.dma_semaphore, #tpu.memory_space<semaphore_mem>>) src(%dma_wait3A_193 : memref<5008xf32, #tpu.memory_space<hbm>>) dst(%arg19 : memref<5008xf32, #tpu.memory_space<vmem>>)
        tpu.yield
      }) : () -> ()
      "tpu.region"() ({
        %run_scoped3A = tpu.sem_alloc : memref<!tpu.dma_semaphore, #tpu.memory_space<semaphore_mem>>
        %dma_start3A = tpu.memref_slice %arg5[%multiple_of3A_40] : memref<160000xf32, #tpu.memory_space<hbm>> -> memref<5008xf32, #tpu.memory_space<hbm>>
        %dma_start3A_192 = tpu.memref_slice %arg5[%multiple_of3A_40] : memref<160000xf32, #tpu.memory_space<hbm>> -> memref<5008xf32, #tpu.memory_space<hbm>>
        tpu.enqueue_dma source(%dma_start3A_192 : memref<5008xf32, #tpu.memory_space<hbm>>) target(%arg20 : memref<5008xf32, #tpu.memory_space<vmem>>) target_semaphore(%run_scoped3A : memref<!tpu.dma_semaphore, #tpu.memory_space<semaphore_mem>>)
        %dma_wait3A = tpu.memref_slice %arg5[%multiple_of3A_40] : memref<160000xf32, #tpu.memory_space<hbm>> -> memref<5008xf32, #tpu.memory_space<hbm>>
        %dma_wait3A_193 = tpu.memref_slice %arg5[%multiple_of3A_40] : memref<160000xf32, #tpu.memory_space<hbm>> -> memref<5008xf32, #tpu.memory_space<hbm>>
        tpu.wait_dma2 semaphore(%run_scoped3A : memref<!tpu.dma_semaphore, #tpu.memory_space<semaphore_mem>>) src(%dma_wait3A_193 : memref<5008xf32, #tpu.memory_space<hbm>>) dst(%arg20 : memref<5008xf32, #tpu.memory_space<vmem>>)
        tpu.yield
      }) : () -> ()
      "tpu.region"() ({
        %run_scoped3A = tpu.sem_alloc : memref<!tpu.dma_semaphore, #tpu.memory_space<semaphore_mem>>
        %dma_start3A = tpu.memref_slice %arg6[%multiple_of3A_40] : memref<160000xf32, #tpu.memory_space<hbm>> -> memref<5008xf32, #tpu.memory_space<hbm>>
        %dma_start3A_192 = tpu.memref_slice %arg6[%multiple_of3A_40] : memref<160000xf32, #tpu.memory_space<hbm>> -> memref<5008xf32, #tpu.memory_space<hbm>>
        tpu.enqueue_dma source(%dma_start3A_192 : memref<5008xf32, #tpu.memory_space<hbm>>) target(%arg21 : memref<5008xf32, #tpu.memory_space<vmem>>) target_semaphore(%run_scoped3A : memref<!tpu.dma_semaphore, #tpu.memory_space<semaphore_mem>>)
        %dma_wait3A = tpu.memref_slice %arg6[%multiple_of3A_40] : memref<160000xf32, #tpu.memory_space<hbm>> -> memref<5008xf32, #tpu.memory_space<hbm>>
        %dma_wait3A_193 = tpu.memref_slice %arg6[%multiple_of3A_40] : memref<160000xf32, #tpu.memory_space<hbm>> -> memref<5008xf32, #tpu.memory_space<hbm>>
        tpu.wait_dma2 semaphore(%run_scoped3A : memref<!tpu.dma_semaphore, #tpu.memory_space<semaphore_mem>>) src(%dma_wait3A_193 : memref<5008xf32, #tpu.memory_space<hbm>>) dst(%arg21 : memref<5008xf32, #tpu.memory_space<vmem>>)
        tpu.yield
      }) : () -> ()
      "tpu.region"() ({
        %run_scoped3A = tpu.sem_alloc : memref<!tpu.dma_semaphore, #tpu.memory_space<semaphore_mem>>
        %dma_start3A = tpu.memref_slice %arg7[%multiple_of3A_40] : memref<160000xf32, #tpu.memory_space<hbm>> -> memref<5008xf32, #tpu.memory_space<hbm>>
        %dma_start3A_192 = tpu.memref_slice %arg7[%multiple_of3A_40] : memref<160000xf32, #tpu.memory_space<hbm>> -> memref<5008xf32, #tpu.memory_space<hbm>>
        tpu.enqueue_dma source(%dma_start3A_192 : memref<5008xf32, #tpu.memory_space<hbm>>) target(%arg22 : memref<5008xf32, #tpu.memory_space<vmem>>) target_semaphore(%run_scoped3A : memref<!tpu.dma_semaphore, #tpu.memory_space<semaphore_mem>>)
        %dma_wait3A = tpu.memref_slice %arg7[%multiple_of3A_40] : memref<160000xf32, #tpu.memory_space<hbm>> -> memref<5008xf32, #tpu.memory_space<hbm>>
        %dma_wait3A_193 = tpu.memref_slice %arg7[%multiple_of3A_40] : memref<160000xf32, #tpu.memory_space<hbm>> -> memref<5008xf32, #tpu.memory_space<hbm>>
        tpu.wait_dma2 semaphore(%run_scoped3A : memref<!tpu.dma_semaphore, #tpu.memory_space<semaphore_mem>>) src(%dma_wait3A_193 : memref<5008xf32, #tpu.memory_space<hbm>>) dst(%arg22 : memref<5008xf32, #tpu.memory_space<vmem>>)
        tpu.yield
      }) : () -> ()
      "tpu.region"() ({
        %run_scoped3A = tpu.sem_alloc : memref<!tpu.dma_semaphore, #tpu.memory_space<semaphore_mem>>
        %dma_start3A = tpu.memref_slice %arg8[%multiple_of3A_40] : memref<160000xf32, #tpu.memory_space<hbm>> -> memref<5008xf32, #tpu.memory_space<hbm>>
        %dma_start3A_192 = tpu.memref_slice %arg8[%multiple_of3A_40] : memref<160000xf32, #tpu.memory_space<hbm>> -> memref<5008xf32, #tpu.memory_space<hbm>>
        tpu.enqueue_dma source(%dma_start3A_192 : memref<5008xf32, #tpu.memory_space<hbm>>) target(%arg23 : memref<5008xf32, #tpu.memory_space<vmem>>) target_semaphore(%run_scoped3A : memref<!tpu.dma_semaphore, #tpu.memory_space<semaphore_mem>>)
        %dma_wait3A = tpu.memref_slice %arg8[%multiple_of3A_40] : memref<160000xf32, #tpu.memory_space<hbm>> -> memref<5008xf32, #tpu.memory_space<hbm>>
        %dma_wait3A_193 = tpu.memref_slice %arg8[%multiple_of3A_40] : memref<160000xf32, #tpu.memory_space<hbm>> -> memref<5008xf32, #tpu.memory_space<hbm>>
        tpu.wait_dma2 semaphore(%run_scoped3A : memref<!tpu.dma_semaphore, #tpu.memory_space<semaphore_mem>>) src(%dma_wait3A_193 : memref<5008xf32, #tpu.memory_space<hbm>>) dst(%arg23 : memref<5008xf32, #tpu.memory_space<vmem>>)
        tpu.yield
      }) : () -> ()
    } else {
    }
    %eq3A_45 = arith.constant 3 : i32
    %eq3A_46 = arith.cmpi eq, %select_n3A_28, %eq3A_45 : i32
    %and3A_47 = arith.andi %lt3A_30, %eq3A_46 : i1
    %convert_element_type3A_48 = arith.extui %and3A_47 : i1 to i32
    %cond3A_49 = arith.constant 0 : i32
    %cond3A_50 = arith.cmpi ne, %convert_element_type3A_48, %cond3A_49 : i32
    scf.if %cond3A_50 {
      "tpu.region"() ({
        %run_scoped3A = tpu.sem_alloc : memref<!tpu.dma_semaphore, #tpu.memory_space<semaphore_mem>>
        %dma_start3A = arith.constant 0 : i32
        %dma_start3A_248 = tpu.memref_slice %arg17[%dma_start3A] : memref<5008xf32, #tpu.memory_space<vmem>> -> memref<4976xf32, #tpu.memory_space<vmem>>
        %dma_start3A_249 = tpu.memref_slice %arg2[%multiple_of3A_40] : memref<160000xf32, #tpu.memory_space<hbm>> -> memref<4976xf32, #tpu.memory_space<hbm>>
        %dma_start3A_250 = arith.constant 0 : i32
        %dma_start3A_251 = tpu.memref_slice %arg17[%dma_start3A_250] : memref<5008xf32, #tpu.memory_space<vmem>> -> memref<4976xf32, #tpu.memory_space<vmem>>
        %dma_start3A_252 = tpu.memref_slice %arg2[%multiple_of3A_40] : memref<160000xf32, #tpu.memory_space<hbm>> -> memref<4976xf32, #tpu.memory_space<hbm>>
        tpu.enqueue_dma source(%dma_start3A_252 : memref<4976xf32, #tpu.memory_space<hbm>>) target(%dma_start3A_251 : memref<4976xf32, #tpu.memory_space<vmem>>) target_semaphore(%run_scoped3A : memref<!tpu.dma_semaphore, #tpu.memory_space<semaphore_mem>>)
        %dma_wait3A = arith.constant 0 : i32
        %dma_wait3A_253 = tpu.memref_slice %arg17[%dma_wait3A] : memref<5008xf32, #tpu.memory_space<vmem>> -> memref<4976xf32, #tpu.memory_space<vmem>>
        %dma_wait3A_254 = tpu.memref_slice %arg2[%multiple_of3A_40] : memref<160000xf32, #tpu.memory_space<hbm>> -> memref<4976xf32, #tpu.memory_space<hbm>>
        %dma_wait3A_255 = arith.constant 0 : i32
        %dma_wait3A_256 = tpu.memref_slice %arg17[%dma_wait3A_255] : memref<5008xf32, #tpu.memory_space<vmem>> -> memref<4976xf32, #tpu.memory_space<vmem>>
        %dma_wait3A_257 = tpu.memref_slice %arg2[%multiple_of3A_40] : memref<160000xf32, #tpu.memory_space<hbm>> -> memref<4976xf32, #tpu.memory_space<hbm>>
        tpu.wait_dma2 semaphore(%run_scoped3A : memref<!tpu.dma_semaphore, #tpu.memory_space<semaphore_mem>>) src(%dma_wait3A_257 : memref<4976xf32, #tpu.memory_space<hbm>>) dst(%dma_wait3A_256 : memref<4976xf32, #tpu.memory_space<vmem>>)
        tpu.yield
      }) : () -> ()
      "tpu.region"() ({
        %run_scoped3A = tpu.sem_alloc : memref<!tpu.dma_semaphore, #tpu.memory_space<semaphore_mem>>
        %dma_start3A = arith.constant 0 : i32
        %dma_start3A_248 = tpu.memref_slice %arg18[%dma_start3A] : memref<5008xi32, #tpu.memory_space<vmem>> -> memref<4976xi32, #tpu.memory_space<vmem>>
        %dma_start3A_249 = tpu.memref_slice %arg3[%multiple_of3A_40] : memref<160000xi32, #tpu.memory_space<hbm>> -> memref<4976xi32, #tpu.memory_space<hbm>>
        %dma_start3A_250 = arith.constant 0 : i32
        %dma_start3A_251 = tpu.memref_slice %arg18[%dma_start3A_250] : memref<5008xi32, #tpu.memory_space<vmem>> -> memref<4976xi32, #tpu.memory_space<vmem>>
        %dma_start3A_252 = tpu.memref_slice %arg3[%multiple_of3A_40] : memref<160000xi32, #tpu.memory_space<hbm>> -> memref<4976xi32, #tpu.memory_space<hbm>>
        tpu.enqueue_dma source(%dma_start3A_252 : memref<4976xi32, #tpu.memory_space<hbm>>) target(%dma_start3A_251 : memref<4976xi32, #tpu.memory_space<vmem>>) target_semaphore(%run_scoped3A : memref<!tpu.dma_semaphore, #tpu.memory_space<semaphore_mem>>)
        %dma_wait3A = arith.constant 0 : i32
        %dma_wait3A_253 = tpu.memref_slice %arg18[%dma_wait3A] : memref<5008xi32, #tpu.memory_space<vmem>> -> memref<4976xi32, #tpu.memory_space<vmem>>
        %dma_wait3A_254 = tpu.memref_slice %arg3[%multiple_of3A_40] : memref<160000xi32, #tpu.memory_space<hbm>> -> memref<4976xi32, #tpu.memory_space<hbm>>
        %dma_wait3A_255 = arith.constant 0 : i32
        %dma_wait3A_256 = tpu.memref_slice %arg18[%dma_wait3A_255] : memref<5008xi32, #tpu.memory_space<vmem>> -> memref<4976xi32, #tpu.memory_space<vmem>>
        %dma_wait3A_257 = tpu.memref_slice %arg3[%multiple_of3A_40] : memref<160000xi32, #tpu.memory_space<hbm>> -> memref<4976xi32, #tpu.memory_space<hbm>>
        tpu.wait_dma2 semaphore(%run_scoped3A : memref<!tpu.dma_semaphore, #tpu.memory_space<semaphore_mem>>) src(%dma_wait3A_257 : memref<4976xi32, #tpu.memory_space<hbm>>) dst(%dma_wait3A_256 : memref<4976xi32, #tpu.memory_space<vmem>>)
        tpu.yield
      }) : () -> ()
      "tpu.region"() ({
        %run_scoped3A = tpu.sem_alloc : memref<!tpu.dma_semaphore, #tpu.memory_space<semaphore_mem>>
        %dma_start3A = arith.constant 0 : i32
        %dma_start3A_248 = tpu.memref_slice %arg19[%dma_start3A] : memref<5008xf32, #tpu.memory_space<vmem>> -> memref<4976xf32, #tpu.memory_space<vmem>>
        %dma_start3A_249 = tpu.memref_slice %arg4[%multiple_of3A_40] : memref<160000xf32, #tpu.memory_space<hbm>> -> memref<4976xf32, #tpu.memory_space<hbm>>
        %dma_start3A_250 = arith.constant 0 : i32
        %dma_start3A_251 = tpu.memref_slice %arg19[%dma_start3A_250] : memref<5008xf32, #tpu.memory_space<vmem>> -> memref<4976xf32, #tpu.memory_space<vmem>>
        %dma_start3A_252 = tpu.memref_slice %arg4[%multiple_of3A_40] : memref<160000xf32, #tpu.memory_space<hbm>> -> memref<4976xf32, #tpu.memory_space<hbm>>
        tpu.enqueue_dma source(%dma_start3A_252 : memref<4976xf32, #tpu.memory_space<hbm>>) target(%dma_start3A_251 : memref<4976xf32, #tpu.memory_space<vmem>>) target_semaphore(%run_scoped3A : memref<!tpu.dma_semaphore, #tpu.memory_space<semaphore_mem>>)
        %dma_wait3A = arith.constant 0 : i32
        %dma_wait3A_253 = tpu.memref_slice %arg19[%dma_wait3A] : memref<5008xf32, #tpu.memory_space<vmem>> -> memref<4976xf32, #tpu.memory_space<vmem>>
        %dma_wait3A_254 = tpu.memref_slice %arg4[%multiple_of3A_40] : memref<160000xf32, #tpu.memory_space<hbm>> -> memref<4976xf32, #tpu.memory_space<hbm>>
        %dma_wait3A_255 = arith.constant 0 : i32
        %dma_wait3A_256 = tpu.memref_slice %arg19[%dma_wait3A_255] : memref<5008xf32, #tpu.memory_space<vmem>> -> memref<4976xf32, #tpu.memory_space<vmem>>
        %dma_wait3A_257 = tpu.memref_slice %arg4[%multiple_of3A_40] : memref<160000xf32, #tpu.memory_space<hbm>> -> memref<4976xf32, #tpu.memory_space<hbm>>
        tpu.wait_dma2 semaphore(%run_scoped3A : memref<!tpu.dma_semaphore, #tpu.memory_space<semaphore_mem>>) src(%dma_wait3A_257 : memref<4976xf32, #tpu.memory_space<hbm>>) dst(%dma_wait3A_256 : memref<4976xf32, #tpu.memory_space<vmem>>)
        tpu.yield
      }) : () -> ()
      "tpu.region"() ({
        %run_scoped3A = tpu.sem_alloc : memref<!tpu.dma_semaphore, #tpu.memory_space<semaphore_mem>>
        %dma_start3A = arith.constant 0 : i32
        %dma_start3A_248 = tpu.memref_slice %arg20[%dma_start3A] : memref<5008xf32, #tpu.memory_space<vmem>> -> memref<4976xf32, #tpu.memory_space<vmem>>
        %dma_start3A_249 = tpu.memref_slice %arg5[%multiple_of3A_40] : memref<160000xf32, #tpu.memory_space<hbm>> -> memref<4976xf32, #tpu.memory_space<hbm>>
        %dma_start3A_250 = arith.constant 0 : i32
        %dma_start3A_251 = tpu.memref_slice %arg20[%dma_start3A_250] : memref<5008xf32, #tpu.memory_space<vmem>> -> memref<4976xf32, #tpu.memory_space<vmem>>
        %dma_start3A_252 = tpu.memref_slice %arg5[%multiple_of3A_40] : memref<160000xf32, #tpu.memory_space<hbm>> -> memref<4976xf32, #tpu.memory_space<hbm>>
        tpu.enqueue_dma source(%dma_start3A_252 : memref<4976xf32, #tpu.memory_space<hbm>>) target(%dma_start3A_251 : memref<4976xf32, #tpu.memory_space<vmem>>) target_semaphore(%run_scoped3A : memref<!tpu.dma_semaphore, #tpu.memory_space<semaphore_mem>>)
        %dma_wait3A = arith.constant 0 : i32
        %dma_wait3A_253 = tpu.memref_slice %arg20[%dma_wait3A] : memref<5008xf32, #tpu.memory_space<vmem>> -> memref<4976xf32, #tpu.memory_space<vmem>>
        %dma_wait3A_254 = tpu.memref_slice %arg5[%multiple_of3A_40] : memref<160000xf32, #tpu.memory_space<hbm>> -> memref<4976xf32, #tpu.memory_space<hbm>>
        %dma_wait3A_255 = arith.constant 0 : i32
        %dma_wait3A_256 = tpu.memref_slice %arg20[%dma_wait3A_255] : memref<5008xf32, #tpu.memory_space<vmem>> -> memref<4976xf32, #tpu.memory_space<vmem>>
        %dma_wait3A_257 = tpu.memref_slice %arg5[%multiple_of3A_40] : memref<160000xf32, #tpu.memory_space<hbm>> -> memref<4976xf32, #tpu.memory_space<hbm>>
        tpu.wait_dma2 semaphore(%run_scoped3A : memref<!tpu.dma_semaphore, #tpu.memory_space<semaphore_mem>>) src(%dma_wait3A_257 : memref<4976xf32, #tpu.memory_space<hbm>>) dst(%dma_wait3A_256 : memref<4976xf32, #tpu.memory_space<vmem>>)
        tpu.yield
      }) : () -> ()
      "tpu.region"() ({
        %run_scoped3A = tpu.sem_alloc : memref<!tpu.dma_semaphore, #tpu.memory_space<semaphore_mem>>
        %dma_start3A = arith.constant 0 : i32
        %dma_start3A_248 = tpu.memref_slice %arg21[%dma_start3A] : memref<5008xf32, #tpu.memory_space<vmem>> -> memref<4976xf32, #tpu.memory_space<vmem>>
        %dma_start3A_249 = tpu.memref_slice %arg6[%multiple_of3A_40] : memref<160000xf32, #tpu.memory_space<hbm>> -> memref<4976xf32, #tpu.memory_space<hbm>>
        %dma_start3A_250 = arith.constant 0 : i32
        %dma_start3A_251 = tpu.memref_slice %arg21[%dma_start3A_250] : memref<5008xf32, #tpu.memory_space<vmem>> -> memref<4976xf32, #tpu.memory_space<vmem>>
        %dma_start3A_252 = tpu.memref_slice %arg6[%multiple_of3A_40] : memref<160000xf32, #tpu.memory_space<hbm>> -> memref<4976xf32, #tpu.memory_space<hbm>>
        tpu.enqueue_dma source(%dma_start3A_252 : memref<4976xf32, #tpu.memory_space<hbm>>) target(%dma_start3A_251 : memref<4976xf32, #tpu.memory_space<vmem>>) target_semaphore(%run_scoped3A : memref<!tpu.dma_semaphore, #tpu.memory_space<semaphore_mem>>)
        %dma_wait3A = arith.constant 0 : i32
        %dma_wait3A_253 = tpu.memref_slice %arg21[%dma_wait3A] : memref<5008xf32, #tpu.memory_space<vmem>> -> memref<4976xf32, #tpu.memory_space<vmem>>
        %dma_wait3A_254 = tpu.memref_slice %arg6[%multiple_of3A_40] : memref<160000xf32, #tpu.memory_space<hbm>> -> memref<4976xf32, #tpu.memory_space<hbm>>
        %dma_wait3A_255 = arith.constant 0 : i32
        %dma_wait3A_256 = tpu.memref_slice %arg21[%dma_wait3A_255] : memref<5008xf32, #tpu.memory_space<vmem>> -> memref<4976xf32, #tpu.memory_space<vmem>>
        %dma_wait3A_257 = tpu.memref_slice %arg6[%multiple_of3A_40] : memref<160000xf32, #tpu.memory_space<hbm>> -> memref<4976xf32, #tpu.memory_space<hbm>>
        tpu.wait_dma2 semaphore(%run_scoped3A : memref<!tpu.dma_semaphore, #tpu.memory_space<semaphore_mem>>) src(%dma_wait3A_257 : memref<4976xf32, #tpu.memory_space<hbm>>) dst(%dma_wait3A_256 : memref<4976xf32, #tpu.memory_space<vmem>>)
        tpu.yield
      }) : () -> ()
      "tpu.region"() ({
        %run_scoped3A = tpu.sem_alloc : memref<!tpu.dma_semaphore, #tpu.memory_space<semaphore_mem>>
        %dma_start3A = arith.constant 0 : i32
        %dma_start3A_248 = tpu.memref_slice %arg22[%dma_start3A] : memref<5008xf32, #tpu.memory_space<vmem>> -> memref<4976xf32, #tpu.memory_space<vmem>>
        %dma_start3A_249 = tpu.memref_slice %arg7[%multiple_of3A_40] : memref<160000xf32, #tpu.memory_space<hbm>> -> memref<4976xf32, #tpu.memory_space<hbm>>
        %dma_start3A_250 = arith.constant 0 : i32
        %dma_start3A_251 = tpu.memref_slice %arg22[%dma_start3A_250] : memref<5008xf32, #tpu.memory_space<vmem>> -> memref<4976xf32, #tpu.memory_space<vmem>>
        %dma_start3A_252 = tpu.memref_slice %arg7[%multiple_of3A_40] : memref<160000xf32, #tpu.memory_space<hbm>> -> memref<4976xf32, #tpu.memory_space<hbm>>
        tpu.enqueue_dma source(%dma_start3A_252 : memref<4976xf32, #tpu.memory_space<hbm>>) target(%dma_start3A_251 : memref<4976xf32, #tpu.memory_space<vmem>>) target_semaphore(%run_scoped3A : memref<!tpu.dma_semaphore, #tpu.memory_space<semaphore_mem>>)
        %dma_wait3A = arith.constant 0 : i32
        %dma_wait3A_253 = tpu.memref_slice %arg22[%dma_wait3A] : memref<5008xf32, #tpu.memory_space<vmem>> -> memref<4976xf32, #tpu.memory_space<vmem>>
        %dma_wait3A_254 = tpu.memref_slice %arg7[%multiple_of3A_40] : memref<160000xf32, #tpu.memory_space<hbm>> -> memref<4976xf32, #tpu.memory_space<hbm>>
        %dma_wait3A_255 = arith.constant 0 : i32
        %dma_wait3A_256 = tpu.memref_slice %arg22[%dma_wait3A_255] : memref<5008xf32, #tpu.memory_space<vmem>> -> memref<4976xf32, #tpu.memory_space<vmem>>
        %dma_wait3A_257 = tpu.memref_slice %arg7[%multiple_of3A_40] : memref<160000xf32, #tpu.memory_space<hbm>> -> memref<4976xf32, #tpu.memory_space<hbm>>
        tpu.wait_dma2 semaphore(%run_scoped3A : memref<!tpu.dma_semaphore, #tpu.memory_space<semaphore_mem>>) src(%dma_wait3A_257 : memref<4976xf32, #tpu.memory_space<hbm>>) dst(%dma_wait3A_256 : memref<4976xf32, #tpu.memory_space<vmem>>)
        tpu.yield
      }) : () -> ()
      "tpu.region"() ({
        %run_scoped3A = tpu.sem_alloc : memref<!tpu.dma_semaphore, #tpu.memory_space<semaphore_mem>>
        %dma_start3A = arith.constant 0 : i32
        %dma_start3A_248 = tpu.memref_slice %arg23[%dma_start3A] : memref<5008xf32, #tpu.memory_space<vmem>> -> memref<4976xf32, #tpu.memory_space<vmem>>
        %dma_start3A_249 = tpu.memref_slice %arg8[%multiple_of3A_40] : memref<160000xf32, #tpu.memory_space<hbm>> -> memref<4976xf32, #tpu.memory_space<hbm>>
        %dma_start3A_250 = arith.constant 0 : i32
        %dma_start3A_251 = tpu.memref_slice %arg23[%dma_start3A_250] : memref<5008xf32, #tpu.memory_space<vmem>> -> memref<4976xf32, #tpu.memory_space<vmem>>
        %dma_start3A_252 = tpu.memref_slice %arg8[%multiple_of3A_40] : memref<160000xf32, #tpu.memory_space<hbm>> -> memref<4976xf32, #tpu.memory_space<hbm>>
        tpu.enqueue_dma source(%dma_start3A_252 : memref<4976xf32, #tpu.memory_space<hbm>>) target(%dma_start3A_251 : memref<4976xf32, #tpu.memory_space<vmem>>) target_semaphore(%run_scoped3A : memref<!tpu.dma_semaphore, #tpu.memory_space<semaphore_mem>>)
        %dma_wait3A = arith.constant 0 : i32
        %dma_wait3A_253 = tpu.memref_slice %arg23[%dma_wait3A] : memref<5008xf32, #tpu.memory_space<vmem>> -> memref<4976xf32, #tpu.memory_space<vmem>>
        %dma_wait3A_254 = tpu.memref_slice %arg8[%multiple_of3A_40] : memref<160000xf32, #tpu.memory_space<hbm>> -> memref<4976xf32, #tpu.memory_space<hbm>>
        %dma_wait3A_255 = arith.constant 0 : i32
        %dma_wait3A_256 = tpu.memref_slice %arg23[%dma_wait3A_255] : memref<5008xf32, #tpu.memory_space<vmem>> -> memref<4976xf32, #tpu.memory_space<vmem>>
        %dma_wait3A_257 = tpu.memref_slice %arg8[%multiple_of3A_40] : memref<160000xf32, #tpu.memory_space<hbm>> -> memref<4976xf32, #tpu.memory_space<hbm>>
        tpu.wait_dma2 semaphore(%run_scoped3A : memref<!tpu.dma_semaphore, #tpu.memory_space<semaphore_mem>>) src(%dma_wait3A_257 : memref<4976xf32, #tpu.memory_space<hbm>>) dst(%dma_wait3A_256 : memref<4976xf32, #tpu.memory_space<vmem>>)
        tpu.yield
      }) : () -> ()
      %broadcast_in_dim3A_192 = arith.constant -1.000000e+00 : f32
      %broadcast_in_dim3A_193 = vector.broadcast %broadcast_in_dim3A_192 : f32 to vector<16xf32>
      %swap3A_194 = arith.constant 4976 : index
      %swap3A_195 = tpu.vector_load %arg17[%swap3A_194] {strides = array<i32>} : memref<5008xf32, #tpu.memory_space<vmem>>, vector<16xf32>,
      tpu.vector_store %arg17[%swap3A_194], %broadcast_in_dim3A_193 {strides = array<i32>} : memref<5008xf32, #tpu.memory_space<vmem>>, vector<16xf32>,
      %broadcast_in_dim3A_196 = arith.constant 0 : i32
      %broadcast_in_dim3A_197 = vector.broadcast %broadcast_in_dim3A_196 : i32 to vector<16xi32>
      %swap3A_198 = arith.constant 4976 : index
      %swap3A_199 = tpu.vector_load %arg18[%swap3A_198] {strides = array<i32>} : memref<5008xi32, #tpu.memory_space<vmem>>, vector<16xi32>,
      tpu.vector_store %arg18[%swap3A_198], %broadcast_in_dim3A_197 {strides = array<i32>} : memref<5008xi32, #tpu.memory_space<vmem>>, vector<16xi32>,
      %broadcast_in_dim3A_200 = arith.constant 0.000000e+00 : f32
      %broadcast_in_dim3A_201 = vector.broadcast %broadcast_in_dim3A_200 : f32 to vector<16xf32>
      %swap3A_202 = arith.constant 4976 : index
      %swap3A_203 = tpu.vector_load %arg19[%swap3A_202] {strides = array<i32>} : memref<5008xf32, #tpu.memory_space<vmem>>, vector<16xf32>,
      tpu.vector_store %arg19[%swap3A_202], %broadcast_in_dim3A_201 {strides = array<i32>} : memref<5008xf32, #tpu.memory_space<vmem>>, vector<16xf32>,
      %broadcast_in_dim3A_204 = arith.constant 0.000000e+00 : f32
      %broadcast_in_dim3A_205 = vector.broadcast %broadcast_in_dim3A_204 : f32 to vector<16xf32>
      %swap3A_206 = arith.constant 4976 : index
      %swap3A_207 = tpu.vector_load %arg20[%swap3A_206] {strides = array<i32>} : memref<5008xf32, #tpu.memory_space<vmem>>, vector<16xf32>,
      tpu.vector_store %arg20[%swap3A_206], %broadcast_in_dim3A_205 {strides = array<i32>} : memref<5008xf32, #tpu.memory_space<vmem>>, vector<16xf32>,
      %broadcast_in_dim3A_208 = arith.constant 0.000000e+00 : f32
      %broadcast_in_dim3A_209 = vector.broadcast %broadcast_in_dim3A_208 : f32 to vector<16xf32>
      %swap3A_210 = arith.constant 4976 : index
      %swap3A_211 = tpu.vector_load %arg21[%swap3A_210] {strides = array<i32>} : memref<5008xf32, #tpu.memory_space<vmem>>, vector<16xf32>,
      tpu.vector_store %arg21[%swap3A_210], %broadcast_in_dim3A_209 {strides = array<i32>} : memref<5008xf32, #tpu.memory_space<vmem>>, vector<16xf32>,
      %broadcast_in_dim3A_212 = arith.constant 0.000000e+00 : f32
      %broadcast_in_dim3A_213 = vector.broadcast %broadcast_in_dim3A_212 : f32 to vector<16xf32>
      %swap3A_214 = arith.constant 4976 : index
      %swap3A_215 = tpu.vector_load %arg22[%swap3A_214] {strides = array<i32>} : memref<5008xf32, #tpu.memory_space<vmem>>, vector<16xf32>,
      tpu.vector_store %arg22[%swap3A_214], %broadcast_in_dim3A_213 {strides = array<i32>} : memref<5008xf32, #tpu.memory_space<vmem>>, vector<16xf32>,
      %broadcast_in_dim3A_216 = arith.constant 0.000000e+00 : f32
      %broadcast_in_dim3A_217 = vector.broadcast %broadcast_in_dim3A_216 : f32 to vector<16xf32>
      %swap3A_218 = arith.constant 4976 : index
      %swap3A_219 = tpu.vector_load %arg23[%swap3A_218] {strides = array<i32>} : memref<5008xf32, #tpu.memory_space<vmem>>, vector<16xf32>,
      tpu.vector_store %arg23[%swap3A_218], %broadcast_in_dim3A_217 {strides = array<i32>} : memref<5008xf32, #tpu.memory_space<vmem>>, vector<16xf32>,
      %broadcast_in_dim3A_220 = arith.constant -1.000000e+00 : f32
      %broadcast_in_dim3A_221 = vector.broadcast %broadcast_in_dim3A_220 : f32 to vector<16xf32>
      %swap3A_222 = arith.constant 4992 : index
      %swap3A_223 = tpu.vector_load %arg17[%swap3A_222] {strides = array<i32>} : memref<5008xf32, #tpu.memory_space<vmem>>, vector<16xf32>,
      tpu.vector_store %arg17[%swap3A_222], %broadcast_in_dim3A_221 {strides = array<i32>} : memref<5008xf32, #tpu.memory_space<vmem>>, vector<16xf32>,
      %broadcast_in_dim3A_224 = arith.constant 0 : i32
      %broadcast_in_dim3A_225 = vector.broadcast %broadcast_in_dim3A_224 : i32 to vector<16xi32>
      %swap3A_226 = arith.constant 4992 : index
      %swap3A_227 = tpu.vector_load %arg18[%swap3A_226] {strides = array<i32>} : memref<5008xi32, #tpu.memory_space<vmem>>, vector<16xi32>,
      tpu.vector_store %arg18[%swap3A_226], %broadcast_in_dim3A_225 {strides = array<i32>} : memref<5008xi32, #tpu.memory_space<vmem>>, vector<16xi32>,
      %broadcast_in_dim3A_228 = arith.constant 0.000000e+00 : f32
      %broadcast_in_dim3A_229 = vector.broadcast %broadcast_in_dim3A_228 : f32 to vector<16xf32>
      %swap3A_230 = arith.constant 4992 : index
      %swap3A_231 = tpu.vector_load %arg19[%swap3A_230] {strides = array<i32>} : memref<5008xf32, #tpu.memory_space<vmem>>, vector<16xf32>,
      tpu.vector_store %arg19[%swap3A_230], %broadcast_in_dim3A_229 {strides = array<i32>} : memref<5008xf32, #tpu.memory_space<vmem>>, vector<16xf32>,
      %broadcast_in_dim3A_232 = arith.constant 0.000000e+00 : f32
      %broadcast_in_dim3A_233 = vector.broadcast %broadcast_in_dim3A_232 : f32 to vector<16xf32>
      %swap3A_234 = arith.constant 4992 : index
      %swap3A_235 = tpu.vector_load %arg20[%swap3A_234] {strides = array<i32>} : memref<5008xf32, #tpu.memory_space<vmem>>, vector<16xf32>,
      tpu.vector_store %arg20[%swap3A_234], %broadcast_in_dim3A_233 {strides = array<i32>} : memref<5008xf32, #tpu.memory_space<vmem>>, vector<16xf32>,
      %broadcast_in_dim3A_236 = arith.constant 0.000000e+00 : f32
      %broadcast_in_dim3A_237 = vector.broadcast %broadcast_in_dim3A_236 : f32 to vector<16xf32>
      %swap3A_238 = arith.constant 4992 : index
      %swap3A_239 = tpu.vector_load %arg21[%swap3A_238] {strides = array<i32>} : memref<5008xf32, #tpu.memory_space<vmem>>, vector<16xf32>,
      tpu.vector_store %arg21[%swap3A_238], %broadcast_in_dim3A_237 {strides = array<i32>} : memref<5008xf32, #tpu.memory_space<vmem>>, vector<16xf32>,
      %broadcast_in_dim3A_240 = arith.constant 0.000000e+00 : f32
      %broadcast_in_dim3A_241 = vector.broadcast %broadcast_in_dim3A_240 : f32 to vector<16xf32>
      %swap3A_242 = arith.constant 4992 : index
      %swap3A_243 = tpu.vector_load %arg22[%swap3A_242] {strides = array<i32>} : memref<5008xf32, #tpu.memory_space<vmem>>, vector<16xf32>,
      tpu.vector_store %arg22[%swap3A_242], %broadcast_in_dim3A_241 {strides = array<i32>} : memref<5008xf32, #tpu.memory_space<vmem>>, vector<16xf32>,
      %broadcast_in_dim3A_244 = arith.constant 0.000000e+00 : f32
      %broadcast_in_dim3A_245 = vector.broadcast %broadcast_in_dim3A_244 : f32 to vector<16xf32>
      %swap3A_246 = arith.constant 4992 : index
      %swap3A_247 = tpu.vector_load %arg23[%swap3A_246] {strides = array<i32>} : memref<5008xf32, #tpu.memory_space<vmem>>, vector<16xf32>,
      tpu.vector_store %arg23[%swap3A_246], %broadcast_in_dim3A_245 {strides = array<i32>} : memref<5008xf32, #tpu.memory_space<vmem>>, vector<16xf32>,
    } else {
    }
    %not3A = arith.constant true
    %not3A_51 = arith.xori %lt3A_30, %not3A : i1
    %convert_element_type3A_52 = arith.extui %not3A_51 : i1 to i32
    %cond3A_53 = arith.constant 0 : i32
    %cond3A_54 = arith.cmpi ne, %convert_element_type3A_52, %cond3A_53 : i32
    scf.if %cond3A_54 {
      %scan3A_192 = arith.constant 0 : i32
      %scan3A_193 = arith.constant 0 : i32
      %scan3A_194 = arith.constant 313 : i32
      %scan3A_195 = arith.addi %scan3A_193, %scan3A_194 : i32
      %scan3A_196 = arith.constant 1 : i32
      scf.for %scan3A_198 = %scan3A_193 to %scan3A_195 step %scan3A_196  : i32 {
        %broadcast_in_dim3A_199 = arith.constant -1.000000e+00 : f32
        %broadcast_in_dim3A_200 = vector.broadcast %broadcast_in_dim3A_199 : f32 to vector<16xf32>
        %mul3A_201 = arith.constant 16 : i32
        %mul3A_202 = arith.muli %scan3A_198, %mul3A_201 : i32
        %swap3A_203 = arith.index_cast %mul3A_202 : i32 to index
        %swap3A_204 = tpu.vector_load %arg17[%swap3A_203] {strides = array<i32>} : memref<5008xf32, #tpu.memory_space<vmem>>, vector<16xf32>,
        tpu.vector_store %arg17[%swap3A_203], %broadcast_in_dim3A_200 {strides = array<i32>} : memref<5008xf32, #tpu.memory_space<vmem>>, vector<16xf32>,
        %broadcast_in_dim3A_205 = arith.constant 0.000000e+00 : f32
        %broadcast_in_dim3A_206 = vector.broadcast %broadcast_in_dim3A_205 : f32 to vector<16xf32>
        %mul3A_207 = arith.constant 16 : i32
        %mul3A_208 = arith.muli %scan3A_198, %mul3A_207 : i32
        %swap3A_209 = arith.index_cast %mul3A_208 : i32 to index
        %swap3A_210 = tpu.vector_load %arg19[%swap3A_209] {strides = array<i32>} : memref<5008xf32, #tpu.memory_space<vmem>>, vector<16xf32>,
        tpu.vector_store %arg19[%swap3A_209], %broadcast_in_dim3A_206 {strides = array<i32>} : memref<5008xf32, #tpu.memory_space<vmem>>, vector<16xf32>,
        %broadcast_in_dim3A_211 = arith.constant 0.000000e+00 : f32
        %broadcast_in_dim3A_212 = vector.broadcast %broadcast_in_dim3A_211 : f32 to vector<16xf32>
        %mul3A_213 = arith.constant 16 : i32
        %mul3A_214 = arith.muli %scan3A_198, %mul3A_213 : i32
        %swap3A_215 = arith.index_cast %mul3A_214 : i32 to index
        %swap3A_216 = tpu.vector_load %arg20[%swap3A_215] {strides = array<i32>} : memref<5008xf32, #tpu.memory_space<vmem>>, vector<16xf32>,
        tpu.vector_store %arg20[%swap3A_215], %broadcast_in_dim3A_212 {strides = array<i32>} : memref<5008xf32, #tpu.memory_space<vmem>>, vector<16xf32>,
        %broadcast_in_dim3A_217 = arith.constant 0.000000e+00 : f32
        %broadcast_in_dim3A_218 = vector.broadcast %broadcast_in_dim3A_217 : f32 to vector<16xf32>
        %mul3A_219 = arith.constant 16 : i32
        %mul3A_220 = arith.muli %scan3A_198, %mul3A_219 : i32
        %swap3A_221 = arith.index_cast %mul3A_220 : i32 to index
        %swap3A_222 = tpu.vector_load %arg21[%swap3A_221] {strides = array<i32>} : memref<5008xf32, #tpu.memory_space<vmem>>, vector<16xf32>,
        tpu.vector_store %arg21[%swap3A_221], %broadcast_in_dim3A_218 {strides = array<i32>} : memref<5008xf32, #tpu.memory_space<vmem>>, vector<16xf32>,
        %broadcast_in_dim3A_223 = arith.constant 0.000000e+00 : f32
        %broadcast_in_dim3A_224 = vector.broadcast %broadcast_in_dim3A_223 : f32 to vector<16xf32>
        %mul3A_225 = arith.constant 16 : i32
        %mul3A_226 = arith.muli %scan3A_198, %mul3A_225 : i32
        %swap3A_227 = arith.index_cast %mul3A_226 : i32 to index
        %swap3A_228 = tpu.vector_load %arg22[%swap3A_227] {strides = array<i32>} : memref<5008xf32, #tpu.memory_space<vmem>>, vector<16xf32>,
        tpu.vector_store %arg22[%swap3A_227], %broadcast_in_dim3A_224 {strides = array<i32>} : memref<5008xf32, #tpu.memory_space<vmem>>, vector<16xf32>,
        %broadcast_in_dim3A_229 = arith.constant 0.000000e+00 : f32
        %broadcast_in_dim3A_230 = vector.broadcast %broadcast_in_dim3A_229 : f32 to vector<16xf32>
        %mul3A_231 = arith.constant 16 : i32
        %mul3A_232 = arith.muli %scan3A_198, %mul3A_231 : i32
        %swap3A_233 = arith.index_cast %mul3A_232 : i32 to index
        %swap3A_234 = tpu.vector_load %arg23[%swap3A_233] {strides = array<i32>} : memref<5008xf32, #tpu.memory_space<vmem>>, vector<16xf32>,
        tpu.vector_store %arg23[%swap3A_233], %broadcast_in_dim3A_230 {strides = array<i32>} : memref<5008xf32, #tpu.memory_space<vmem>>, vector<16xf32>,
        %broadcast_in_dim3A_235 = arith.constant 0 : i32
        %broadcast_in_dim3A_236 = vector.broadcast %broadcast_in_dim3A_235 : i32 to vector<16xi32>
        %mul3A_237 = arith.constant 16 : i32
        %mul3A_238 = arith.muli %scan3A_198, %mul3A_237 : i32
        %swap3A_239 = arith.index_cast %mul3A_238 : i32 to index
        %swap3A_240 = tpu.vector_load %arg18[%swap3A_239] {strides = array<i32>} : memref<5008xi32, #tpu.memory_space<vmem>>, vector<16xi32>,
        tpu.vector_store %arg18[%swap3A_239], %broadcast_in_dim3A_236 {strides = array<i32>} : memref<5008xi32, #tpu.memory_space<vmem>>, vector<16xi32>,
      }
      %scan3A_197 = arith.constant 313 : i32
    } else {
    }
    %iota3A = tpu.iota {dimensions = array<i32: 0>} : vector<16xi32>
    %eq3A_55 = arith.constant 0 : i32
    %eq3A_56 = vector.broadcast %eq3A_55 : i32 to vector<16xi32>
    %eq3A_57 = arith.cmpi eq, %iota3A, %eq3A_56 : vector<16xi32>
    %broadcast_in_dim3A = arith.constant 0.000000e+00 : f32
    %broadcast_in_dim3A_58 = vector.broadcast %broadcast_in_dim3A : f32 to vector<16xf32>
    %broadcast_in_dim3A_59 = arith.constant 0 : i32
    %broadcast_in_dim3A_60 = vector.broadcast %broadcast_in_dim3A_59 : i32 to vector<16xi32>
    %swap3A = arith.constant 0 : index
    %swap3A_61 = tpu.vector_load %arg24[%swap3A] {strides = array<i32>} : memref<112xi32, #tpu.memory_space<vmem>>, vector<16xi32>,
    tpu.vector_store %arg24[%swap3A], %broadcast_in_dim3A_60 {strides = array<i32>} : memref<112xi32, #tpu.memory_space<vmem>>, vector<16xi32>,
    %swap3A_62 = arith.constant 0 : index
    %swap3A_63 = tpu.vector_load %arg25[%swap3A_62] {strides = array<i32>} : memref<112xf32, #tpu.memory_space<vmem>>, vector<16xf32>,
    tpu.vector_store %arg25[%swap3A_62], %broadcast_in_dim3A_58 {strides = array<i32>} : memref<112xf32, #tpu.memory_space<vmem>>, vector<16xf32>,
    %swap3A_64 = arith.constant 0 : index
    %swap3A_65 = tpu.vector_load %arg26[%swap3A_64] {strides = array<i32>} : memref<112xf32, #tpu.memory_space<vmem>>, vector<16xf32>,
    tpu.vector_store %arg26[%swap3A_64], %broadcast_in_dim3A_58 {strides = array<i32>} : memref<112xf32, #tpu.memory_space<vmem>>, vector<16xf32>,
    %swap3A_66 = arith.constant 0 : index
    %swap3A_67 = tpu.vector_load %arg27[%swap3A_66] {strides = array<i32>} : memref<112xf32, #tpu.memory_space<vmem>>, vector<16xf32>,
    tpu.vector_store %arg27[%swap3A_66], %broadcast_in_dim3A_58 {strides = array<i32>} : memref<112xf32, #tpu.memory_space<vmem>>, vector<16xf32>,
    %swap3A_68 = arith.constant 0 : index
    %swap3A_69 = tpu.vector_load %arg28[%swap3A_68] {strides = array<i32>} : memref<112xf32, #tpu.memory_space<vmem>>, vector<16xf32>,
    tpu.vector_store %arg28[%swap3A_68], %broadcast_in_dim3A_58 {strides = array<i32>} : memref<112xf32, #tpu.memory_space<vmem>>, vector<16xf32>,
    %swap3A_70 = arith.constant 0 : index
    %swap3A_71 = tpu.vector_load %arg29[%swap3A_70] {strides = array<i32>} : memref<112xf32, #tpu.memory_space<vmem>>, vector<16xf32>,
    tpu.vector_store %arg29[%swap3A_70], %broadcast_in_dim3A_58 {strides = array<i32>} : memref<112xf32, #tpu.memory_space<vmem>>, vector<16xf32>,
    %swap3A_72 = arith.constant 0 : index
    %swap3A_73 = tpu.vector_load %arg30[%swap3A_72] {strides = array<i32>} : memref<112xf32, #tpu.memory_space<vmem>>, vector<16xf32>,
    tpu.vector_store %arg30[%swap3A_72], %broadcast_in_dim3A_58 {strides = array<i32>} : memref<112xf32, #tpu.memory_space<vmem>>, vector<16xf32>,
    %swap3A_74 = arith.constant 0 : index
    %swap3A_75 = tpu.vector_load %arg31[%swap3A_74] {strides = array<i32>} : memref<112xi32, #tpu.memory_space<vmem>>, vector<16xi32>,
    tpu.vector_store %arg31[%swap3A_74], %broadcast_in_dim3A_60 {strides = array<i32>} : memref<112xi32, #tpu.memory_space<vmem>>, vector<16xi32>,
    %swap3A_76 = arith.constant 16 : index
    %swap3A_77 = tpu.vector_load %arg24[%swap3A_76] {strides = array<i32>} : memref<112xi32, #tpu.memory_space<vmem>>, vector<16xi32>,
    tpu.vector_store %arg24[%swap3A_76], %broadcast_in_dim3A_60 {strides = array<i32>} : memref<112xi32, #tpu.memory_space<vmem>>, vector<16xi32>,
    %swap3A_78 = arith.constant 16 : index
    %swap3A_79 = tpu.vector_load %arg25[%swap3A_78] {strides = array<i32>} : memref<112xf32, #tpu.memory_space<vmem>>, vector<16xf32>,
    tpu.vector_store %arg25[%swap3A_78], %broadcast_in_dim3A_58 {strides = array<i32>} : memref<112xf32, #tpu.memory_space<vmem>>, vector<16xf32>,
    %swap3A_80 = arith.constant 16 : index
    %swap3A_81 = tpu.vector_load %arg26[%swap3A_80] {strides = array<i32>} : memref<112xf32, #tpu.memory_space<vmem>>, vector<16xf32>,
    tpu.vector_store %arg26[%swap3A_80], %broadcast_in_dim3A_58 {strides = array<i32>} : memref<112xf32, #tpu.memory_space<vmem>>, vector<16xf32>,
    %swap3A_82 = arith.constant 16 : index
    %swap3A_83 = tpu.vector_load %arg27[%swap3A_82] {strides = array<i32>} : memref<112xf32, #tpu.memory_space<vmem>>, vector<16xf32>,
    tpu.vector_store %arg27[%swap3A_82], %broadcast_in_dim3A_58 {strides = array<i32>} : memref<112xf32, #tpu.memory_space<vmem>>, vector<16xf32>,
    %swap3A_84 = arith.constant 16 : index
    %swap3A_85 = tpu.vector_load %arg28[%swap3A_84] {strides = array<i32>} : memref<112xf32, #tpu.memory_space<vmem>>, vector<16xf32>,
    tpu.vector_store %arg28[%swap3A_84], %broadcast_in_dim3A_58 {strides = array<i32>} : memref<112xf32, #tpu.memory_space<vmem>>, vector<16xf32>,
    %swap3A_86 = arith.constant 16 : index
    %swap3A_87 = tpu.vector_load %arg29[%swap3A_86] {strides = array<i32>} : memref<112xf32, #tpu.memory_space<vmem>>, vector<16xf32>,
    tpu.vector_store %arg29[%swap3A_86], %broadcast_in_dim3A_58 {strides = array<i32>} : memref<112xf32, #tpu.memory_space<vmem>>, vector<16xf32>,
    %swap3A_88 = arith.constant 16 : index
    %swap3A_89 = tpu.vector_load %arg30[%swap3A_88] {strides = array<i32>} : memref<112xf32, #tpu.memory_space<vmem>>, vector<16xf32>,
    tpu.vector_store %arg30[%swap3A_88], %broadcast_in_dim3A_58 {strides = array<i32>} : memref<112xf32, #tpu.memory_space<vmem>>, vector<16xf32>,
    %swap3A_90 = arith.constant 16 : index
    %swap3A_91 = tpu.vector_load %arg31[%swap3A_90] {strides = array<i32>} : memref<112xi32, #tpu.memory_space<vmem>>, vector<16xi32>,
    tpu.vector_store %arg31[%swap3A_90], %broadcast_in_dim3A_60 {strides = array<i32>} : memref<112xi32, #tpu.memory_space<vmem>>, vector<16xi32>,
    %swap3A_92 = arith.constant 32 : index
    %swap3A_93 = tpu.vector_load %arg24[%swap3A_92] {strides = array<i32>} : memref<112xi32, #tpu.memory_space<vmem>>, vector<16xi32>,
    tpu.vector_store %arg24[%swap3A_92], %broadcast_in_dim3A_60 {strides = array<i32>} : memref<112xi32, #tpu.memory_space<vmem>>, vector<16xi32>,
    %swap3A_94 = arith.constant 32 : index
    %swap3A_95 = tpu.vector_load %arg25[%swap3A_94] {strides = array<i32>} : memref<112xf32, #tpu.memory_space<vmem>>, vector<16xf32>,
    tpu.vector_store %arg25[%swap3A_94], %broadcast_in_dim3A_58 {strides = array<i32>} : memref<112xf32, #tpu.memory_space<vmem>>, vector<16xf32>,
    %swap3A_96 = arith.constant 32 : index
    %swap3A_97 = tpu.vector_load %arg26[%swap3A_96] {strides = array<i32>} : memref<112xf32, #tpu.memory_space<vmem>>, vector<16xf32>,
    tpu.vector_store %arg26[%swap3A_96], %broadcast_in_dim3A_58 {strides = array<i32>} : memref<112xf32, #tpu.memory_space<vmem>>, vector<16xf32>,
    %swap3A_98 = arith.constant 32 : index
    %swap3A_99 = tpu.vector_load %arg27[%swap3A_98] {strides = array<i32>} : memref<112xf32, #tpu.memory_space<vmem>>, vector<16xf32>,
    tpu.vector_store %arg27[%swap3A_98], %broadcast_in_dim3A_58 {strides = array<i32>} : memref<112xf32, #tpu.memory_space<vmem>>, vector<16xf32>,
    %swap3A_100 = arith.constant 32 : index
    %swap3A_101 = tpu.vector_load %arg28[%swap3A_100] {strides = array<i32>} : memref<112xf32, #tpu.memory_space<vmem>>, vector<16xf32>,
    tpu.vector_store %arg28[%swap3A_100], %broadcast_in_dim3A_58 {strides = array<i32>} : memref<112xf32, #tpu.memory_space<vmem>>, vector<16xf32>,
    %swap3A_102 = arith.constant 32 : index
    %swap3A_103 = tpu.vector_load %arg29[%swap3A_102] {strides = array<i32>} : memref<112xf32, #tpu.memory_space<vmem>>, vector<16xf32>,
    tpu.vector_store %arg29[%swap3A_102], %broadcast_in_dim3A_58 {strides = array<i32>} : memref<112xf32, #tpu.memory_space<vmem>>, vector<16xf32>,
    %swap3A_104 = arith.constant 32 : index
    %swap3A_105 = tpu.vector_load %arg30[%swap3A_104] {strides = array<i32>} : memref<112xf32, #tpu.memory_space<vmem>>, vector<16xf32>,
    tpu.vector_store %arg30[%swap3A_104], %broadcast_in_dim3A_58 {strides = array<i32>} : memref<112xf32, #tpu.memory_space<vmem>>, vector<16xf32>,
    %swap3A_106 = arith.constant 32 : index
    %swap3A_107 = tpu.vector_load %arg31[%swap3A_106] {strides = array<i32>} : memref<112xi32, #tpu.memory_space<vmem>>, vector<16xi32>,
    tpu.vector_store %arg31[%swap3A_106], %broadcast_in_dim3A_60 {strides = array<i32>} : memref<112xi32, #tpu.memory_space<vmem>>, vector<16xi32>,
    %swap3A_108 = arith.constant 48 : index
    %swap3A_109 = tpu.vector_load %arg24[%swap3A_108] {strides = array<i32>} : memref<112xi32, #tpu.memory_space<vmem>>, vector<16xi32>,
    tpu.vector_store %arg24[%swap3A_108], %broadcast_in_dim3A_60 {strides = array<i32>} : memref<112xi32, #tpu.memory_space<vmem>>, vector<16xi32>,
    %swap3A_110 = arith.constant 48 : index
    %swap3A_111 = tpu.vector_load %arg25[%swap3A_110] {strides = array<i32>} : memref<112xf32, #tpu.memory_space<vmem>>, vector<16xf32>,
    tpu.vector_store %arg25[%swap3A_110], %broadcast_in_dim3A_58 {strides = array<i32>} : memref<112xf32, #tpu.memory_space<vmem>>, vector<16xf32>,
    %swap3A_112 = arith.constant 48 : index
    %swap3A_113 = tpu.vector_load %arg26[%swap3A_112] {strides = array<i32>} : memref<112xf32, #tpu.memory_space<vmem>>, vector<16xf32>,
    tpu.vector_store %arg26[%swap3A_112], %broadcast_in_dim3A_58 {strides = array<i32>} : memref<112xf32, #tpu.memory_space<vmem>>, vector<16xf32>,
    %swap3A_114 = arith.constant 48 : index
    %swap3A_115 = tpu.vector_load %arg27[%swap3A_114] {strides = array<i32>} : memref<112xf32, #tpu.memory_space<vmem>>, vector<16xf32>,
    tpu.vector_store %arg27[%swap3A_114], %broadcast_in_dim3A_58 {strides = array<i32>} : memref<112xf32, #tpu.memory_space<vmem>>, vector<16xf32>,
    %swap3A_116 = arith.constant 48 : index
    %swap3A_117 = tpu.vector_load %arg28[%swap3A_116] {strides = array<i32>} : memref<112xf32, #tpu.memory_space<vmem>>, vector<16xf32>,
    tpu.vector_store %arg28[%swap3A_116], %broadcast_in_dim3A_58 {strides = array<i32>} : memref<112xf32, #tpu.memory_space<vmem>>, vector<16xf32>,
    %swap3A_118 = arith.constant 48 : index
    %swap3A_119 = tpu.vector_load %arg29[%swap3A_118] {strides = array<i32>} : memref<112xf32, #tpu.memory_space<vmem>>, vector<16xf32>,
    tpu.vector_store %arg29[%swap3A_118], %broadcast_in_dim3A_58 {strides = array<i32>} : memref<112xf32, #tpu.memory_space<vmem>>, vector<16xf32>,
    %swap3A_120 = arith.constant 48 : index
    %swap3A_121 = tpu.vector_load %arg30[%swap3A_120] {strides = array<i32>} : memref<112xf32, #tpu.memory_space<vmem>>, vector<16xf32>,
    tpu.vector_store %arg30[%swap3A_120], %broadcast_in_dim3A_58 {strides = array<i32>} : memref<112xf32, #tpu.memory_space<vmem>>, vector<16xf32>,
    %swap3A_122 = arith.constant 48 : index
    %swap3A_123 = tpu.vector_load %arg31[%swap3A_122] {strides = array<i32>} : memref<112xi32, #tpu.memory_space<vmem>>, vector<16xi32>,
    tpu.vector_store %arg31[%swap3A_122], %broadcast_in_dim3A_60 {strides = array<i32>} : memref<112xi32, #tpu.memory_space<vmem>>, vector<16xi32>,
    %swap3A_124 = arith.constant 64 : index
    %swap3A_125 = tpu.vector_load %arg24[%swap3A_124] {strides = array<i32>} : memref<112xi32, #tpu.memory_space<vmem>>, vector<16xi32>,
    tpu.vector_store %arg24[%swap3A_124], %broadcast_in_dim3A_60 {strides = array<i32>} : memref<112xi32, #tpu.memory_space<vmem>>, vector<16xi32>,
    %swap3A_126 = arith.constant 64 : index
    %swap3A_127 = tpu.vector_load %arg25[%swap3A_126] {strides = array<i32>} : memref<112xf32, #tpu.memory_space<vmem>>, vector<16xf32>,
    tpu.vector_store %arg25[%swap3A_126], %broadcast_in_dim3A_58 {strides = array<i32>} : memref<112xf32, #tpu.memory_space<vmem>>, vector<16xf32>,
    %swap3A_128 = arith.constant 64 : index
    %swap3A_129 = tpu.vector_load %arg26[%swap3A_128] {strides = array<i32>} : memref<112xf32, #tpu.memory_space<vmem>>, vector<16xf32>,
    tpu.vector_store %arg26[%swap3A_128], %broadcast_in_dim3A_58 {strides = array<i32>} : memref<112xf32, #tpu.memory_space<vmem>>, vector<16xf32>,
    %swap3A_130 = arith.constant 64 : index
    %swap3A_131 = tpu.vector_load %arg27[%swap3A_130] {strides = array<i32>} : memref<112xf32, #tpu.memory_space<vmem>>, vector<16xf32>,
    tpu.vector_store %arg27[%swap3A_130], %broadcast_in_dim3A_58 {strides = array<i32>} : memref<112xf32, #tpu.memory_space<vmem>>, vector<16xf32>,
    %swap3A_132 = arith.constant 64 : index
    %swap3A_133 = tpu.vector_load %arg28[%swap3A_132] {strides = array<i32>} : memref<112xf32, #tpu.memory_space<vmem>>, vector<16xf32>,
    tpu.vector_store %arg28[%swap3A_132], %broadcast_in_dim3A_58 {strides = array<i32>} : memref<112xf32, #tpu.memory_space<vmem>>, vector<16xf32>,
    %swap3A_134 = arith.constant 64 : index
    %swap3A_135 = tpu.vector_load %arg29[%swap3A_134] {strides = array<i32>} : memref<112xf32, #tpu.memory_space<vmem>>, vector<16xf32>,
    tpu.vector_store %arg29[%swap3A_134], %broadcast_in_dim3A_58 {strides = array<i32>} : memref<112xf32, #tpu.memory_space<vmem>>, vector<16xf32>,
    %swap3A_136 = arith.constant 64 : index
    %swap3A_137 = tpu.vector_load %arg30[%swap3A_136] {strides = array<i32>} : memref<112xf32, #tpu.memory_space<vmem>>, vector<16xf32>,
    tpu.vector_store %arg30[%swap3A_136], %broadcast_in_dim3A_58 {strides = array<i32>} : memref<112xf32, #tpu.memory_space<vmem>>, vector<16xf32>,
    %swap3A_138 = arith.constant 64 : index
    %swap3A_139 = tpu.vector_load %arg31[%swap3A_138] {strides = array<i32>} : memref<112xi32, #tpu.memory_space<vmem>>, vector<16xi32>,
    tpu.vector_store %arg31[%swap3A_138], %broadcast_in_dim3A_60 {strides = array<i32>} : memref<112xi32, #tpu.memory_space<vmem>>, vector<16xi32>,
    %swap3A_140 = arith.constant 80 : index
    %swap3A_141 = tpu.vector_load %arg24[%swap3A_140] {strides = array<i32>} : memref<112xi32, #tpu.memory_space<vmem>>, vector<16xi32>,
    tpu.vector_store %arg24[%swap3A_140], %broadcast_in_dim3A_60 {strides = array<i32>} : memref<112xi32, #tpu.memory_space<vmem>>, vector<16xi32>,
    %swap3A_142 = arith.constant 80 : index
    %swap3A_143 = tpu.vector_load %arg25[%swap3A_142] {strides = array<i32>} : memref<112xf32, #tpu.memory_space<vmem>>, vector<16xf32>,
    tpu.vector_store %arg25[%swap3A_142], %broadcast_in_dim3A_58 {strides = array<i32>} : memref<112xf32, #tpu.memory_space<vmem>>, vector<16xf32>,
    %swap3A_144 = arith.constant 80 : index
    %swap3A_145 = tpu.vector_load %arg26[%swap3A_144] {strides = array<i32>} : memref<112xf32, #tpu.memory_space<vmem>>, vector<16xf32>,
    tpu.vector_store %arg26[%swap3A_144], %broadcast_in_dim3A_58 {strides = array<i32>} : memref<112xf32, #tpu.memory_space<vmem>>, vector<16xf32>,
    %swap3A_146 = arith.constant 80 : index
    %swap3A_147 = tpu.vector_load %arg27[%swap3A_146] {strides = array<i32>} : memref<112xf32, #tpu.memory_space<vmem>>, vector<16xf32>,
    tpu.vector_store %arg27[%swap3A_146], %broadcast_in_dim3A_58 {strides = array<i32>} : memref<112xf32, #tpu.memory_space<vmem>>, vector<16xf32>,
    %swap3A_148 = arith.constant 80 : index
    %swap3A_149 = tpu.vector_load %arg28[%swap3A_148] {strides = array<i32>} : memref<112xf32, #tpu.memory_space<vmem>>, vector<16xf32>,
    tpu.vector_store %arg28[%swap3A_148], %broadcast_in_dim3A_58 {strides = array<i32>} : memref<112xf32, #tpu.memory_space<vmem>>, vector<16xf32>,
    %swap3A_150 = arith.constant 80 : index
    %swap3A_151 = tpu.vector_load %arg29[%swap3A_150] {strides = array<i32>} : memref<112xf32, #tpu.memory_space<vmem>>, vector<16xf32>,
    tpu.vector_store %arg29[%swap3A_150], %broadcast_in_dim3A_58 {strides = array<i32>} : memref<112xf32, #tpu.memory_space<vmem>>, vector<16xf32>,
    %swap3A_152 = arith.constant 80 : index
    %swap3A_153 = tpu.vector_load %arg30[%swap3A_152] {strides = array<i32>} : memref<112xf32, #tpu.memory_space<vmem>>, vector<16xf32>,
    tpu.vector_store %arg30[%swap3A_152], %broadcast_in_dim3A_58 {strides = array<i32>} : memref<112xf32, #tpu.memory_space<vmem>>, vector<16xf32>,
    %swap3A_154 = arith.constant 80 : index
    %swap3A_155 = tpu.vector_load %arg31[%swap3A_154] {strides = array<i32>} : memref<112xi32, #tpu.memory_space<vmem>>, vector<16xi32>,
    tpu.vector_store %arg31[%swap3A_154], %broadcast_in_dim3A_60 {strides = array<i32>} : memref<112xi32, #tpu.memory_space<vmem>>, vector<16xi32>,
    %swap3A_156 = arith.constant 96 : index
    %swap3A_157 = tpu.vector_load %arg24[%swap3A_156] {strides = array<i32>} : memref<112xi32, #tpu.memory_space<vmem>>, vector<16xi32>,
    tpu.vector_store %arg24[%swap3A_156], %broadcast_in_dim3A_60 {strides = array<i32>} : memref<112xi32, #tpu.memory_space<vmem>>, vector<16xi32>,
    %swap3A_158 = arith.constant 96 : index
    %swap3A_159 = tpu.vector_load %arg25[%swap3A_158] {strides = array<i32>} : memref<112xf32, #tpu.memory_space<vmem>>, vector<16xf32>,
    tpu.vector_store %arg25[%swap3A_158], %broadcast_in_dim3A_58 {strides = array<i32>} : memref<112xf32, #tpu.memory_space<vmem>>, vector<16xf32>,
    %swap3A_160 = arith.constant 96 : index
    %swap3A_161 = tpu.vector_load %arg26[%swap3A_160] {strides = array<i32>} : memref<112xf32, #tpu.memory_space<vmem>>, vector<16xf32>,
    tpu.vector_store %arg26[%swap3A_160], %broadcast_in_dim3A_58 {strides = array<i32>} : memref<112xf32, #tpu.memory_space<vmem>>, vector<16xf32>,
    %swap3A_162 = arith.constant 96 : index
    %swap3A_163 = tpu.vector_load %arg27[%swap3A_162] {strides = array<i32>} : memref<112xf32, #tpu.memory_space<vmem>>, vector<16xf32>,
    tpu.vector_store %arg27[%swap3A_162], %broadcast_in_dim3A_58 {strides = array<i32>} : memref<112xf32, #tpu.memory_space<vmem>>, vector<16xf32>,
    %swap3A_164 = arith.constant 96 : index
    %swap3A_165 = tpu.vector_load %arg28[%swap3A_164] {strides = array<i32>} : memref<112xf32, #tpu.memory_space<vmem>>, vector<16xf32>,
    tpu.vector_store %arg28[%swap3A_164], %broadcast_in_dim3A_58 {strides = array<i32>} : memref<112xf32, #tpu.memory_space<vmem>>, vector<16xf32>,
    %swap3A_166 = arith.constant 96 : index
    %swap3A_167 = tpu.vector_load %arg29[%swap3A_166] {strides = array<i32>} : memref<112xf32, #tpu.memory_space<vmem>>, vector<16xf32>,
    tpu.vector_store %arg29[%swap3A_166], %broadcast_in_dim3A_58 {strides = array<i32>} : memref<112xf32, #tpu.memory_space<vmem>>, vector<16xf32>,
    %swap3A_168 = arith.constant 96 : index
    %swap3A_169 = tpu.vector_load %arg30[%swap3A_168] {strides = array<i32>} : memref<112xf32, #tpu.memory_space<vmem>>, vector<16xf32>,
    tpu.vector_store %arg30[%swap3A_168], %broadcast_in_dim3A_58 {strides = array<i32>} : memref<112xf32, #tpu.memory_space<vmem>>, vector<16xf32>,
    %swap3A_170 = arith.constant 96 : index
    %swap3A_171 = tpu.vector_load %arg31[%swap3A_170] {strides = array<i32>} : memref<112xi32, #tpu.memory_space<vmem>>, vector<16xi32>,
    tpu.vector_store %arg31[%swap3A_170], %broadcast_in_dim3A_60 {strides = array<i32>} : memref<112xi32, #tpu.memory_space<vmem>>, vector<16xi32>,
    %broadcast_in_dim3A_172 = arith.constant -2.000000e+00 : f32
    %broadcast_in_dim3A_173 = vector.broadcast %broadcast_in_dim3A_172 : f32 to vector<16xf32>
    %broadcast_in_dim3A_174 = arith.constant 0 : i32
    %broadcast_in_dim3A_175 = vector.broadcast %broadcast_in_dim3A_174 : i32 to vector<16xi32>
    %parallel_loop3A = arith.constant 0 : i32
    %parallel_loop3A_176 = arith.constant 313 : i32
    %parallel_loop3A_177 = arith.constant 1 : i32
    %parallel_loop3A_178:2 = scf.for %parallel_loop3A_192 = %parallel_loop3A to %parallel_loop3A_176 step %parallel_loop3A_177 iter_args(%parallel_loop3A_193 = %broadcast_in_dim3A_173, %parallel_loop3A_194 = %broadcast_in_dim3A_175) -> (vector<16xf32>, vector<16xi32>)  : i32 {
      %parallel_loop3A_195 = arith.constant 16 : i32
      %parallel_loop3A_196 = arith.muli %parallel_loop3A_192, %parallel_loop3A_195 : i32
      %parallel_loop3A_197 = arith.index_cast %parallel_loop3A_196 : i32 to index
      %parallel_loop3A_198 = tpu.vector_load %arg17[%parallel_loop3A_197] {strides = array<i32>} : memref<5008xf32, #tpu.memory_space<vmem>>, vector<16xf32>,
      %parallel_loop3A_199 = arith.constant 16 : i32
      %parallel_loop3A_200 = arith.muli %parallel_loop3A_192, %parallel_loop3A_199 : i32
      %parallel_loop3A_201 = arith.addi %multiple_of3A, %parallel_loop3A_200 : i32
      %parallel_loop3A_202 = vector.broadcast %parallel_loop3A_201 : i32 to vector<16xi32>
      %parallel_loop3A_203 = arith.addi %iota3A, %parallel_loop3A_202 : vector<16xi32>
      %parallel_loop3A_204 = arith.cmpf ogt, %parallel_loop3A_198, %parallel_loop3A_193 : vector<16xf32>
      %parallel_loop3A_205 = arith.select %parallel_loop3A_204, %parallel_loop3A_198, %parallel_loop3A_193 : vector<16xi1>, vector<16xf32>
      %parallel_loop3A_206 = arith.select %parallel_loop3A_204, %parallel_loop3A_203, %parallel_loop3A_194 : vector<16xi1>, vector<16xi32>
      scf.yield %parallel_loop3A_205, %parallel_loop3A_206 : vector<16xf32>, vector<16xi32>
    } {sc.loop_unroll_factor = 8 : i64, sc.parallel_access}
    %broadcast_in_dim3A_179 = arith.constant 0 : i32
    %broadcast_in_dim3A_180 = vector.broadcast %broadcast_in_dim3A_179 : i32 to vector<16xi32>
    %scan3A = arith.constant 0 : i32
    %scan3A_181 = arith.constant 100 : i32
    %scan3A_182 = arith.addi %scan3A, %scan3A_181 : i32
    %scan3A_183 = arith.constant 1 : i32
    %scan3A_184:3 = scf.for %scan3A_192 = %scan3A to %scan3A_182 step %scan3A_183 iter_args(%scan3A_193 = %parallel_loop3A_178#0, %scan3A_194 = %parallel_loop3A_178#1, %scan3A_195 = %broadcast_in_dim3A_180) -> (vector<16xf32>, vector<16xi32>, vector<16xi32>)  : i32 {
      %xor3A = arith.constant 8 : i32
      %xor3A_196 = vector.broadcast %xor3A : i32 to vector<16xi32>
      %xor3A_197 = arith.xori %iota3A, %xor3A_196 : vector<16xi32>
      %lt3A_198 = arith.constant 0 : i32
      %lt3A_199 = vector.broadcast %lt3A_198 : i32 to vector<16xi32>
      %lt3A_200 = arith.cmpi slt, %xor3A_197, %lt3A_199 : vector<16xi32>
      %add3A_201 = arith.constant 16 : i32
      %add3A_202 = vector.broadcast %add3A_201 : i32 to vector<16xi32>
      %add3A_203 = arith.addi %xor3A_197, %add3A_202 : vector<16xi32>
      %select_n3A_204 = arith.select %lt3A_200, %add3A_203, %xor3A_197 : vector<16xi1>, vector<16xi32>
      %broadcast_in_dim3A_205 = vector.shape_cast %select_n3A_204 : vector<16xi32> to vector<16x1xi32>
      %gather3A = vector.shape_cast %broadcast_in_dim3A_205 : vector<16x1xi32> to vector<16xi32>
      %gather3A_206 = tpu.dynamic_gather %scan3A_193[%gather3A] in [0] : vector<16xf32>, vector<16xi32> -> vector<16xf32>
      %lt3A_207 = arith.constant 0 : i32
      %lt3A_208 = vector.broadcast %lt3A_207 : i32 to vector<16xi32>
      %lt3A_209 = arith.cmpi slt, %xor3A_197, %lt3A_208 : vector<16xi32>
      %add3A_210 = arith.constant 16 : i32
      %add3A_211 = vector.broadcast %add3A_210 : i32 to vector<16xi32>
      %add3A_212 = arith.addi %xor3A_197, %add3A_211 : vector<16xi32>
      %select_n3A_213 = arith.select %lt3A_209, %add3A_212, %xor3A_197 : vector<16xi1>, vector<16xi32>
      %broadcast_in_dim3A_214 = vector.shape_cast %select_n3A_213 : vector<16xi32> to vector<16x1xi32>
      %gather3A_215 = vector.shape_cast %broadcast_in_dim3A_214 : vector<16x1xi32> to vector<16xi32>
      %gather3A_216 = tpu.dynamic_gather %scan3A_194[%gather3A_215] in [0] : vector<16xi32>, vector<16xi32> -> vector<16xi32>
      %gt3A = arith.cmpf ogt, %gather3A_206, %scan3A_193 : vector<16xf32>
      %eq3A_217 = arith.cmpf oeq, %gather3A_206, %scan3A_193 : vector<16xf32>
      %lt3A_218 = arith.cmpi slt, %gather3A_216, %scan3A_194 : vector<16xi32>
      %and3A_219 = arith.andi %eq3A_217, %lt3A_218 : vector<16xi1>
      %or3A = arith.ori %gt3A, %and3A_219 : vector<16xi1>
      %select_n3A_220 = arith.select %or3A, %gather3A_206, %scan3A_193 : vector<16xi1>, vector<16xf32>
      %select_n3A_221 = arith.select %or3A, %gather3A_216, %scan3A_194 : vector<16xi1>, vector<16xi32>
      %xor3A_222 = arith.constant 4 : i32
      %xor3A_223 = vector.broadcast %xor3A_222 : i32 to vector<16xi32>
      %xor3A_224 = arith.xori %iota3A, %xor3A_223 : vector<16xi32>
      %lt3A_225 = arith.constant 0 : i32
      %lt3A_226 = vector.broadcast %lt3A_225 : i32 to vector<16xi32>
      %lt3A_227 = arith.cmpi slt, %xor3A_224, %lt3A_226 : vector<16xi32>
      %add3A_228 = arith.constant 16 : i32
      %add3A_229 = vector.broadcast %add3A_228 : i32 to vector<16xi32>
      %add3A_230 = arith.addi %xor3A_224, %add3A_229 : vector<16xi32>
      %select_n3A_231 = arith.select %lt3A_227, %add3A_230, %xor3A_224 : vector<16xi1>, vector<16xi32>
      %broadcast_in_dim3A_232 = vector.shape_cast %select_n3A_231 : vector<16xi32> to vector<16x1xi32>
      %gather3A_233 = vector.shape_cast %broadcast_in_dim3A_232 : vector<16x1xi32> to vector<16xi32>
      %gather3A_234 = tpu.dynamic_gather %select_n3A_220[%gather3A_233] in [0] : vector<16xf32>, vector<16xi32> -> vector<16xf32>
      %lt3A_235 = arith.constant 0 : i32
      %lt3A_236 = vector.broadcast %lt3A_235 : i32 to vector<16xi32>
      %lt3A_237 = arith.cmpi slt, %xor3A_224, %lt3A_236 : vector<16xi32>
      %add3A_238 = arith.constant 16 : i32
      %add3A_239 = vector.broadcast %add3A_238 : i32 to vector<16xi32>
      %add3A_240 = arith.addi %xor3A_224, %add3A_239 : vector<16xi32>
      %select_n3A_241 = arith.select %lt3A_237, %add3A_240, %xor3A_224 : vector<16xi1>, vector<16xi32>
      %broadcast_in_dim3A_242 = vector.shape_cast %select_n3A_241 : vector<16xi32> to vector<16x1xi32>
      %gather3A_243 = vector.shape_cast %broadcast_in_dim3A_242 : vector<16x1xi32> to vector<16xi32>
      %gather3A_244 = tpu.dynamic_gather %select_n3A_221[%gather3A_243] in [0] : vector<16xi32>, vector<16xi32> -> vector<16xi32>
      %gt3A_245 = arith.cmpf ogt, %gather3A_234, %select_n3A_220 : vector<16xf32>
      %eq3A_246 = arith.cmpf oeq, %gather3A_234, %select_n3A_220 : vector<16xf32>
      %lt3A_247 = arith.cmpi slt, %gather3A_244, %select_n3A_221 : vector<16xi32>
      %and3A_248 = arith.andi %eq3A_246, %lt3A_247 : vector<16xi1>
      %or3A_249 = arith.ori %gt3A_245, %and3A_248 : vector<16xi1>
      %select_n3A_250 = arith.select %or3A_249, %gather3A_234, %select_n3A_220 : vector<16xi1>, vector<16xf32>
      %select_n3A_251 = arith.select %or3A_249, %gather3A_244, %select_n3A_221 : vector<16xi1>, vector<16xi32>
      %xor3A_252 = arith.constant 2 : i32
      %xor3A_253 = vector.broadcast %xor3A_252 : i32 to vector<16xi32>
      %xor3A_254 = arith.xori %iota3A, %xor3A_253 : vector<16xi32>
      %lt3A_255 = arith.constant 0 : i32
      %lt3A_256 = vector.broadcast %lt3A_255 : i32 to vector<16xi32>
      %lt3A_257 = arith.cmpi slt, %xor3A_254, %lt3A_256 : vector<16xi32>
      %add3A_258 = arith.constant 16 : i32
      %add3A_259 = vector.broadcast %add3A_258 : i32 to vector<16xi32>
      %add3A_260 = arith.addi %xor3A_254, %add3A_259 : vector<16xi32>
      %select_n3A_261 = arith.select %lt3A_257, %add3A_260, %xor3A_254 : vector<16xi1>, vector<16xi32>
      %broadcast_in_dim3A_262 = vector.shape_cast %select_n3A_261 : vector<16xi32> to vector<16x1xi32>
      %gather3A_263 = vector.shape_cast %broadcast_in_dim3A_262 : vector<16x1xi32> to vector<16xi32>
      %gather3A_264 = tpu.dynamic_gather %select_n3A_250[%gather3A_263] in [0] : vector<16xf32>, vector<16xi32> -> vector<16xf32>
      %lt3A_265 = arith.constant 0 : i32
      %lt3A_266 = vector.broadcast %lt3A_265 : i32 to vector<16xi32>
      %lt3A_267 = arith.cmpi slt, %xor3A_254, %lt3A_266 : vector<16xi32>
      %add3A_268 = arith.constant 16 : i32
      %add3A_269 = vector.broadcast %add3A_268 : i32 to vector<16xi32>
      %add3A_270 = arith.addi %xor3A_254, %add3A_269 : vector<16xi32>
      %select_n3A_271 = arith.select %lt3A_267, %add3A_270, %xor3A_254 : vector<16xi1>, vector<16xi32>
      %broadcast_in_dim3A_272 = vector.shape_cast %select_n3A_271 : vector<16xi32> to vector<16x1xi32>
      %gather3A_273 = vector.shape_cast %broadcast_in_dim3A_272 : vector<16x1xi32> to vector<16xi32>
      %gather3A_274 = tpu.dynamic_gather %select_n3A_251[%gather3A_273] in [0] : vector<16xi32>, vector<16xi32> -> vector<16xi32>
      %gt3A_275 = arith.cmpf ogt, %gather3A_264, %select_n3A_250 : vector<16xf32>
      %eq3A_276 = arith.cmpf oeq, %gather3A_264, %select_n3A_250 : vector<16xf32>
      %lt3A_277 = arith.cmpi slt, %gather3A_274, %select_n3A_251 : vector<16xi32>
      %and3A_278 = arith.andi %eq3A_276, %lt3A_277 : vector<16xi1>
      %or3A_279 = arith.ori %gt3A_275, %and3A_278 : vector<16xi1>
      %select_n3A_280 = arith.select %or3A_279, %gather3A_264, %select_n3A_250 : vector<16xi1>, vector<16xf32>
      %select_n3A_281 = arith.select %or3A_279, %gather3A_274, %select_n3A_251 : vector<16xi1>, vector<16xi32>
      %xor3A_282 = arith.constant 1 : i32
      %xor3A_283 = vector.broadcast %xor3A_282 : i32 to vector<16xi32>
      %xor3A_284 = arith.xori %iota3A, %xor3A_283 : vector<16xi32>
      %lt3A_285 = arith.constant 0 : i32
      %lt3A_286 = vector.broadcast %lt3A_285 : i32 to vector<16xi32>
      %lt3A_287 = arith.cmpi slt, %xor3A_284, %lt3A_286 : vector<16xi32>
      %add3A_288 = arith.constant 16 : i32
      %add3A_289 = vector.broadcast %add3A_288 : i32 to vector<16xi32>
      %add3A_290 = arith.addi %xor3A_284, %add3A_289 : vector<16xi32>
      %select_n3A_291 = arith.select %lt3A_287, %add3A_290, %xor3A_284 : vector<16xi1>, vector<16xi32>
      %broadcast_in_dim3A_292 = vector.shape_cast %select_n3A_291 : vector<16xi32> to vector<16x1xi32>
      %gather3A_293 = vector.shape_cast %broadcast_in_dim3A_292 : vector<16x1xi32> to vector<16xi32>
      %gather3A_294 = tpu.dynamic_gather %select_n3A_280[%gather3A_293] in [0] : vector<16xf32>, vector<16xi32> -> vector<16xf32>
      %lt3A_295 = arith.constant 0 : i32
      %lt3A_296 = vector.broadcast %lt3A_295 : i32 to vector<16xi32>
      %lt3A_297 = arith.cmpi slt, %xor3A_284, %lt3A_296 : vector<16xi32>
      %add3A_298 = arith.constant 16 : i32
      %add3A_299 = vector.broadcast %add3A_298 : i32 to vector<16xi32>
      %add3A_300 = arith.addi %xor3A_284, %add3A_299 : vector<16xi32>
      %select_n3A_301 = arith.select %lt3A_297, %add3A_300, %xor3A_284 : vector<16xi1>, vector<16xi32>
      %broadcast_in_dim3A_302 = vector.shape_cast %select_n3A_301 : vector<16xi32> to vector<16x1xi32>
      %gather3A_303 = vector.shape_cast %broadcast_in_dim3A_302 : vector<16x1xi32> to vector<16xi32>
      %gather3A_304 = tpu.dynamic_gather %select_n3A_281[%gather3A_303] in [0] : vector<16xi32>, vector<16xi32> -> vector<16xi32>
      %gt3A_305 = arith.cmpf ogt, %gather3A_294, %select_n3A_280 : vector<16xf32>
      %eq3A_306 = arith.cmpf oeq, %gather3A_294, %select_n3A_280 : vector<16xf32>
      %lt3A_307 = arith.cmpi slt, %gather3A_304, %select_n3A_281 : vector<16xi32>
      %and3A_308 = arith.andi %eq3A_306, %lt3A_307 : vector<16xi1>
      %or3A_309 = arith.ori %gt3A_305, %and3A_308 : vector<16xi1>
      %select_n3A_310 = arith.select %or3A_309, %gather3A_294, %select_n3A_280 : vector<16xi1>, vector<16xf32>
      %select_n3A_311 = arith.select %or3A_309, %gather3A_304, %select_n3A_281 : vector<16xi1>, vector<16xi32>
      %sub3A_312 = vector.broadcast %multiple_of3A : i32 to vector<16xi32>
      %sub3A_313 = arith.subi %select_n3A_311, %sub3A_312 : vector<16xi32>
      %gather3A_314 = tpu.vector_load_idx %arg19[%sub3A_313] : memref<5008xf32, #tpu.memory_space<vmem>>[vector<16xi32>], vector<16xf32>,
      %gather3A_315 = tpu.vector_load_idx %arg20[%sub3A_313] : memref<5008xf32, #tpu.memory_space<vmem>>[vector<16xi32>], vector<16xf32>,
      %gather3A_316 = tpu.vector_load_idx %arg21[%sub3A_313] : memref<5008xf32, #tpu.memory_space<vmem>>[vector<16xi32>], vector<16xf32>,
      %gather3A_317 = tpu.vector_load_idx %arg22[%sub3A_313] : memref<5008xf32, #tpu.memory_space<vmem>>[vector<16xi32>], vector<16xf32>,
      %gather3A_318 = tpu.vector_load_idx %arg18[%sub3A_313] : memref<5008xi32, #tpu.memory_space<vmem>>[vector<16xi32>], vector<16xi32>,
      %eq3A_319 = arith.constant 0 : i32
      %eq3A_320 = vector.broadcast %eq3A_319 : i32 to vector<16xi32>
      %eq3A_321 = arith.cmpi eq, %iota3A, %eq3A_320 : vector<16xi32>
      %eq3A_322 = arith.constant 1 : i32
      %eq3A_323 = vector.broadcast %eq3A_322 : i32 to vector<16xi32>
      %eq3A_324 = arith.cmpi eq, %iota3A, %eq3A_323 : vector<16xi32>
      %convert_element_type3A_325 = arith.sitofp %select_n3A_311 : vector<16xi32> to vector<16xf32>
      %eq3A_326 = arith.constant 2 : i32
      %eq3A_327 = vector.broadcast %eq3A_326 : i32 to vector<16xi32>
      %eq3A_328 = arith.cmpi eq, %iota3A, %eq3A_327 : vector<16xi32>
      %eq3A_329 = arith.constant 3 : i32
      %eq3A_330 = vector.broadcast %eq3A_329 : i32 to vector<16xi32>
      %eq3A_331 = arith.cmpi eq, %iota3A, %eq3A_330 : vector<16xi32>
      %eq3A_332 = arith.constant 4 : i32
      %eq3A_333 = vector.broadcast %eq3A_332 : i32 to vector<16xi32>
      %eq3A_334 = arith.cmpi eq, %iota3A, %eq3A_333 : vector<16xi32>
      %eq3A_335 = arith.constant 5 : i32
      %eq3A_336 = vector.broadcast %eq3A_335 : i32 to vector<16xi32>
      %eq3A_337 = arith.cmpi eq, %iota3A, %eq3A_336 : vector<16xi32>
      %convert_element_type3A_338 = arith.sitofp %gather3A_318 : vector<16xi32> to vector<16xf32>
      %select_n3A_339 = arith.select %eq3A_337, %gather3A_317, %convert_element_type3A_338 : vector<16xi1>, vector<16xf32>
      %select_n3A_340 = arith.select %eq3A_334, %gather3A_316, %select_n3A_339 : vector<16xi1>, vector<16xf32>
      %select_n3A_341 = arith.select %eq3A_331, %gather3A_315, %select_n3A_340 : vector<16xi1>, vector<16xf32>
      %select_n3A_342 = arith.select %eq3A_328, %gather3A_314, %select_n3A_341 : vector<16xi1>, vector<16xf32>
      %select_n3A_343 = arith.select %eq3A_324, %convert_element_type3A_325, %select_n3A_342 : vector<16xi1>, vector<16xf32>
      %select_n3A_344 = arith.select %eq3A_321, %select_n3A_310, %select_n3A_343 : vector<16xi1>, vector<16xf32>
      %swap3A_345 = arith.constant 0 : index
      %swap3A_346 = tpu.vector_load %arg33[%swap3A_345] {strides = array<i32>} : memref<16xf32, #tpu.memory_space<vmem>>, vector<16xf32>,
      tpu.vector_store %arg33[%swap3A_345], %select_n3A_344 {strides = array<i32>} : memref<16xf32, #tpu.memory_space<vmem>>, vector<16xf32>,
      %mul3A_347 = arith.constant 16 : i32
      %mul3A_348 = arith.muli %arg1, %mul3A_347 : i32
      %multiple_of3A_349 = tpu.assume_multiple %mul3A_348, 16 : i32
      "tpu.region"() ({
        %run_scoped3A = tpu.sem_alloc : memref<!tpu.dma_semaphore, #tpu.memory_space<semaphore_mem>>
        %dma_start3A = tpu.memref_slice %arg35[%multiple_of3A_349] : memref<256xf32, #tpu.memory_space<vmem_shared>> -> memref<16xf32, #tpu.memory_space<vmem_shared>>
        %dma_start3A_591 = tpu.memref_slice %arg35[%multiple_of3A_349] : memref<256xf32, #tpu.memory_space<vmem_shared>> -> memref<16xf32, #tpu.memory_space<vmem_shared>>
        tpu.enqueue_dma source(%arg33 : memref<16xf32, #tpu.memory_space<vmem>>) target(%dma_start3A_591 : memref<16xf32, #tpu.memory_space<vmem_shared>>) target_semaphore(%run_scoped3A : memref<!tpu.dma_semaphore, #tpu.memory_space<semaphore_mem>>)
        %dma_wait3A = tpu.memref_slice %arg35[%multiple_of3A_349] : memref<256xf32, #tpu.memory_space<vmem_shared>> -> memref<16xf32, #tpu.memory_space<vmem_shared>>
        %dma_wait3A_592 = tpu.memref_slice %arg35[%multiple_of3A_349] : memref<256xf32, #tpu.memory_space<vmem_shared>> -> memref<16xf32, #tpu.memory_space<vmem_shared>>
        tpu.wait_dma2 semaphore(%run_scoped3A : memref<!tpu.dma_semaphore, #tpu.memory_space<semaphore_mem>>) src(%arg33 : memref<16xf32, #tpu.memory_space<vmem>>) dst(%dma_wait3A_592 : memref<16xf32, #tpu.memory_space<vmem_shared>>)
        tpu.yield
      }) : () -> ()
      %barrier3A = arith.constant 0 : index
      tpu.barrier barrier_id(%barrier3A)
      %jit3A_350 = arith.constant 0 : i32
      %select_n3A_351 = arith.select %lt3A_30, %select_n3A, %jit3A_350 : i32
      %mul3A_352 = arith.constant 64 : i32
      %mul3A_353 = arith.muli %select_n3A_351, %mul3A_352 : i32
      %multiple_of3A_354 = tpu.assume_multiple %mul3A_353, 64 : i32
      "tpu.region"() ({
        %run_scoped3A = tpu.sem_alloc : memref<!tpu.dma_semaphore, #tpu.memory_space<semaphore_mem>>
        %dma_start3A = tpu.memref_slice %arg35[%multiple_of3A_354] : memref<256xf32, #tpu.memory_space<vmem_shared>> -> memref<64xf32, #tpu.memory_space<vmem_shared>>
        %dma_start3A_591 = tpu.memref_slice %arg35[%multiple_of3A_354] : memref<256xf32, #tpu.memory_space<vmem_shared>> -> memref<64xf32, #tpu.memory_space<vmem_shared>>
        tpu.enqueue_dma source(%dma_start3A_591 : memref<64xf32, #tpu.memory_space<vmem_shared>>) target(%arg34 : memref<64xf32, #tpu.memory_space<vmem>>) target_semaphore(%run_scoped3A : memref<!tpu.dma_semaphore, #tpu.memory_space<semaphore_mem>>)
        %dma_wait3A = tpu.memref_slice %arg35[%multiple_of3A_354] : memref<256xf32, #tpu.memory_space<vmem_shared>> -> memref<64xf32, #tpu.memory_space<vmem_shared>>
        %dma_wait3A_592 = tpu.memref_slice %arg35[%multiple_of3A_354] : memref<256xf32, #tpu.memory_space<vmem_shared>> -> memref<64xf32, #tpu.memory_space<vmem_shared>>
        tpu.wait_dma2 semaphore(%run_scoped3A : memref<!tpu.dma_semaphore, #tpu.memory_space<semaphore_mem>>) src(%dma_wait3A_592 : memref<64xf32, #tpu.memory_space<vmem_shared>>) dst(%arg34 : memref<64xf32, #tpu.memory_space<vmem>>)
        tpu.yield
      }) : () -> ()
      %barrier3A_355 = arith.constant 0 : index
      tpu.barrier barrier_id(%barrier3A_355)
      %get3A = arith.constant 0 : index
      %get3A_356 = tpu.vector_load %arg34[%get3A] {strides = array<i32>} : memref<64xf32, #tpu.memory_space<vmem>>, vector<16xf32>,
      %broadcast_in_dim3A_357 = arith.constant 0 : i32
      %broadcast_in_dim3A_358 = vector.broadcast %broadcast_in_dim3A_357 : i32 to vector<16xi32>
      %lt3A_359 = arith.constant 0 : i32
      %lt3A_360 = vector.broadcast %lt3A_359 : i32 to vector<16xi32>
      %lt3A_361 = arith.cmpi slt, %broadcast_in_dim3A_358, %lt3A_360 : vector<16xi32>
      %add3A_362 = arith.constant 16 : i32
      %add3A_363 = vector.broadcast %add3A_362 : i32 to vector<16xi32>
      %add3A_364 = arith.addi %broadcast_in_dim3A_358, %add3A_363 : vector<16xi32>
      %select_n3A_365 = arith.select %lt3A_361, %add3A_364, %broadcast_in_dim3A_358 : vector<16xi1>, vector<16xi32>
      %broadcast_in_dim3A_366 = vector.shape_cast %select_n3A_365 : vector<16xi32> to vector<16x1xi32>
      %gather3A_367 = vector.shape_cast %broadcast_in_dim3A_366 : vector<16x1xi32> to vector<16xi32>
      %gather3A_368 = tpu.dynamic_gather %get3A_356[%gather3A_367] in [0] : vector<16xf32>, vector<16xi32> -> vector<16xf32>
      %broadcast_in_dim3A_369 = arith.constant 1 : i32
      %broadcast_in_dim3A_370 = vector.broadcast %broadcast_in_dim3A_369 : i32 to vector<16xi32>
      %lt3A_371 = arith.constant 0 : i32
      %lt3A_372 = vector.broadcast %lt3A_371 : i32 to vector<16xi32>
      %lt3A_373 = arith.cmpi slt, %broadcast_in_dim3A_370, %lt3A_372 : vector<16xi32>
      %add3A_374 = arith.constant 16 : i32
      %add3A_375 = vector.broadcast %add3A_374 : i32 to vector<16xi32>
      %add3A_376 = arith.addi %broadcast_in_dim3A_370, %add3A_375 : vector<16xi32>
      %select_n3A_377 = arith.select %lt3A_373, %add3A_376, %broadcast_in_dim3A_370 : vector<16xi1>, vector<16xi32>
      %broadcast_in_dim3A_378 = vector.shape_cast %select_n3A_377 : vector<16xi32> to vector<16x1xi32>
      %gather3A_379 = vector.shape_cast %broadcast_in_dim3A_378 : vector<16x1xi32> to vector<16xi32>
      %gather3A_380 = tpu.dynamic_gather %get3A_356[%gather3A_379] in [0] : vector<16xf32>, vector<16xi32> -> vector<16xf32>
      %get3A_381 = arith.constant 16 : index
      %get3A_382 = tpu.vector_load %arg34[%get3A_381] {strides = array<i32>} : memref<64xf32, #tpu.memory_space<vmem>>, vector<16xf32>,
      %broadcast_in_dim3A_383 = arith.constant 0 : i32
      %broadcast_in_dim3A_384 = vector.broadcast %broadcast_in_dim3A_383 : i32 to vector<16xi32>
      %lt3A_385 = arith.constant 0 : i32
      %lt3A_386 = vector.broadcast %lt3A_385 : i32 to vector<16xi32>
      %lt3A_387 = arith.cmpi slt, %broadcast_in_dim3A_384, %lt3A_386 : vector<16xi32>
      %add3A_388 = arith.constant 16 : i32
      %add3A_389 = vector.broadcast %add3A_388 : i32 to vector<16xi32>
      %add3A_390 = arith.addi %broadcast_in_dim3A_384, %add3A_389 : vector<16xi32>
      %select_n3A_391 = arith.select %lt3A_387, %add3A_390, %broadcast_in_dim3A_384 : vector<16xi1>, vector<16xi32>
      %broadcast_in_dim3A_392 = vector.shape_cast %select_n3A_391 : vector<16xi32> to vector<16x1xi32>
      %gather3A_393 = vector.shape_cast %broadcast_in_dim3A_392 : vector<16x1xi32> to vector<16xi32>
      %gather3A_394 = tpu.dynamic_gather %get3A_382[%gather3A_393] in [0] : vector<16xf32>, vector<16xi32> -> vector<16xf32>
      %broadcast_in_dim3A_395 = arith.constant 1 : i32
      %broadcast_in_dim3A_396 = vector.broadcast %broadcast_in_dim3A_395 : i32 to vector<16xi32>
      %lt3A_397 = arith.constant 0 : i32
      %lt3A_398 = vector.broadcast %lt3A_397 : i32 to vector<16xi32>
      %lt3A_399 = arith.cmpi slt, %broadcast_in_dim3A_396, %lt3A_398 : vector<16xi32>
      %add3A_400 = arith.constant 16 : i32
      %add3A_401 = vector.broadcast %add3A_400 : i32 to vector<16xi32>
      %add3A_402 = arith.addi %broadcast_in_dim3A_396, %add3A_401 : vector<16xi32>
      %select_n3A_403 = arith.select %lt3A_399, %add3A_402, %broadcast_in_dim3A_396 : vector<16xi1>, vector<16xi32>
      %broadcast_in_dim3A_404 = vector.shape_cast %select_n3A_403 : vector<16xi32> to vector<16x1xi32>
      %gather3A_405 = vector.shape_cast %broadcast_in_dim3A_404 : vector<16x1xi32> to vector<16xi32>
      %gather3A_406 = tpu.dynamic_gather %get3A_382[%gather3A_405] in [0] : vector<16xf32>, vector<16xi32> -> vector<16xf32>
      %gt3A_407 = arith.cmpf ogt, %gather3A_394, %gather3A_368 : vector<16xf32>
      %eq3A_408 = arith.cmpf oeq, %gather3A_394, %gather3A_368 : vector<16xf32>
      %lt3A_409 = arith.cmpf olt, %gather3A_406, %gather3A_380 : vector<16xf32>
      %and3A_410 = arith.andi %eq3A_408, %lt3A_409 : vector<16xi1>
      %or3A_411 = arith.ori %gt3A_407, %and3A_410 : vector<16xi1>
      %select_n3A_412 = arith.select %or3A_411, %get3A_382, %get3A_356 : vector<16xi1>, vector<16xf32>
      %select_n3A_413 = arith.select %or3A_411, %gather3A_394, %gather3A_368 : vector<16xi1>, vector<16xf32>
      %select_n3A_414 = arith.select %or3A_411, %gather3A_406, %gather3A_380 : vector<16xi1>, vector<16xf32>
      %get3A_415 = arith.constant 32 : index
      %get3A_416 = tpu.vector_load %arg34[%get3A_415] {strides = array<i32>} : memref<64xf32, #tpu.memory_space<vmem>>, vector<16xf32>,
      %broadcast_in_dim3A_417 = arith.constant 0 : i32
      %broadcast_in_dim3A_418 = vector.broadcast %broadcast_in_dim3A_417 : i32 to vector<16xi32>
      %lt3A_419 = arith.constant 0 : i32
      %lt3A_420 = vector.broadcast %lt3A_419 : i32 to vector<16xi32>
      %lt3A_421 = arith.cmpi slt, %broadcast_in_dim3A_418, %lt3A_420 : vector<16xi32>
      %add3A_422 = arith.constant 16 : i32
      %add3A_423 = vector.broadcast %add3A_422 : i32 to vector<16xi32>
      %add3A_424 = arith.addi %broadcast_in_dim3A_418, %add3A_423 : vector<16xi32>
      %select_n3A_425 = arith.select %lt3A_421, %add3A_424, %broadcast_in_dim3A_418 : vector<16xi1>, vector<16xi32>
      %broadcast_in_dim3A_426 = vector.shape_cast %select_n3A_425 : vector<16xi32> to vector<16x1xi32>
      %gather3A_427 = vector.shape_cast %broadcast_in_dim3A_426 : vector<16x1xi32> to vector<16xi32>
      %gather3A_428 = tpu.dynamic_gather %get3A_416[%gather3A_427] in [0] : vector<16xf32>, vector<16xi32> -> vector<16xf32>
      %broadcast_in_dim3A_429 = arith.constant 1 : i32
      %broadcast_in_dim3A_430 = vector.broadcast %broadcast_in_dim3A_429 : i32 to vector<16xi32>
      %lt3A_431 = arith.constant 0 : i32
      %lt3A_432 = vector.broadcast %lt3A_431 : i32 to vector<16xi32>
      %lt3A_433 = arith.cmpi slt, %broadcast_in_dim3A_430, %lt3A_432 : vector<16xi32>
      %add3A_434 = arith.constant 16 : i32
      %add3A_435 = vector.broadcast %add3A_434 : i32 to vector<16xi32>
      %add3A_436 = arith.addi %broadcast_in_dim3A_430, %add3A_435 : vector<16xi32>
      %select_n3A_437 = arith.select %lt3A_433, %add3A_436, %broadcast_in_dim3A_430 : vector<16xi1>, vector<16xi32>
      %broadcast_in_dim3A_438 = vector.shape_cast %select_n3A_437 : vector<16xi32> to vector<16x1xi32>
      %gather3A_439 = vector.shape_cast %broadcast_in_dim3A_438 : vector<16x1xi32> to vector<16xi32>
      %gather3A_440 = tpu.dynamic_gather %get3A_416[%gather3A_439] in [0] : vector<16xf32>, vector<16xi32> -> vector<16xf32>
      %gt3A_441 = arith.cmpf ogt, %gather3A_428, %select_n3A_413 : vector<16xf32>
      %eq3A_442 = arith.cmpf oeq, %gather3A_428, %select_n3A_413 : vector<16xf32>
      %lt3A_443 = arith.cmpf olt, %gather3A_440, %select_n3A_414 : vector<16xf32>
      %and3A_444 = arith.andi %eq3A_442, %lt3A_443 : vector<16xi1>
      %or3A_445 = arith.ori %gt3A_441, %and3A_444 : vector<16xi1>
      %select_n3A_446 = arith.select %or3A_445, %get3A_416, %select_n3A_412 : vector<16xi1>, vector<16xf32>
      %select_n3A_447 = arith.select %or3A_445, %gather3A_428, %select_n3A_413 : vector<16xi1>, vector<16xf32>
      %select_n3A_448 = arith.select %or3A_445, %gather3A_440, %select_n3A_414 : vector<16xi1>, vector<16xf32>
      %get3A_449 = arith.constant 48 : index
      %get3A_450 = tpu.vector_load %arg34[%get3A_449] {strides = array<i32>} : memref<64xf32, #tpu.memory_space<vmem>>, vector<16xf32>,
      %broadcast_in_dim3A_451 = arith.constant 0 : i32
      %broadcast_in_dim3A_452 = vector.broadcast %broadcast_in_dim3A_451 : i32 to vector<16xi32>
      %lt3A_453 = arith.constant 0 : i32
      %lt3A_454 = vector.broadcast %lt3A_453 : i32 to vector<16xi32>
      %lt3A_455 = arith.cmpi slt, %broadcast_in_dim3A_452, %lt3A_454 : vector<16xi32>
      %add3A_456 = arith.constant 16 : i32
      %add3A_457 = vector.broadcast %add3A_456 : i32 to vector<16xi32>
      %add3A_458 = arith.addi %broadcast_in_dim3A_452, %add3A_457 : vector<16xi32>
      %select_n3A_459 = arith.select %lt3A_455, %add3A_458, %broadcast_in_dim3A_452 : vector<16xi1>, vector<16xi32>
      %broadcast_in_dim3A_460 = vector.shape_cast %select_n3A_459 : vector<16xi32> to vector<16x1xi32>
      %gather3A_461 = vector.shape_cast %broadcast_in_dim3A_460 : vector<16x1xi32> to vector<16xi32>
      %gather3A_462 = tpu.dynamic_gather %get3A_450[%gather3A_461] in [0] : vector<16xf32>, vector<16xi32> -> vector<16xf32>
      %broadcast_in_dim3A_463 = arith.constant 1 : i32
      %broadcast_in_dim3A_464 = vector.broadcast %broadcast_in_dim3A_463 : i32 to vector<16xi32>
      %lt3A_465 = arith.constant 0 : i32
      %lt3A_466 = vector.broadcast %lt3A_465 : i32 to vector<16xi32>
      %lt3A_467 = arith.cmpi slt, %broadcast_in_dim3A_464, %lt3A_466 : vector<16xi32>
      %add3A_468 = arith.constant 16 : i32
      %add3A_469 = vector.broadcast %add3A_468 : i32 to vector<16xi32>
      %add3A_470 = arith.addi %broadcast_in_dim3A_464, %add3A_469 : vector<16xi32>
      %select_n3A_471 = arith.select %lt3A_467, %add3A_470, %broadcast_in_dim3A_464 : vector<16xi1>, vector<16xi32>
      %broadcast_in_dim3A_472 = vector.shape_cast %select_n3A_471 : vector<16xi32> to vector<16x1xi32>
      %gather3A_473 = vector.shape_cast %broadcast_in_dim3A_472 : vector<16x1xi32> to vector<16xi32>
      %gather3A_474 = tpu.dynamic_gather %get3A_450[%gather3A_473] in [0] : vector<16xf32>, vector<16xi32> -> vector<16xf32>
      %gt3A_475 = arith.cmpf ogt, %gather3A_462, %select_n3A_447 : vector<16xf32>
      %eq3A_476 = arith.cmpf oeq, %gather3A_462, %select_n3A_447 : vector<16xf32>
      %lt3A_477 = arith.cmpf olt, %gather3A_474, %select_n3A_448 : vector<16xf32>
      %and3A_478 = arith.andi %eq3A_476, %lt3A_477 : vector<16xi1>
      %or3A_479 = arith.ori %gt3A_475, %and3A_478 : vector<16xi1>
      %select_n3A_480 = arith.select %or3A_479, %get3A_450, %select_n3A_446 : vector<16xi1>, vector<16xf32>
      %select_n3A_481 = arith.select %or3A_479, %gather3A_462, %select_n3A_447 : vector<16xi1>, vector<16xf32>
      %select_n3A_482 = arith.select %or3A_479, %gather3A_474, %select_n3A_448 : vector<16xi1>, vector<16xf32>
      %convert_element_type3A_483 = arith.fptosi %select_n3A_482 : vector<16xf32> to vector<16xi32>
      %broadcast_in_dim3A_484 = arith.constant 2 : i32
      %broadcast_in_dim3A_485 = vector.broadcast %broadcast_in_dim3A_484 : i32 to vector<16xi32>
      %lt3A_486 = arith.constant 0 : i32
      %lt3A_487 = vector.broadcast %lt3A_486 : i32 to vector<16xi32>
      %lt3A_488 = arith.cmpi slt, %broadcast_in_dim3A_485, %lt3A_487 : vector<16xi32>
      %add3A_489 = arith.constant 16 : i32
      %add3A_490 = vector.broadcast %add3A_489 : i32 to vector<16xi32>
      %add3A_491 = arith.addi %broadcast_in_dim3A_485, %add3A_490 : vector<16xi32>
      %select_n3A_492 = arith.select %lt3A_488, %add3A_491, %broadcast_in_dim3A_485 : vector<16xi1>, vector<16xi32>
      %broadcast_in_dim3A_493 = vector.shape_cast %select_n3A_492 : vector<16xi32> to vector<16x1xi32>
      %gather3A_494 = vector.shape_cast %broadcast_in_dim3A_493 : vector<16x1xi32> to vector<16xi32>
      %gather3A_495 = tpu.dynamic_gather %select_n3A_480[%gather3A_494] in [0] : vector<16xf32>, vector<16xi32> -> vector<16xf32>
      %broadcast_in_dim3A_496 = arith.constant 3 : i32
      %broadcast_in_dim3A_497 = vector.broadcast %broadcast_in_dim3A_496 : i32 to vector<16xi32>
      %lt3A_498 = arith.constant 0 : i32
      %lt3A_499 = vector.broadcast %lt3A_498 : i32 to vector<16xi32>
      %lt3A_500 = arith.cmpi slt, %broadcast_in_dim3A_497, %lt3A_499 : vector<16xi32>
      %add3A_501 = arith.constant 16 : i32
      %add3A_502 = vector.broadcast %add3A_501 : i32 to vector<16xi32>
      %add3A_503 = arith.addi %broadcast_in_dim3A_497, %add3A_502 : vector<16xi32>
      %select_n3A_504 = arith.select %lt3A_500, %add3A_503, %broadcast_in_dim3A_497 : vector<16xi1>, vector<16xi32>
      %broadcast_in_dim3A_505 = vector.shape_cast %select_n3A_504 : vector<16xi32> to vector<16x1xi32>
      %gather3A_506 = vector.shape_cast %broadcast_in_dim3A_505 : vector<16x1xi32> to vector<16xi32>
      %gather3A_507 = tpu.dynamic_gather %select_n3A_480[%gather3A_506] in [0] : vector<16xf32>, vector<16xi32> -> vector<16xf32>
      %broadcast_in_dim3A_508 = arith.constant 4 : i32
      %broadcast_in_dim3A_509 = vector.broadcast %broadcast_in_dim3A_508 : i32 to vector<16xi32>
      %lt3A_510 = arith.constant 0 : i32
      %lt3A_511 = vector.broadcast %lt3A_510 : i32 to vector<16xi32>
      %lt3A_512 = arith.cmpi slt, %broadcast_in_dim3A_509, %lt3A_511 : vector<16xi32>
      %add3A_513 = arith.constant 16 : i32
      %add3A_514 = vector.broadcast %add3A_513 : i32 to vector<16xi32>
      %add3A_515 = arith.addi %broadcast_in_dim3A_509, %add3A_514 : vector<16xi32>
      %select_n3A_516 = arith.select %lt3A_512, %add3A_515, %broadcast_in_dim3A_509 : vector<16xi1>, vector<16xi32>
      %broadcast_in_dim3A_517 = vector.shape_cast %select_n3A_516 : vector<16xi32> to vector<16x1xi32>
      %gather3A_518 = vector.shape_cast %broadcast_in_dim3A_517 : vector<16x1xi32> to vector<16xi32>
      %gather3A_519 = tpu.dynamic_gather %select_n3A_480[%gather3A_518] in [0] : vector<16xf32>, vector<16xi32> -> vector<16xf32>
      %broadcast_in_dim3A_520 = arith.constant 5 : i32
      %broadcast_in_dim3A_521 = vector.broadcast %broadcast_in_dim3A_520 : i32 to vector<16xi32>
      %lt3A_522 = arith.constant 0 : i32
      %lt3A_523 = vector.broadcast %lt3A_522 : i32 to vector<16xi32>
      %lt3A_524 = arith.cmpi slt, %broadcast_in_dim3A_521, %lt3A_523 : vector<16xi32>
      %add3A_525 = arith.constant 16 : i32
      %add3A_526 = vector.broadcast %add3A_525 : i32 to vector<16xi32>
      %add3A_527 = arith.addi %broadcast_in_dim3A_521, %add3A_526 : vector<16xi32>
      %select_n3A_528 = arith.select %lt3A_524, %add3A_527, %broadcast_in_dim3A_521 : vector<16xi1>, vector<16xi32>
      %broadcast_in_dim3A_529 = vector.shape_cast %select_n3A_528 : vector<16xi32> to vector<16x1xi32>
      %gather3A_530 = vector.shape_cast %broadcast_in_dim3A_529 : vector<16x1xi32> to vector<16xi32>
      %gather3A_531 = tpu.dynamic_gather %select_n3A_480[%gather3A_530] in [0] : vector<16xf32>, vector<16xi32> -> vector<16xf32>
      %broadcast_in_dim3A_532 = arith.constant 6 : i32
      %broadcast_in_dim3A_533 = vector.broadcast %broadcast_in_dim3A_532 : i32 to vector<16xi32>
      %lt3A_534 = arith.constant 0 : i32
      %lt3A_535 = vector.broadcast %lt3A_534 : i32 to vector<16xi32>
      %lt3A_536 = arith.cmpi slt, %broadcast_in_dim3A_533, %lt3A_535 : vector<16xi32>
      %add3A_537 = arith.constant 16 : i32
      %add3A_538 = vector.broadcast %add3A_537 : i32 to vector<16xi32>
      %add3A_539 = arith.addi %broadcast_in_dim3A_533, %add3A_538 : vector<16xi32>
      %select_n3A_540 = arith.select %lt3A_536, %add3A_539, %broadcast_in_dim3A_533 : vector<16xi1>, vector<16xi32>
      %broadcast_in_dim3A_541 = vector.shape_cast %select_n3A_540 : vector<16xi32> to vector<16x1xi32>
      %gather3A_542 = vector.shape_cast %broadcast_in_dim3A_541 : vector<16x1xi32> to vector<16xi32>
      %gather3A_543 = tpu.dynamic_gather %select_n3A_480[%gather3A_542] in [0] : vector<16xf32>, vector<16xi32> -> vector<16xf32>
      %convert_element_type3A_544 = arith.fptosi %gather3A_543 : vector<16xf32> to vector<16xi32>
      %sub3A_545 = arith.subf %gather3A_519, %gather3A_495 : vector<16xf32>
      %sub3A_546 = arith.subf %gather3A_531, %gather3A_507 : vector<16xf32>
      %mul3A_547 = arith.mulf %sub3A_545, %sub3A_546 : vector<16xf32>
      %gt3A_548 = arith.constant 2.500000e-01 : f32
      %gt3A_549 = vector.broadcast %gt3A_548 : f32 to vector<16xf32>
      %gt3A_550 = arith.cmpf ogt, %select_n3A_481, %gt3A_549 : vector<16xf32>
      %jit3A_551 = arith.constant 1.000000e+00 : f32
      %jit3A_552 = arith.constant 0.000000e+00 : f32
      %broadcast_in_dim3A_553 = vector.broadcast %jit3A_551 : f32 to vector<16xf32>
      %broadcast_in_dim3A_554 = vector.broadcast %jit3A_552 : f32 to vector<16xf32>
      %select_n3A_555 = arith.select %gt3A_550, %broadcast_in_dim3A_553, %broadcast_in_dim3A_554 : vector<16xi1>, vector<16xf32>
      %sub3A_556 = vector.broadcast %multiple_of3A : i32 to vector<16xi32>
      %sub3A_557 = arith.subi %convert_element_type3A_483, %sub3A_556 : vector<16xi32>
      %jit3A_558 = arith.constant 0 : i32
      %jit3A_559 = arith.constant 5007 : i32
      %max3A = vector.broadcast %jit3A_558 : i32 to vector<16xi32>
      %max3A_560 = arith.maxsi %max3A, %sub3A_557 : vector<16xi32>
      %min3A = vector.broadcast %jit3A_559 : i32 to vector<16xi32>
      %min3A_561 = arith.minsi %min3A, %max3A_560 : vector<16xi32>
      %ge3A = vector.broadcast %multiple_of3A : i32 to vector<16xi32>
      %ge3A_562 = arith.cmpi sge, %convert_element_type3A_483, %ge3A : vector<16xi32>
      %and3A_563 = arith.andi %eq3A_57, %ge3A_562 : vector<16xi1>
      %add3A_564 = arith.constant 5008 : i32
      %add3A_565 = arith.addi %multiple_of3A, %add3A_564 : i32
      %lt3A_566 = vector.broadcast %add3A_565 : i32 to vector<16xi32>
      %lt3A_567 = arith.cmpi slt, %convert_element_type3A_483, %lt3A_566 : vector<16xi32>
      %and3A_568 = arith.andi %and3A_563, %lt3A_567 : vector<16xi1>
      %broadcast_in_dim3A_569 = arith.constant -1.000000e+00 : f32
      %broadcast_in_dim3A_570 = vector.broadcast %broadcast_in_dim3A_569 : f32 to vector<16xf32>
      tpu.vector_store_idx %arg17[%min3A_561], %broadcast_in_dim3A_570 masked %and3A_568 : memref<5008xf32, #tpu.memory_space<vmem>>[vector<16xi32>], vector<16xf32>, vector<16xi1>
      %eq3A_571 = arith.constant 0 : i32
      %eq3A_572 = arith.cmpi eq, %select_n3A_28, %eq3A_571 : i32
      %and3A_573 = arith.andi %lt3A_30, %eq3A_572 : i1
      %convert_element_type3A_574 = arith.extui %and3A_573 : i1 to i32
      %cond3A_575 = arith.constant 0 : i32
      %cond3A_576 = arith.cmpi ne, %convert_element_type3A_574, %cond3A_575 : i32
      scf.if %cond3A_576 {
        %broadcast_in_dim3A_591 = vector.broadcast %scan3A_192 : i32 to vector<16xi32>
        tpu.vector_store_idx %arg24[%broadcast_in_dim3A_591], %convert_element_type3A_483 masked %eq3A_57 : memref<112xi32, #tpu.memory_space<vmem>>[vector<16xi32>], vector<16xi32>, vector<16xi1>
        tpu.vector_store_idx %arg25[%broadcast_in_dim3A_591], %select_n3A_555 masked %eq3A_57 : memref<112xf32, #tpu.memory_space<vmem>>[vector<16xi32>], vector<16xf32>, vector<16xi1>
        %mul3A_592 = arith.mulf %select_n3A_481, %select_n3A_555 : vector<16xf32>
        tpu.vector_store_idx %arg26[%broadcast_in_dim3A_591], %mul3A_592 masked %eq3A_57 : memref<112xf32, #tpu.memory_space<vmem>>[vector<16xi32>], vector<16xf32>, vector<16xi1>
        %add3A_593 = arith.addf %gather3A_495, %gather3A_519 : vector<16xf32>
        %mul3A_594 = arith.constant 5.000000e-01 : f32
        %mul3A_595 = vector.broadcast %mul3A_594 : f32 to vector<16xf32>
        %mul3A_596 = arith.mulf %add3A_593, %mul3A_595 : vector<16xf32>
        %mul3A_597 = arith.mulf %mul3A_596, %select_n3A_555 : vector<16xf32>
        tpu.vector_store_idx %arg27[%broadcast_in_dim3A_591], %mul3A_597 masked %eq3A_57 : memref<112xf32, #tpu.memory_space<vmem>>[vector<16xi32>], vector<16xf32>, vector<16xi1>
        %add3A_598 = arith.addf %gather3A_507, %gather3A_531 : vector<16xf32>
        %mul3A_599 = arith.constant 5.000000e-01 : f32
        %mul3A_600 = vector.broadcast %mul3A_599 : f32 to vector<16xf32>
        %mul3A_601 = arith.mulf %add3A_598, %mul3A_600 : vector<16xf32>
        %mul3A_602 = arith.mulf %mul3A_601, %select_n3A_555 : vector<16xf32>
        tpu.vector_store_idx %arg28[%broadcast_in_dim3A_591], %mul3A_602 masked %eq3A_57 : memref<112xf32, #tpu.memory_space<vmem>>[vector<16xi32>], vector<16xf32>, vector<16xi1>
        %sub3A_603 = arith.subf %gather3A_519, %gather3A_495 : vector<16xf32>
        %mul3A_604 = arith.mulf %sub3A_603, %select_n3A_555 : vector<16xf32>
        tpu.vector_store_idx %arg29[%broadcast_in_dim3A_591], %mul3A_604 masked %eq3A_57 : memref<112xf32, #tpu.memory_space<vmem>>[vector<16xi32>], vector<16xf32>, vector<16xi1>
        %sub3A_605 = arith.subf %gather3A_531, %gather3A_507 : vector<16xf32>
        %mul3A_606 = arith.mulf %sub3A_605, %select_n3A_555 : vector<16xf32>
        tpu.vector_store_idx %arg30[%broadcast_in_dim3A_591], %mul3A_606 masked %eq3A_57 : memref<112xf32, #tpu.memory_space<vmem>>[vector<16xi32>], vector<16xf32>, vector<16xi1>
        %jit3A_607 = arith.constant -1 : i32
        %broadcast_in_dim3A_608 = vector.broadcast %jit3A_607 : i32 to vector<16xi32>
        %select_n3A_609 = arith.select %gt3A_550, %convert_element_type3A_544, %broadcast_in_dim3A_608 : vector<16xi1>, vector<16xi32>
        tpu.vector_store_idx %arg31[%broadcast_in_dim3A_591], %select_n3A_609 masked %eq3A_57 : memref<112xi32, #tpu.memory_space<vmem>>[vector<16xi32>], vector<16xi32>, vector<16xi1>
      } else {
      }
      %jit3A_577 = arith.constant 1 : i32
      %jit3A_578 = arith.constant 0 : i32
      %broadcast_in_dim3A_579 = vector.broadcast %jit3A_577 : i32 to vector<16xi32>
      %broadcast_in_dim3A_580 = vector.broadcast %jit3A_578 : i32 to vector<16xi32>
      %select_n3A_581 = arith.select %gt3A_550, %broadcast_in_dim3A_579, %broadcast_in_dim3A_580 : vector<16xi1>, vector<16xi32>
      %add3A_582 = arith.addi %scan3A_195, %select_n3A_581 : vector<16xi32>
      %broadcast_in_dim3A_583 = arith.constant -2.000000e+00 : f32
      %broadcast_in_dim3A_584 = vector.broadcast %broadcast_in_dim3A_583 : f32 to vector<16xf32>
      %broadcast_in_dim3A_585 = arith.constant 0 : i32
      %broadcast_in_dim3A_586 = vector.broadcast %broadcast_in_dim3A_585 : i32 to vector<16xi32>
      %parallel_loop3A_587 = arith.constant 0 : i32
      %parallel_loop3A_588 = arith.constant 313 : i32
      %parallel_loop3A_589 = arith.constant 1 : i32
      %parallel_loop3A_590:2 = scf.for %parallel_loop3A_591 = %parallel_loop3A_587 to %parallel_loop3A_588 step %parallel_loop3A_589 iter_args(%parallel_loop3A_592 = %broadcast_in_dim3A_584, %parallel_loop3A_593 = %broadcast_in_dim3A_586) -> (vector<16xf32>, vector<16xi32>)  : i32 {
        %parallel_loop3A_594 = arith.constant 16 : i32
        %parallel_loop3A_595 = arith.muli %parallel_loop3A_591, %parallel_loop3A_594 : i32
        %parallel_loop3A_596 = arith.index_cast %parallel_loop3A_595 : i32 to index
        %parallel_loop3A_597 = tpu.vector_load %arg17[%parallel_loop3A_596] {strides = array<i32>} : memref<5008xf32, #tpu.memory_space<vmem>>, vector<16xf32>,
        %parallel_loop3A_598 = arith.index_cast %parallel_loop3A_595 : i32 to index
        %parallel_loop3A_599 = tpu.vector_load %arg19[%parallel_loop3A_598] {strides = array<i32>} : memref<5008xf32, #tpu.memory_space<vmem>>, vector<16xf32>,
        %parallel_loop3A_600 = arith.index_cast %parallel_loop3A_595 : i32 to index
        %parallel_loop3A_601 = tpu.vector_load %arg20[%parallel_loop3A_600] {strides = array<i32>} : memref<5008xf32, #tpu.memory_space<vmem>>, vector<16xf32>,
        %parallel_loop3A_602 = arith.index_cast %parallel_loop3A_595 : i32 to index
        %parallel_loop3A_603 = tpu.vector_load %arg21[%parallel_loop3A_602] {strides = array<i32>} : memref<5008xf32, #tpu.memory_space<vmem>>, vector<16xf32>,
        %parallel_loop3A_604 = arith.index_cast %parallel_loop3A_595 : i32 to index
        %parallel_loop3A_605 = tpu.vector_load %arg22[%parallel_loop3A_604] {strides = array<i32>} : memref<5008xf32, #tpu.memory_space<vmem>>, vector<16xf32>,
        %parallel_loop3A_606 = arith.maximumf %gather3A_495, %parallel_loop3A_599 : vector<16xf32>
        %parallel_loop3A_607 = arith.maximumf %gather3A_507, %parallel_loop3A_601 : vector<16xf32>
        %parallel_loop3A_608 = arith.minimumf %gather3A_519, %parallel_loop3A_603 : vector<16xf32>
        %parallel_loop3A_609 = arith.minimumf %gather3A_531, %parallel_loop3A_605 : vector<16xf32>
        %parallel_loop3A_610 = arith.subf %parallel_loop3A_608, %parallel_loop3A_606 : vector<16xf32>
        %parallel_loop3A_611 = arith.constant 0.000000e+00 : f32
        %parallel_loop3A_612 = vector.broadcast %parallel_loop3A_611 : f32 to vector<16xf32>
        %parallel_loop3A_613 = arith.maximumf %parallel_loop3A_610, %parallel_loop3A_612 : vector<16xf32>
        %parallel_loop3A_614 = arith.subf %parallel_loop3A_609, %parallel_loop3A_607 : vector<16xf32>
        %parallel_loop3A_615 = arith.constant 0.000000e+00 : f32
        %parallel_loop3A_616 = vector.broadcast %parallel_loop3A_615 : f32 to vector<16xf32>
        %parallel_loop3A_617 = arith.maximumf %parallel_loop3A_614, %parallel_loop3A_616 : vector<16xf32>
        %parallel_loop3A_618 = arith.mulf %parallel_loop3A_613, %parallel_loop3A_617 : vector<16xf32>
        %parallel_loop3A_619 = arith.index_cast %parallel_loop3A_595 : i32 to index
        %parallel_loop3A_620 = tpu.vector_load %arg23[%parallel_loop3A_619] {strides = array<i32>} : memref<5008xf32, #tpu.memory_space<vmem>>, vector<16xf32>,
        %parallel_loop3A_621 = arith.addf %mul3A_547, %parallel_loop3A_620 : vector<16xf32>
        %parallel_loop3A_622 = arith.subf %parallel_loop3A_621, %parallel_loop3A_618 : vector<16xf32>
        %parallel_loop3A_623 = arith.constant 9.99999971E-10 : f32
        %parallel_loop3A_624 = vector.broadcast %parallel_loop3A_623 : f32 to vector<16xf32>
        %parallel_loop3A_625 = arith.addf %parallel_loop3A_622, %parallel_loop3A_624 : vector<16xf32>
        %parallel_loop3A_626 = arith.divf %parallel_loop3A_618, %parallel_loop3A_625 : vector<16xf32>
        %parallel_loop3A_627 = arith.constant 16 : i32
        %parallel_loop3A_628 = arith.muli %parallel_loop3A_591, %parallel_loop3A_627 : i32
        %parallel_loop3A_629 = arith.addi %multiple_of3A, %parallel_loop3A_628 : i32
        %parallel_loop3A_630 = vector.broadcast %parallel_loop3A_629 : i32 to vector<16xi32>
        %parallel_loop3A_631 = arith.addi %iota3A, %parallel_loop3A_630 : vector<16xi32>
        %parallel_loop3A_632 = arith.constant 4.500000e-01 : f32
        %parallel_loop3A_633 = vector.broadcast %parallel_loop3A_632 : f32 to vector<16xf32>
        %parallel_loop3A_634 = arith.cmpf ogt, %parallel_loop3A_626, %parallel_loop3A_633 : vector<16xf32>
        %parallel_loop3A_635 = arith.constant -1.000000e+00 : f32
        %parallel_loop3A_636 = vector.broadcast %parallel_loop3A_635 : f32 to vector<16xf32>
        %parallel_loop3A_637 = arith.select %parallel_loop3A_634, %parallel_loop3A_636, %parallel_loop3A_597 : vector<16xi1>, vector<16xf32>
        %parallel_loop3A_638 = arith.index_cast %parallel_loop3A_595 : i32 to index
        %parallel_loop3A_639 = tpu.vector_load %arg17[%parallel_loop3A_638] {strides = array<i32>} : memref<5008xf32, #tpu.memory_space<vmem>>, vector<16xf32>,
        tpu.vector_store %arg17[%parallel_loop3A_638], %parallel_loop3A_637 {strides = array<i32>} : memref<5008xf32, #tpu.memory_space<vmem>>, vector<16xf32>,
        %parallel_loop3A_640 = arith.cmpf ogt, %parallel_loop3A_637, %parallel_loop3A_592 : vector<16xf32>
        %parallel_loop3A_641 = arith.select %parallel_loop3A_640, %parallel_loop3A_637, %parallel_loop3A_592 : vector<16xi1>, vector<16xf32>
        %parallel_loop3A_642 = arith.select %parallel_loop3A_640, %parallel_loop3A_631, %parallel_loop3A_593 : vector<16xi1>, vector<16xi32>
        scf.yield %parallel_loop3A_641, %parallel_loop3A_642 : vector<16xf32>, vector<16xi32>
      } {sc.loop_unroll_factor = 8 : i64, sc.parallel_access}
      scf.yield %parallel_loop3A_590#0, %parallel_loop3A_590#1, %add3A_582 : vector<16xf32>, vector<16xi32>, vector<16xi32>
    }
    %scan3A_185 = arith.constant 100 : i32
    %eq3A_186 = arith.constant 0 : i32
    %eq3A_187 = arith.cmpi eq, %select_n3A_28, %eq3A_186 : i32
    %and3A_188 = arith.andi %lt3A_30, %eq3A_187 : i1
    %convert_element_type3A_189 = arith.extui %and3A_188 : i1 to i32
    %cond3A_190 = arith.constant 0 : i32
    %cond3A_191 = arith.cmpi ne, %convert_element_type3A_189, %cond3A_190 : i32
    scf.if %cond3A_191 {
      %swap3A_192 = arith.constant 0 : index
      %swap3A_193 = tpu.vector_load %arg32[%swap3A_192] {strides = array<i32>} : memref<16xi32, #tpu.memory_space<vmem>>, vector<16xi32>,
      tpu.vector_store %arg32[%swap3A_192], %scan3A_184#2 {strides = array<i32>} : memref<16xi32, #tpu.memory_space<vmem>>, vector<16xi32>,
      %mul3A_194 = arith.constant 16 : i32
      %mul3A_195 = arith.muli %add3A_32, %mul3A_194 : i32
      %multiple_of3A_196 = tpu.assume_multiple %mul3A_195, 16 : i32
      %mul3A_197 = arith.constant 112 : i32
      %mul3A_198 = arith.muli %add3A_32, %mul3A_197 : i32
      %multiple_of3A_199 = tpu.assume_multiple %mul3A_198, 16 : i32
      "tpu.region"() ({
        %run_scoped3A = tpu.sem_alloc : memref<!tpu.dma_semaphore, #tpu.memory_space<semaphore_mem>>
        %dma_start3A = tpu.memref_slice %arg9[%multiple_of3A_196] : memref<128xi32, #tpu.memory_space<hbm>> -> memref<16xi32, #tpu.memory_space<hbm>>
        %dma_start3A_200 = tpu.memref_slice %arg9[%multiple_of3A_196] : memref<128xi32, #tpu.memory_space<hbm>> -> memref<16xi32, #tpu.memory_space<hbm>>
        tpu.enqueue_dma source(%arg32 : memref<16xi32, #tpu.memory_space<vmem>>) target(%dma_start3A_200 : memref<16xi32, #tpu.memory_space<hbm>>) target_semaphore(%run_scoped3A : memref<!tpu.dma_semaphore, #tpu.memory_space<semaphore_mem>>)
        %dma_wait3A = tpu.memref_slice %arg9[%multiple_of3A_196] : memref<128xi32, #tpu.memory_space<hbm>> -> memref<16xi32, #tpu.memory_space<hbm>>
        %dma_wait3A_201 = tpu.memref_slice %arg9[%multiple_of3A_196] : memref<128xi32, #tpu.memory_space<hbm>> -> memref<16xi32, #tpu.memory_space<hbm>>
        tpu.wait_dma2 semaphore(%run_scoped3A : memref<!tpu.dma_semaphore, #tpu.memory_space<semaphore_mem>>) src(%arg32 : memref<16xi32, #tpu.memory_space<vmem>>) dst(%dma_wait3A_201 : memref<16xi32, #tpu.memory_space<hbm>>)
        tpu.yield
      }) : () -> ()
      "tpu.region"() ({
        %run_scoped3A = tpu.sem_alloc : memref<!tpu.dma_semaphore, #tpu.memory_space<semaphore_mem>>
        %dma_start3A = tpu.memref_slice %arg10[%multiple_of3A_199] : memref<896xf32, #tpu.memory_space<hbm>> -> memref<112xf32, #tpu.memory_space<hbm>>
        %dma_start3A_200 = tpu.memref_slice %arg10[%multiple_of3A_199] : memref<896xf32, #tpu.memory_space<hbm>> -> memref<112xf32, #tpu.memory_space<hbm>>
        tpu.enqueue_dma source(%arg26 : memref<112xf32, #tpu.memory_space<vmem>>) target(%dma_start3A_200 : memref<112xf32, #tpu.memory_space<hbm>>) target_semaphore(%run_scoped3A : memref<!tpu.dma_semaphore, #tpu.memory_space<semaphore_mem>>)
        %dma_wait3A = tpu.memref_slice %arg10[%multiple_of3A_199] : memref<896xf32, #tpu.memory_space<hbm>> -> memref<112xf32, #tpu.memory_space<hbm>>
        %dma_wait3A_201 = tpu.memref_slice %arg10[%multiple_of3A_199] : memref<896xf32, #tpu.memory_space<hbm>> -> memref<112xf32, #tpu.memory_space<hbm>>
        tpu.wait_dma2 semaphore(%run_scoped3A : memref<!tpu.dma_semaphore, #tpu.memory_space<semaphore_mem>>) src(%arg26 : memref<112xf32, #tpu.memory_space<vmem>>) dst(%dma_wait3A_201 : memref<112xf32, #tpu.memory_space<hbm>>)
        tpu.yield
      }) : () -> ()
      "tpu.region"() ({
        %run_scoped3A = tpu.sem_alloc : memref<!tpu.dma_semaphore, #tpu.memory_space<semaphore_mem>>
        %dma_start3A = tpu.memref_slice %arg11[%multiple_of3A_199] : memref<896xi32, #tpu.memory_space<hbm>> -> memref<112xi32, #tpu.memory_space<hbm>>
        %dma_start3A_200 = tpu.memref_slice %arg11[%multiple_of3A_199] : memref<896xi32, #tpu.memory_space<hbm>> -> memref<112xi32, #tpu.memory_space<hbm>>
        tpu.enqueue_dma source(%arg31 : memref<112xi32, #tpu.memory_space<vmem>>) target(%dma_start3A_200 : memref<112xi32, #tpu.memory_space<hbm>>) target_semaphore(%run_scoped3A : memref<!tpu.dma_semaphore, #tpu.memory_space<semaphore_mem>>)
        %dma_wait3A = tpu.memref_slice %arg11[%multiple_of3A_199] : memref<896xi32, #tpu.memory_space<hbm>> -> memref<112xi32, #tpu.memory_space<hbm>>
        %dma_wait3A_201 = tpu.memref_slice %arg11[%multiple_of3A_199] : memref<896xi32, #tpu.memory_space<hbm>> -> memref<112xi32, #tpu.memory_space<hbm>>
        tpu.wait_dma2 semaphore(%run_scoped3A : memref<!tpu.dma_semaphore, #tpu.memory_space<semaphore_mem>>) src(%arg31 : memref<112xi32, #tpu.memory_space<vmem>>) dst(%dma_wait3A_201 : memref<112xi32, #tpu.memory_space<hbm>>)
        tpu.yield
      }) : () -> ()
      "tpu.region"() ({
        %run_scoped3A = tpu.sem_alloc : memref<!tpu.dma_semaphore, #tpu.memory_space<semaphore_mem>>
        %dma_start3A = tpu.memref_slice %arg12[%multiple_of3A_199] : memref<896xi32, #tpu.memory_space<hbm>> -> memref<112xi32, #tpu.memory_space<hbm>>
        %dma_start3A_200 = tpu.memref_slice %arg12[%multiple_of3A_199] : memref<896xi32, #tpu.memory_space<hbm>> -> memref<112xi32, #tpu.memory_space<hbm>>
        tpu.enqueue_dma source(%arg24 : memref<112xi32, #tpu.memory_space<vmem>>) target(%dma_start3A_200 : memref<112xi32, #tpu.memory_space<hbm>>) target_semaphore(%run_scoped3A : memref<!tpu.dma_semaphore, #tpu.memory_space<semaphore_mem>>)
        %dma_wait3A = tpu.memref_slice %arg12[%multiple_of3A_199] : memref<896xi32, #tpu.memory_space<hbm>> -> memref<112xi32, #tpu.memory_space<hbm>>
        %dma_wait3A_201 = tpu.memref_slice %arg12[%multiple_of3A_199] : memref<896xi32, #tpu.memory_space<hbm>> -> memref<112xi32, #tpu.memory_space<hbm>>
        tpu.wait_dma2 semaphore(%run_scoped3A : memref<!tpu.dma_semaphore, #tpu.memory_space<semaphore_mem>>) src(%arg24 : memref<112xi32, #tpu.memory_space<vmem>>) dst(%dma_wait3A_201 : memref<112xi32, #tpu.memory_space<hbm>>)
        tpu.yield
      }) : () -> ()
      "tpu.region"() ({
        %run_scoped3A = tpu.sem_alloc : memref<!tpu.dma_semaphore, #tpu.memory_space<semaphore_mem>>
        %dma_start3A = tpu.memref_slice %arg13[%multiple_of3A_199] : memref<896xf32, #tpu.memory_space<hbm>> -> memref<112xf32, #tpu.memory_space<hbm>>
        %dma_start3A_200 = tpu.memref_slice %arg13[%multiple_of3A_199] : memref<896xf32, #tpu.memory_space<hbm>> -> memref<112xf32, #tpu.memory_space<hbm>>
        tpu.enqueue_dma source(%arg27 : memref<112xf32, #tpu.memory_space<vmem>>) target(%dma_start3A_200 : memref<112xf32, #tpu.memory_space<hbm>>) target_semaphore(%run_scoped3A : memref<!tpu.dma_semaphore, #tpu.memory_space<semaphore_mem>>)
        %dma_wait3A = tpu.memref_slice %arg13[%multiple_of3A_199] : memref<896xf32, #tpu.memory_space<hbm>> -> memref<112xf32, #tpu.memory_space<hbm>>
        %dma_wait3A_201 = tpu.memref_slice %arg13[%multiple_of3A_199] : memref<896xf32, #tpu.memory_space<hbm>> -> memref<112xf32, #tpu.memory_space<hbm>>
        tpu.wait_dma2 semaphore(%run_scoped3A : memref<!tpu.dma_semaphore, #tpu.memory_space<semaphore_mem>>) src(%arg27 : memref<112xf32, #tpu.memory_space<vmem>>) dst(%dma_wait3A_201 : memref<112xf32, #tpu.memory_space<hbm>>)
        tpu.yield
      }) : () -> ()
      "tpu.region"() ({
        %run_scoped3A = tpu.sem_alloc : memref<!tpu.dma_semaphore, #tpu.memory_space<semaphore_mem>>
        %dma_start3A = tpu.memref_slice %arg14[%multiple_of3A_199] : memref<896xf32, #tpu.memory_space<hbm>> -> memref<112xf32, #tpu.memory_space<hbm>>
        %dma_start3A_200 = tpu.memref_slice %arg14[%multiple_of3A_199] : memref<896xf32, #tpu.memory_space<hbm>> -> memref<112xf32, #tpu.memory_space<hbm>>
        tpu.enqueue_dma source(%arg28 : memref<112xf32, #tpu.memory_space<vmem>>) target(%dma_start3A_200 : memref<112xf32, #tpu.memory_space<hbm>>) target_semaphore(%run_scoped3A : memref<!tpu.dma_semaphore, #tpu.memory_space<semaphore_mem>>)
        %dma_wait3A = tpu.memref_slice %arg14[%multiple_of3A_199] : memref<896xf32, #tpu.memory_space<hbm>> -> memref<112xf32, #tpu.memory_space<hbm>>
        %dma_wait3A_201 = tpu.memref_slice %arg14[%multiple_of3A_199] : memref<896xf32, #tpu.memory_space<hbm>> -> memref<112xf32, #tpu.memory_space<hbm>>
        tpu.wait_dma2 semaphore(%run_scoped3A : memref<!tpu.dma_semaphore, #tpu.memory_space<semaphore_mem>>) src(%arg28 : memref<112xf32, #tpu.memory_space<vmem>>) dst(%dma_wait3A_201 : memref<112xf32, #tpu.memory_space<hbm>>)
        tpu.yield
      }) : () -> ()
      "tpu.region"() ({
        %run_scoped3A = tpu.sem_alloc : memref<!tpu.dma_semaphore, #tpu.memory_space<semaphore_mem>>
        %dma_start3A = tpu.memref_slice %arg15[%multiple_of3A_199] : memref<896xf32, #tpu.memory_space<hbm>> -> memref<112xf32, #tpu.memory_space<hbm>>
        %dma_start3A_200 = tpu.memref_slice %arg15[%multiple_of3A_199] : memref<896xf32, #tpu.memory_space<hbm>> -> memref<112xf32, #tpu.memory_space<hbm>>
        tpu.enqueue_dma source(%arg29 : memref<112xf32, #tpu.memory_space<vmem>>) target(%dma_start3A_200 : memref<112xf32, #tpu.memory_space<hbm>>) target_semaphore(%run_scoped3A : memref<!tpu.dma_semaphore, #tpu.memory_space<semaphore_mem>>)
        %dma_wait3A = tpu.memref_slice %arg15[%multiple_of3A_199] : memref<896xf32, #tpu.memory_space<hbm>> -> memref<112xf32, #tpu.memory_space<hbm>>
        %dma_wait3A_201 = tpu.memref_slice %arg15[%multiple_of3A_199] : memref<896xf32, #tpu.memory_space<hbm>> -> memref<112xf32, #tpu.memory_space<hbm>>
        tpu.wait_dma2 semaphore(%run_scoped3A : memref<!tpu.dma_semaphore, #tpu.memory_space<semaphore_mem>>) src(%arg29 : memref<112xf32, #tpu.memory_space<vmem>>) dst(%dma_wait3A_201 : memref<112xf32, #tpu.memory_space<hbm>>)
        tpu.yield
      }) : () -> ()
      "tpu.region"() ({
        %run_scoped3A = tpu.sem_alloc : memref<!tpu.dma_semaphore, #tpu.memory_space<semaphore_mem>>
        %dma_start3A = tpu.memref_slice %arg16[%multiple_of3A_199] : memref<896xf32, #tpu.memory_space<hbm>> -> memref<112xf32, #tpu.memory_space<hbm>>
        %dma_start3A_200 = tpu.memref_slice %arg16[%multiple_of3A_199] : memref<896xf32, #tpu.memory_space<hbm>> -> memref<112xf32, #tpu.memory_space<hbm>>
        tpu.enqueue_dma source(%arg30 : memref<112xf32, #tpu.memory_space<vmem>>) target(%dma_start3A_200 : memref<112xf32, #tpu.memory_space<hbm>>) target_semaphore(%run_scoped3A : memref<!tpu.dma_semaphore, #tpu.memory_space<semaphore_mem>>)
        %dma_wait3A = tpu.memref_slice %arg16[%multiple_of3A_199] : memref<896xf32, #tpu.memory_space<hbm>> -> memref<112xf32, #tpu.memory_space<hbm>>
        %dma_wait3A_201 = tpu.memref_slice %arg16[%multiple_of3A_199] : memref<896xf32, #tpu.memory_space<hbm>> -> memref<112xf32, #tpu.memory_space<hbm>>
        tpu.wait_dma2 semaphore(%run_scoped3A : memref<!tpu.dma_semaphore, #tpu.memory_space<semaphore_mem>>) src(%arg30 : memref<112xf32, #tpu.memory_space<vmem>>) dst(%dma_wait3A_201 : memref<112xf32, #tpu.memory_space<hbm>>)
        tpu.yield
      }) : () -> ()
    } else {
    }
    return
  }
}

module attributes {stable_mosaic.version = 14 : i64} {
  func.func @_prep_tc_kernel(%arg0: i32, %arg1: memref<1x84x20000xf32, #tpu.memory_space<vmem>>, %arg2: memref<1x1x20000xf32, #tpu.memory_space<vmem>>, %arg3: memref<1x1x20000xi32, #tpu.memory_space<vmem>>, %arg4: memref<1x1x20000xf32, #tpu.memory_space<vmem>>, %arg5: memref<1x1x20000xf32, #tpu.memory_space<vmem>>, %arg6: memref<1x1x20000xf32, #tpu.memory_space<vmem>>, %arg7: memref<1x1x20000xf32, #tpu.memory_space<vmem>>, %arg8: memref<1x1x20000xf32, #tpu.memory_space<vmem>>) attributes {dimension_semantics = [#tpu.dimension_semantics<parallel>], iteration_bounds = array<i64: 16>, scalar_prefetch = 0 : i64, scratch_operands = 0 : i64, tpu.core_type = #tpu.core_type<tc>, window_params = [{transform_indices = @transform_0, window_bounds = array<i64: 1, 84, 20000>}, {transform_indices = @transform_1, window_bounds = array<i64: 1, 1, 20000>}, {transform_indices = @transform_2, window_bounds = array<i64: 1, 1, 20000>}, {transform_indices = @transform_3, window_bounds = array<i64: 1, 1, 20000>}, {transform_indices = @transform_4, window_bounds = array<i64: 1, 1, 20000>}, {transform_indices = @transform_5, window_bounds = array<i64: 1, 1, 20000>}, {transform_indices = @transform_6, window_bounds = array<i64: 1, 1, 20000>}, {transform_indices = @transform_7, window_bounds = array<i64: 1, 1, 20000>}]} {
    %get3A = arith.constant 0 : index
    %get3A_0 = arith.constant 0 : index
    %get3A_1 = arith.constant 0 : index
    %get3A_2 = vector.load %arg1[%get3A, %get3A_0, %get3A_1] : memref<1x84x20000xf32, #tpu.memory_space<vmem>>, vector<1x84x20000xf32>
    %get3A_3 = vector.shape_cast %get3A_2 : vector<1x84x20000xf32> to vector<84x20000xf32>
    %slice3A = vector.extract_strided_slice %get3A_3 {offsets = [0, 0], sizes = [1, 20000], strides = [1, 1]} : vector<84x20000xf32> to vector<1x20000xf32>
    %slice3A_4 = vector.extract_strided_slice %get3A_3 {offsets = [1, 0], sizes = [1, 20000], strides = [1, 1]} : vector<84x20000xf32> to vector<1x20000xf32>
    %slice3A_5 = vector.extract_strided_slice %get3A_3 {offsets = [2, 0], sizes = [1, 20000], strides = [1, 1]} : vector<84x20000xf32> to vector<1x20000xf32>
    %slice3A_6 = vector.extract_strided_slice %get3A_3 {offsets = [3, 0], sizes = [1, 20000], strides = [1, 1]} : vector<84x20000xf32> to vector<1x20000xf32>
    %div3A = arith.constant 2.000000e+00 : f32
    %div3A_7 = vector.broadcast %div3A : f32 to vector<1x20000xf32>
    %div3A_8 = arith.divf %slice3A_5, %div3A_7 : vector<1x20000xf32>
    %sub3A = arith.subf %slice3A, %div3A_8 : vector<1x20000xf32>
    %div3A_9 = arith.constant 2.000000e+00 : f32
    %div3A_10 = vector.broadcast %div3A_9 : f32 to vector<1x20000xf32>
    %div3A_11 = arith.divf %slice3A_6, %div3A_10 : vector<1x20000xf32>
    %sub3A_12 = arith.subf %slice3A_4, %div3A_11 : vector<1x20000xf32>
    %div3A_13 = arith.constant 2.000000e+00 : f32
    %div3A_14 = vector.broadcast %div3A_13 : f32 to vector<1x20000xf32>
    %div3A_15 = arith.divf %slice3A_5, %div3A_14 : vector<1x20000xf32>
    %add3A = arith.addf %slice3A, %div3A_15 : vector<1x20000xf32>
    %div3A_16 = arith.constant 2.000000e+00 : f32
    %div3A_17 = vector.broadcast %div3A_16 : f32 to vector<1x20000xf32>
    %div3A_18 = arith.divf %slice3A_6, %div3A_17 : vector<1x20000xf32>
    %add3A_19 = arith.addf %slice3A_4, %div3A_18 : vector<1x20000xf32>
    %slice3A_20 = vector.extract_strided_slice %get3A_3 {offsets = [4, 0], sizes = [80, 20000], strides = [1, 1]} : vector<84x20000xf32> to vector<80x20000xf32>
    %reduce_max3A = arith.constant dense<0xFF800000> : vector<20000xf32>
    %reduce_max3A_21 = vector.multi_reduction <maximumf>, %slice3A_20, %reduce_max3A [0] : vector<80x20000xf32> to vector<20000xf32>
    %broadcast_in_dim3A = vector.shape_cast %reduce_max3A_21 : vector<20000xf32> to vector<1x20000xf32>
    %iota3A = tpu.iota {dimensions = array<i32: 0>} : vector<80x20000xi32>
    %eq3A = vector.broadcast %broadcast_in_dim3A : vector<1x20000xf32> to vector<80x20000xf32>
    %eq3A_22 = arith.cmpf oeq, %slice3A_20, %eq3A : vector<80x20000xf32>
    %jit3A = arith.constant 1073741824 : i32
    %broadcast_in_dim3A_23 = vector.broadcast %jit3A : i32 to vector<80x20000xi32>
    %select_n3A = arith.select %eq3A_22, %iota3A, %broadcast_in_dim3A_23 : vector<80x20000xi1>, vector<80x20000xi32>
    %reduce_min3A = arith.constant dense<2147483647> : vector<20000xi32>
    %reduce_min3A_24 = vector.multi_reduction <minsi>, %select_n3A, %reduce_min3A [0] : vector<80x20000xi32> to vector<20000xi32>
    %broadcast_in_dim3A_25 = vector.shape_cast %reduce_min3A_24 : vector<20000xi32> to vector<1x20000xi32>
    %gt3A = arith.constant 2.500000e-01 : f32
    %gt3A_26 = vector.broadcast %gt3A : f32 to vector<1x20000xf32>
    %gt3A_27 = arith.cmpf ogt, %broadcast_in_dim3A, %gt3A_26 : vector<1x20000xf32>
    %jit3A_28 = arith.constant -1.000000e+00 : f32
    %broadcast_in_dim3A_29 = vector.broadcast %jit3A_28 : f32 to vector<1x20000xf32>
    %select_n3A_30 = arith.select %gt3A_27, %broadcast_in_dim3A, %broadcast_in_dim3A_29 : vector<1x20000xi1>, vector<1x20000xf32>
    %swap3A = arith.constant 0 : index
    %swap3A_31 = arith.constant 0 : index
    %swap3A_32 = arith.constant 0 : index
    %swap3A_33 = vector.load %arg2[%swap3A, %swap3A_31, %swap3A_32] : memref<1x1x20000xf32, #tpu.memory_space<vmem>>, vector<1x1x20000xf32>
    %swap3A_34 = vector.shape_cast %swap3A_33 : vector<1x1x20000xf32> to vector<1x20000xf32>
    %swap3A_35 = vector.shape_cast %select_n3A_30 : vector<1x20000xf32> to vector<1x1x20000xf32>
    tpu.vector_store %arg2[%swap3A, %swap3A_31, %swap3A_32], %swap3A_35 {strides = array<i32>} : memref<1x1x20000xf32, #tpu.memory_space<vmem>>, vector<1x1x20000xf32>,
    %swap3A_36 = arith.constant 0 : index
    %swap3A_37 = arith.constant 0 : index
    %swap3A_38 = arith.constant 0 : index
    %swap3A_39 = vector.load %arg3[%swap3A_36, %swap3A_37, %swap3A_38] : memref<1x1x20000xi32, #tpu.memory_space<vmem>>, vector<1x1x20000xi32>
    %swap3A_40 = vector.shape_cast %swap3A_39 : vector<1x1x20000xi32> to vector<1x20000xi32>
    %swap3A_41 = vector.shape_cast %broadcast_in_dim3A_25 : vector<1x20000xi32> to vector<1x1x20000xi32>
    tpu.vector_store %arg3[%swap3A_36, %swap3A_37, %swap3A_38], %swap3A_41 {strides = array<i32>} : memref<1x1x20000xi32, #tpu.memory_space<vmem>>, vector<1x1x20000xi32>,
    %swap3A_42 = arith.constant 0 : index
    %swap3A_43 = arith.constant 0 : index
    %swap3A_44 = arith.constant 0 : index
    %swap3A_45 = vector.load %arg4[%swap3A_42, %swap3A_43, %swap3A_44] : memref<1x1x20000xf32, #tpu.memory_space<vmem>>, vector<1x1x20000xf32>
    %swap3A_46 = vector.shape_cast %swap3A_45 : vector<1x1x20000xf32> to vector<1x20000xf32>
    %swap3A_47 = vector.shape_cast %sub3A : vector<1x20000xf32> to vector<1x1x20000xf32>
    tpu.vector_store %arg4[%swap3A_42, %swap3A_43, %swap3A_44], %swap3A_47 {strides = array<i32>} : memref<1x1x20000xf32, #tpu.memory_space<vmem>>, vector<1x1x20000xf32>,
    %swap3A_48 = arith.constant 0 : index
    %swap3A_49 = arith.constant 0 : index
    %swap3A_50 = arith.constant 0 : index
    %swap3A_51 = vector.load %arg5[%swap3A_48, %swap3A_49, %swap3A_50] : memref<1x1x20000xf32, #tpu.memory_space<vmem>>, vector<1x1x20000xf32>
    %swap3A_52 = vector.shape_cast %swap3A_51 : vector<1x1x20000xf32> to vector<1x20000xf32>
    %swap3A_53 = vector.shape_cast %sub3A_12 : vector<1x20000xf32> to vector<1x1x20000xf32>
    tpu.vector_store %arg5[%swap3A_48, %swap3A_49, %swap3A_50], %swap3A_53 {strides = array<i32>} : memref<1x1x20000xf32, #tpu.memory_space<vmem>>, vector<1x1x20000xf32>,
    %swap3A_54 = arith.constant 0 : index
    %swap3A_55 = arith.constant 0 : index
    %swap3A_56 = arith.constant 0 : index
    %swap3A_57 = vector.load %arg6[%swap3A_54, %swap3A_55, %swap3A_56] : memref<1x1x20000xf32, #tpu.memory_space<vmem>>, vector<1x1x20000xf32>
    %swap3A_58 = vector.shape_cast %swap3A_57 : vector<1x1x20000xf32> to vector<1x20000xf32>
    %swap3A_59 = vector.shape_cast %add3A : vector<1x20000xf32> to vector<1x1x20000xf32>
    tpu.vector_store %arg6[%swap3A_54, %swap3A_55, %swap3A_56], %swap3A_59 {strides = array<i32>} : memref<1x1x20000xf32, #tpu.memory_space<vmem>>, vector<1x1x20000xf32>,
    %swap3A_60 = arith.constant 0 : index
    %swap3A_61 = arith.constant 0 : index
    %swap3A_62 = arith.constant 0 : index
    %swap3A_63 = vector.load %arg7[%swap3A_60, %swap3A_61, %swap3A_62] : memref<1x1x20000xf32, #tpu.memory_space<vmem>>, vector<1x1x20000xf32>
    %swap3A_64 = vector.shape_cast %swap3A_63 : vector<1x1x20000xf32> to vector<1x20000xf32>
    %swap3A_65 = vector.shape_cast %add3A_19 : vector<1x20000xf32> to vector<1x1x20000xf32>
    tpu.vector_store %arg7[%swap3A_60, %swap3A_61, %swap3A_62], %swap3A_65 {strides = array<i32>} : memref<1x1x20000xf32, #tpu.memory_space<vmem>>, vector<1x1x20000xf32>,
    %sub3A_66 = arith.subf %add3A, %sub3A : vector<1x20000xf32>
    %sub3A_67 = arith.subf %add3A_19, %sub3A_12 : vector<1x20000xf32>
    %mul3A = arith.mulf %sub3A_66, %sub3A_67 : vector<1x20000xf32>
    %swap3A_68 = arith.constant 0 : index
    %swap3A_69 = arith.constant 0 : index
    %swap3A_70 = arith.constant 0 : index
    %swap3A_71 = vector.load %arg8[%swap3A_68, %swap3A_69, %swap3A_70] : memref<1x1x20000xf32, #tpu.memory_space<vmem>>, vector<1x1x20000xf32>
    %swap3A_72 = vector.shape_cast %swap3A_71 : vector<1x1x20000xf32> to vector<1x20000xf32>
    %swap3A_73 = vector.shape_cast %mul3A : vector<1x20000xf32> to vector<1x1x20000xf32>
    tpu.vector_store %arg8[%swap3A_68, %swap3A_69, %swap3A_70], %swap3A_73 {strides = array<i32>} : memref<1x1x20000xf32, #tpu.memory_space<vmem>>, vector<1x1x20000xf32>,
    return
  }
  func.func @transform_0(%arg0: i32) -> (i32, i32, i32) {
    %c0_i32 = arith.constant 0 : i32
    %c0_i32_0 = arith.constant 0 : i32
    %c0_i32_1 = arith.constant 0 : i32
    return %arg0, %c0_i32, %c0_i32_0 : i32, i32, i32
  }
  func.func @transform_1(%arg0: i32) -> (i32, i32, i32) {
    %c0_i32 = arith.constant 0 : i32
    %c0_i32_0 = arith.constant 0 : i32
    %c0_i32_1 = arith.constant 0 : i32
    return %arg0, %c0_i32, %c0_i32_0 : i32, i32, i32
  }
  func.func @transform_2(%arg0: i32) -> (i32, i32, i32) {
    %c0_i32 = arith.constant 0 : i32
    %c0_i32_0 = arith.constant 0 : i32
    %c0_i32_1 = arith.constant 0 : i32
    return %arg0, %c0_i32, %c0_i32_0 : i32, i32, i32
  }
  func.func @transform_3(%arg0: i32) -> (i32, i32, i32) {
    %c0_i32 = arith.constant 0 : i32
    %c0_i32_0 = arith.constant 0 : i32
    %c0_i32_1 = arith.constant 0 : i32
    return %arg0, %c0_i32, %c0_i32_0 : i32, i32, i32
  }
  func.func @transform_4(%arg0: i32) -> (i32, i32, i32) {
    %c0_i32 = arith.constant 0 : i32
    %c0_i32_0 = arith.constant 0 : i32
    %c0_i32_1 = arith.constant 0 : i32
    return %arg0, %c0_i32, %c0_i32_0 : i32, i32, i32
  }
  func.func @transform_5(%arg0: i32) -> (i32, i32, i32) {
    %c0_i32 = arith.constant 0 : i32
    %c0_i32_0 = arith.constant 0 : i32
    %c0_i32_1 = arith.constant 0 : i32
    return %arg0, %c0_i32, %c0_i32_0 : i32, i32, i32
  }
  func.func @transform_6(%arg0: i32) -> (i32, i32, i32) {
    %c0_i32 = arith.constant 0 : i32
    %c0_i32_0 = arith.constant 0 : i32
    %c0_i32_1 = arith.constant 0 : i32
    return %arg0, %c0_i32, %c0_i32_0 : i32, i32, i32
  }
  func.func @transform_7(%arg0: i32) -> (i32, i32, i32) {
    %c0_i32 = arith.constant 0 : i32
    %c0_i32_0 = arith.constant 0 : i32
    %c0_i32_1 = arith.constant 0 : i32
    return %arg0, %c0_i32, %c0_i32_0 : i32, i32, i32
  }
}

module attributes {stable_mosaic.version = 14 : i64} {
  func.func @_tc_nms_kernel(%arg0: memref<8x20000xf32, #tpu.memory_space<vmem>>, %arg1: memref<8x20000xi32, #tpu.memory_space<vmem>>, %arg2: memref<8x20000xf32, #tpu.memory_space<vmem>>, %arg3: memref<8x20000xf32, #tpu.memory_space<vmem>>, %arg4: memref<8x20000xf32, #tpu.memory_space<vmem>>, %arg5: memref<8x20000xf32, #tpu.memory_space<vmem>>, %arg6: memref<8x1xi32, #tpu.memory_space<vmem>>, %arg7: memref<8x100xf32, #tpu.memory_space<vmem>>, %arg8: memref<8x100xi32, #tpu.memory_space<vmem>>, %arg9: memref<8x100xi32, #tpu.memory_space<vmem>>, %arg10: memref<8x100xf32, #tpu.memory_space<vmem>>, %arg11: memref<8x100xf32, #tpu.memory_space<vmem>>, %arg12: memref<8x100xf32, #tpu.memory_space<vmem>>, %arg13: memref<8x100xf32, #tpu.memory_space<vmem>>) attributes {dimension_semantics = [], scalar_prefetch = 0 : i64, scratch_operands = 0 : i64, tpu.core_type = #tpu.core_type<tc>} {
    %get3A = arith.constant 0 : index
    %get3A_0 = arith.constant 0 : index
    %get3A_1 = vector.load %arg0[%get3A, %get3A_0] : memref<8x20000xf32, #tpu.memory_space<vmem>>, vector<8x20000xf32>
    %get3A_2 = arith.constant 0 : index
    %get3A_3 = arith.constant 0 : index
    %get3A_4 = vector.load %arg1[%get3A_2, %get3A_3] : memref<8x20000xi32, #tpu.memory_space<vmem>>, vector<8x20000xi32>
    %get3A_5 = arith.constant 0 : index
    %get3A_6 = arith.constant 0 : index
    %get3A_7 = vector.load %arg2[%get3A_5, %get3A_6] : memref<8x20000xf32, #tpu.memory_space<vmem>>, vector<8x20000xf32>
    %get3A_8 = arith.constant 0 : index
    %get3A_9 = arith.constant 0 : index
    %get3A_10 = vector.load %arg3[%get3A_8, %get3A_9] : memref<8x20000xf32, #tpu.memory_space<vmem>>, vector<8x20000xf32>
    %get3A_11 = arith.constant 0 : index
    %get3A_12 = arith.constant 0 : index
    %get3A_13 = vector.load %arg4[%get3A_11, %get3A_12] : memref<8x20000xf32, #tpu.memory_space<vmem>>, vector<8x20000xf32>
    %get3A_14 = arith.constant 0 : index
    %get3A_15 = arith.constant 0 : index
    %get3A_16 = vector.load %arg5[%get3A_14, %get3A_15] : memref<8x20000xf32, #tpu.memory_space<vmem>>, vector<8x20000xf32>
    %sub3A = arith.subf %get3A_13, %get3A_7 : vector<8x20000xf32>
    %sub3A_17 = arith.subf %get3A_16, %get3A_10 : vector<8x20000xf32>
    %mul3A = arith.mulf %sub3A, %sub3A_17 : vector<8x20000xf32>
    %iota3A = tpu.iota {dimensions = array<i32: 1>} : vector<8x20000xi32>
    %iota3A_18 = tpu.iota {dimensions = array<i32: 1>} : vector<8x100xi32>
    %broadcast_in_dim3A = arith.constant 0 : i32
    %broadcast_in_dim3A_19 = vector.broadcast %broadcast_in_dim3A : i32 to vector<8x1xi32>
    %broadcast_in_dim3A_20 = arith.constant 0.000000e+00 : f32
    %broadcast_in_dim3A_21 = vector.broadcast %broadcast_in_dim3A_20 : f32 to vector<8x100xf32>
    %broadcast_in_dim3A_22 = arith.constant 0 : i32
    %broadcast_in_dim3A_23 = vector.broadcast %broadcast_in_dim3A_22 : i32 to vector<8x100xi32>
    %broadcast_in_dim3A_24 = arith.constant 0 : i32
    %broadcast_in_dim3A_25 = vector.broadcast %broadcast_in_dim3A_24 : i32 to vector<8x100xi32>
    %broadcast_in_dim3A_26 = arith.constant 0.000000e+00 : f32
    %broadcast_in_dim3A_27 = vector.broadcast %broadcast_in_dim3A_26 : f32 to vector<8x100xf32>
    %broadcast_in_dim3A_28 = arith.constant 0.000000e+00 : f32
    %broadcast_in_dim3A_29 = vector.broadcast %broadcast_in_dim3A_28 : f32 to vector<8x100xf32>
    %broadcast_in_dim3A_30 = arith.constant 0.000000e+00 : f32
    %broadcast_in_dim3A_31 = vector.broadcast %broadcast_in_dim3A_30 : f32 to vector<8x100xf32>
    %broadcast_in_dim3A_32 = arith.constant 0.000000e+00 : f32
    %broadcast_in_dim3A_33 = vector.broadcast %broadcast_in_dim3A_32 : f32 to vector<8x100xf32>
    %scan3A = arith.constant 0 : i32
    %scan3A_34 = arith.constant 100 : i32
    %scan3A_35 = arith.addi %scan3A, %scan3A_34 : i32
    %scan3A_36 = arith.constant 1 : i32
    %scan3A_37:9 = scf.for %scan3A_62 = %scan3A to %scan3A_35 step %scan3A_36 iter_args(%scan3A_63 = %get3A_1, %scan3A_64 = %broadcast_in_dim3A_19, %scan3A_65 = %broadcast_in_dim3A_21, %scan3A_66 = %broadcast_in_dim3A_23, %scan3A_67 = %broadcast_in_dim3A_25, %scan3A_68 = %broadcast_in_dim3A_27, %scan3A_69 = %broadcast_in_dim3A_29, %scan3A_70 = %broadcast_in_dim3A_31, %scan3A_71 = %broadcast_in_dim3A_33) -> (vector<8x20000xf32>, vector<8x1xi32>, vector<8x100xf32>, vector<8x100xi32>, vector<8x100xi32>, vector<8x100xf32>, vector<8x100xf32>, vector<8x100xf32>, vector<8x100xf32>)  : i32 {
      %reduce_max3A = arith.constant dense<0xFF800000> : vector<8xf32>
      %reduce_max3A_72 = vector.multi_reduction <maximumf>, %scan3A_63, %reduce_max3A [1] : vector<8x20000xf32> to vector<8xf32>
      %broadcast_in_dim3A_73 = vector.shape_cast %reduce_max3A_72 : vector<8xf32> to vector<8x1xf32>
      %eq3A = vector.broadcast %broadcast_in_dim3A_73 : vector<8x1xf32> to vector<8x20000xf32>
      %eq3A_74 = arith.cmpf oeq, %scan3A_63, %eq3A : vector<8x20000xf32>
      %jit3A = arith.constant 1073741824 : i32
      %broadcast_in_dim3A_75 = vector.broadcast %jit3A : i32 to vector<8x20000xi32>
      %select_n3A = arith.select %eq3A_74, %iota3A, %broadcast_in_dim3A_75 : vector<8x20000xi1>, vector<8x20000xi32>
      %reduce_min3A = arith.constant dense<2147483647> : vector<8xi32>
      %reduce_min3A_76 = vector.multi_reduction <minsi>, %select_n3A, %reduce_min3A [1] : vector<8x20000xi32> to vector<8xi32>
      %broadcast_in_dim3A_77 = vector.shape_cast %reduce_min3A_76 : vector<8xi32> to vector<8x1xi32>
      %eq3A_78 = vector.broadcast %broadcast_in_dim3A_77 : vector<8x1xi32> to vector<8x20000xi32>
      %eq3A_79 = arith.cmpi eq, %iota3A, %eq3A_78 : vector<8x20000xi32>
      %jit3A_80 = arith.constant 0.000000e+00 : f32
      %broadcast_in_dim3A_81 = vector.broadcast %jit3A_80 : f32 to vector<8x20000xf32>
      %select_n3A_82 = arith.select %eq3A_79, %get3A_7, %broadcast_in_dim3A_81 : vector<8x20000xi1>, vector<8x20000xf32>
      %reduce_sum3A = arith.constant dense<0.000000e+00> : vector<8xf32>
      %reduce_sum3A_83 = vector.multi_reduction <add>, %select_n3A_82, %reduce_sum3A [1] : vector<8x20000xf32> to vector<8xf32>
      %broadcast_in_dim3A_84 = vector.shape_cast %reduce_sum3A_83 : vector<8xf32> to vector<8x1xf32>
      %jit3A_85 = arith.constant 0.000000e+00 : f32
      %broadcast_in_dim3A_86 = vector.broadcast %jit3A_85 : f32 to vector<8x20000xf32>
      %select_n3A_87 = arith.select %eq3A_79, %get3A_10, %broadcast_in_dim3A_86 : vector<8x20000xi1>, vector<8x20000xf32>
      %reduce_sum3A_88 = arith.constant dense<0.000000e+00> : vector<8xf32>
      %reduce_sum3A_89 = vector.multi_reduction <add>, %select_n3A_87, %reduce_sum3A_88 [1] : vector<8x20000xf32> to vector<8xf32>
      %broadcast_in_dim3A_90 = vector.shape_cast %reduce_sum3A_89 : vector<8xf32> to vector<8x1xf32>
      %jit3A_91 = arith.constant 0.000000e+00 : f32
      %broadcast_in_dim3A_92 = vector.broadcast %jit3A_91 : f32 to vector<8x20000xf32>
      %select_n3A_93 = arith.select %eq3A_79, %get3A_13, %broadcast_in_dim3A_92 : vector<8x20000xi1>, vector<8x20000xf32>
      %reduce_sum3A_94 = arith.constant dense<0.000000e+00> : vector<8xf32>
      %reduce_sum3A_95 = vector.multi_reduction <add>, %select_n3A_93, %reduce_sum3A_94 [1] : vector<8x20000xf32> to vector<8xf32>
      %broadcast_in_dim3A_96 = vector.shape_cast %reduce_sum3A_95 : vector<8xf32> to vector<8x1xf32>
      %jit3A_97 = arith.constant 0.000000e+00 : f32
      %broadcast_in_dim3A_98 = vector.broadcast %jit3A_97 : f32 to vector<8x20000xf32>
      %select_n3A_99 = arith.select %eq3A_79, %get3A_16, %broadcast_in_dim3A_98 : vector<8x20000xi1>, vector<8x20000xf32>
      %reduce_sum3A_100 = arith.constant dense<0.000000e+00> : vector<8xf32>
      %reduce_sum3A_101 = vector.multi_reduction <add>, %select_n3A_99, %reduce_sum3A_100 [1] : vector<8x20000xf32> to vector<8xf32>
      %broadcast_in_dim3A_102 = vector.shape_cast %reduce_sum3A_101 : vector<8xf32> to vector<8x1xf32>
      %jit3A_103 = arith.constant 0 : i32
      %broadcast_in_dim3A_104 = vector.broadcast %jit3A_103 : i32 to vector<8x20000xi32>
      %select_n3A_105 = arith.select %eq3A_79, %get3A_4, %broadcast_in_dim3A_104 : vector<8x20000xi1>, vector<8x20000xi32>
      %reduce_sum3A_106 = arith.constant dense<0> : vector<8xi32>
      %reduce_sum3A_107 = vector.multi_reduction <add>, %select_n3A_105, %reduce_sum3A_106 [1] : vector<8x20000xi32> to vector<8xi32>
      %broadcast_in_dim3A_108 = vector.shape_cast %reduce_sum3A_107 : vector<8xi32> to vector<8x1xi32>
      %max3A = vector.broadcast %broadcast_in_dim3A_84 : vector<8x1xf32> to vector<8x20000xf32>
      %max3A_109 = arith.maximumf %max3A, %get3A_7 : vector<8x20000xf32>
      %max3A_110 = vector.broadcast %broadcast_in_dim3A_90 : vector<8x1xf32> to vector<8x20000xf32>
      %max3A_111 = arith.maximumf %max3A_110, %get3A_10 : vector<8x20000xf32>
      %min3A = vector.broadcast %broadcast_in_dim3A_96 : vector<8x1xf32> to vector<8x20000xf32>
      %min3A_112 = arith.minimumf %min3A, %get3A_13 : vector<8x20000xf32>
      %min3A_113 = vector.broadcast %broadcast_in_dim3A_102 : vector<8x1xf32> to vector<8x20000xf32>
      %min3A_114 = arith.minimumf %min3A_113, %get3A_16 : vector<8x20000xf32>
      %sub3A_115 = arith.subf %min3A_112, %max3A_109 : vector<8x20000xf32>
      %jit3A_116 = arith.constant 0.000000e+00 : f32
      %max3A_117 = vector.broadcast %jit3A_116 : f32 to vector<8x20000xf32>
      %max3A_118 = arith.maximumf %max3A_117, %sub3A_115 : vector<8x20000xf32>
      %sub3A_119 = arith.subf %min3A_114, %max3A_111 : vector<8x20000xf32>
      %jit3A_120 = arith.constant 0.000000e+00 : f32
      %max3A_121 = vector.broadcast %jit3A_120 : f32 to vector<8x20000xf32>
      %max3A_122 = arith.maximumf %max3A_121, %sub3A_119 : vector<8x20000xf32>
      %mul3A_123 = arith.mulf %max3A_118, %max3A_122 : vector<8x20000xf32>
      %sub3A_124 = arith.subf %broadcast_in_dim3A_96, %broadcast_in_dim3A_84 : vector<8x1xf32>
      %sub3A_125 = arith.subf %broadcast_in_dim3A_102, %broadcast_in_dim3A_90 : vector<8x1xf32>
      %mul3A_126 = arith.mulf %sub3A_124, %sub3A_125 : vector<8x1xf32>
      %add3A = vector.broadcast %mul3A_126 : vector<8x1xf32> to vector<8x20000xf32>
      %add3A_127 = arith.addf %add3A, %mul3A : vector<8x20000xf32>
      %sub3A_128 = arith.subf %add3A_127, %mul3A_123 : vector<8x20000xf32>
      %add3A_129 = arith.constant 9.99999971E-10 : f32
      %add3A_130 = vector.broadcast %add3A_129 : f32 to vector<8x20000xf32>
      %add3A_131 = arith.addf %sub3A_128, %add3A_130 : vector<8x20000xf32>
      %div3A = arith.divf %mul3A_123, %add3A_131 : vector<8x20000xf32>
      %gt3A = arith.constant 4.500000e-01 : f32
      %gt3A_132 = vector.broadcast %gt3A : f32 to vector<8x20000xf32>
      %gt3A_133 = arith.cmpf ogt, %div3A, %gt3A_132 : vector<8x20000xf32>
      %jit3A_134 = arith.constant -1.000000e+00 : f32
      %broadcast_in_dim3A_135 = vector.broadcast %jit3A_134 : f32 to vector<8x20000xf32>
      %select_n3A_136 = arith.select %gt3A_133, %broadcast_in_dim3A_135, %scan3A_63 : vector<8x20000xi1>, vector<8x20000xf32>
      %jit3A_137 = arith.constant -1.000000e+00 : f32
      %broadcast_in_dim3A_138 = vector.broadcast %jit3A_137 : f32 to vector<8x20000xf32>
      %select_n3A_139 = arith.select %eq3A_79, %broadcast_in_dim3A_138, %select_n3A_136 : vector<8x20000xi1>, vector<8x20000xf32>
      %gt3A_140 = arith.constant 2.500000e-01 : f32
      %gt3A_141 = vector.broadcast %gt3A_140 : f32 to vector<8x1xf32>
      %gt3A_142 = arith.cmpf ogt, %broadcast_in_dim3A_73, %gt3A_141 : vector<8x1xf32>
      %eq3A_143 = vector.broadcast %scan3A_62 : i32 to vector<8x100xi32>
      %eq3A_144 = arith.cmpi eq, %iota3A_18, %eq3A_143 : vector<8x100xi32>
      %jit3A_145 = arith.constant 0.000000e+00 : f32
      %broadcast_in_dim3A_146 = vector.broadcast %jit3A_145 : f32 to vector<8x1xf32>
      %select_n3A_147 = arith.select %gt3A_142, %broadcast_in_dim3A_73, %broadcast_in_dim3A_146 : vector<8x1xi1>, vector<8x1xf32>
      %broadcast_in_dim3A_148 = vector.shape_cast %select_n3A_147 : vector<8x1xf32> to vector<8x1xf32>
      %broadcast_in_dim3A_149 = vector.broadcast %broadcast_in_dim3A_148 : vector<8x1xf32> to vector<8x100xf32>
      %select_n3A_150 = arith.select %eq3A_144, %broadcast_in_dim3A_149, %scan3A_65 : vector<8x100xi1>, vector<8x100xf32>
      %jit3A_151 = arith.constant -1 : i32
      %broadcast_in_dim3A_152 = vector.broadcast %jit3A_151 : i32 to vector<8x1xi32>
      %select_n3A_153 = arith.select %gt3A_142, %broadcast_in_dim3A_108, %broadcast_in_dim3A_152 : vector<8x1xi1>, vector<8x1xi32>
      %broadcast_in_dim3A_154 = vector.shape_cast %select_n3A_153 : vector<8x1xi32> to vector<8x1xi32>
      %broadcast_in_dim3A_155 = vector.broadcast %broadcast_in_dim3A_154 : vector<8x1xi32> to vector<8x100xi32>
      %select_n3A_156 = arith.select %eq3A_144, %broadcast_in_dim3A_155, %scan3A_66 : vector<8x100xi1>, vector<8x100xi32>
      %broadcast_in_dim3A_157 = vector.shape_cast %broadcast_in_dim3A_77 : vector<8x1xi32> to vector<8x1xi32>
      %broadcast_in_dim3A_158 = vector.broadcast %broadcast_in_dim3A_157 : vector<8x1xi32> to vector<8x100xi32>
      %select_n3A_159 = arith.select %eq3A_144, %broadcast_in_dim3A_158, %scan3A_67 : vector<8x100xi1>, vector<8x100xi32>
      %add3A_160 = arith.addf %broadcast_in_dim3A_84, %broadcast_in_dim3A_96 : vector<8x1xf32>
      %mul3A_161 = arith.constant 5.000000e-01 : f32
      %mul3A_162 = vector.broadcast %mul3A_161 : f32 to vector<8x1xf32>
      %mul3A_163 = arith.mulf %add3A_160, %mul3A_162 : vector<8x1xf32>
      %jit3A_164 = arith.constant 0.000000e+00 : f32
      %broadcast_in_dim3A_165 = vector.broadcast %jit3A_164 : f32 to vector<8x1xf32>
      %select_n3A_166 = arith.select %gt3A_142, %mul3A_163, %broadcast_in_dim3A_165 : vector<8x1xi1>, vector<8x1xf32>
      %broadcast_in_dim3A_167 = vector.shape_cast %select_n3A_166 : vector<8x1xf32> to vector<8x1xf32>
      %broadcast_in_dim3A_168 = vector.broadcast %broadcast_in_dim3A_167 : vector<8x1xf32> to vector<8x100xf32>
      %select_n3A_169 = arith.select %eq3A_144, %broadcast_in_dim3A_168, %scan3A_68 : vector<8x100xi1>, vector<8x100xf32>
      %add3A_170 = arith.addf %broadcast_in_dim3A_90, %broadcast_in_dim3A_102 : vector<8x1xf32>
      %mul3A_171 = arith.constant 5.000000e-01 : f32
      %mul3A_172 = vector.broadcast %mul3A_171 : f32 to vector<8x1xf32>
      %mul3A_173 = arith.mulf %add3A_170, %mul3A_172 : vector<8x1xf32>
      %jit3A_174 = arith.constant 0.000000e+00 : f32
      %broadcast_in_dim3A_175 = vector.broadcast %jit3A_174 : f32 to vector<8x1xf32>
      %select_n3A_176 = arith.select %gt3A_142, %mul3A_173, %broadcast_in_dim3A_175 : vector<8x1xi1>, vector<8x1xf32>
      %broadcast_in_dim3A_177 = vector.shape_cast %select_n3A_176 : vector<8x1xf32> to vector<8x1xf32>
      %broadcast_in_dim3A_178 = vector.broadcast %broadcast_in_dim3A_177 : vector<8x1xf32> to vector<8x100xf32>
      %select_n3A_179 = arith.select %eq3A_144, %broadcast_in_dim3A_178, %scan3A_69 : vector<8x100xi1>, vector<8x100xf32>
      %sub3A_180 = arith.subf %broadcast_in_dim3A_96, %broadcast_in_dim3A_84 : vector<8x1xf32>
      %jit3A_181 = arith.constant 0.000000e+00 : f32
      %broadcast_in_dim3A_182 = vector.broadcast %jit3A_181 : f32 to vector<8x1xf32>
      %select_n3A_183 = arith.select %gt3A_142, %sub3A_180, %broadcast_in_dim3A_182 : vector<8x1xi1>, vector<8x1xf32>
      %broadcast_in_dim3A_184 = vector.shape_cast %select_n3A_183 : vector<8x1xf32> to vector<8x1xf32>
      %broadcast_in_dim3A_185 = vector.broadcast %broadcast_in_dim3A_184 : vector<8x1xf32> to vector<8x100xf32>
      %select_n3A_186 = arith.select %eq3A_144, %broadcast_in_dim3A_185, %scan3A_70 : vector<8x100xi1>, vector<8x100xf32>
      %sub3A_187 = arith.subf %broadcast_in_dim3A_102, %broadcast_in_dim3A_90 : vector<8x1xf32>
      %jit3A_188 = arith.constant 0.000000e+00 : f32
      %broadcast_in_dim3A_189 = vector.broadcast %jit3A_188 : f32 to vector<8x1xf32>
      %select_n3A_190 = arith.select %gt3A_142, %sub3A_187, %broadcast_in_dim3A_189 : vector<8x1xi1>, vector<8x1xf32>
      %broadcast_in_dim3A_191 = vector.shape_cast %select_n3A_190 : vector<8x1xf32> to vector<8x1xf32>
      %broadcast_in_dim3A_192 = vector.broadcast %broadcast_in_dim3A_191 : vector<8x1xf32> to vector<8x100xf32>
      %select_n3A_193 = arith.select %eq3A_144, %broadcast_in_dim3A_192, %scan3A_71 : vector<8x100xi1>, vector<8x100xf32>
      %convert_element_type3A = arith.extui %gt3A_142 : vector<8x1xi1> to vector<8x1xi32>
      %add3A_194 = arith.addi %scan3A_64, %convert_element_type3A : vector<8x1xi32>
      scf.yield %select_n3A_139, %add3A_194, %select_n3A_150, %select_n3A_156, %select_n3A_159, %select_n3A_169, %select_n3A_179, %select_n3A_186, %select_n3A_193 : vector<8x20000xf32>, vector<8x1xi32>, vector<8x100xf32>, vector<8x100xi32>, vector<8x100xi32>, vector<8x100xf32>, vector<8x100xf32>, vector<8x100xf32>, vector<8x100xf32>
    }
    %scan3A_38 = arith.constant 100 : i32
    %swap3A = arith.constant 0 : index
    %swap3A_39 = arith.constant 0 : index
    %swap3A_40 = vector.load %arg6[%swap3A, %swap3A_39] : memref<8x1xi32, #tpu.memory_space<vmem>>, vector<8x1xi32>
    tpu.vector_store %arg6[%swap3A, %swap3A_39], %scan3A_37#1 {strides = array<i32>} : memref<8x1xi32, #tpu.memory_space<vmem>>, vector<8x1xi32>,
    %swap3A_41 = arith.constant 0 : index
    %swap3A_42 = arith.constant 0 : index
    %swap3A_43 = vector.load %arg7[%swap3A_41, %swap3A_42] : memref<8x100xf32, #tpu.memory_space<vmem>>, vector<8x100xf32>
    tpu.vector_store %arg7[%swap3A_41, %swap3A_42], %scan3A_37#2 {strides = array<i32>} : memref<8x100xf32, #tpu.memory_space<vmem>>, vector<8x100xf32>,
    %swap3A_44 = arith.constant 0 : index
    %swap3A_45 = arith.constant 0 : index
    %swap3A_46 = vector.load %arg8[%swap3A_44, %swap3A_45] : memref<8x100xi32, #tpu.memory_space<vmem>>, vector<8x100xi32>
    tpu.vector_store %arg8[%swap3A_44, %swap3A_45], %scan3A_37#3 {strides = array<i32>} : memref<8x100xi32, #tpu.memory_space<vmem>>, vector<8x100xi32>,
    %swap3A_47 = arith.constant 0 : index
    %swap3A_48 = arith.constant 0 : index
    %swap3A_49 = vector.load %arg9[%swap3A_47, %swap3A_48] : memref<8x100xi32, #tpu.memory_space<vmem>>, vector<8x100xi32>
    tpu.vector_store %arg9[%swap3A_47, %swap3A_48], %scan3A_37#4 {strides = array<i32>} : memref<8x100xi32, #tpu.memory_space<vmem>>, vector<8x100xi32>,
    %swap3A_50 = arith.constant 0 : index
    %swap3A_51 = arith.constant 0 : index
    %swap3A_52 = vector.load %arg10[%swap3A_50, %swap3A_51] : memref<8x100xf32, #tpu.memory_space<vmem>>, vector<8x100xf32>
    tpu.vector_store %arg10[%swap3A_50, %swap3A_51], %scan3A_37#5 {strides = array<i32>} : memref<8x100xf32, #tpu.memory_space<vmem>>, vector<8x100xf32>,
    %swap3A_53 = arith.constant 0 : index
    %swap3A_54 = arith.constant 0 : index
    %swap3A_55 = vector.load %arg11[%swap3A_53, %swap3A_54] : memref<8x100xf32, #tpu.memory_space<vmem>>, vector<8x100xf32>
    tpu.vector_store %arg11[%swap3A_53, %swap3A_54], %scan3A_37#6 {strides = array<i32>} : memref<8x100xf32, #tpu.memory_space<vmem>>, vector<8x100xf32>,
    %swap3A_56 = arith.constant 0 : index
    %swap3A_57 = arith.constant 0 : index
    %swap3A_58 = vector.load %arg12[%swap3A_56, %swap3A_57] : memref<8x100xf32, #tpu.memory_space<vmem>>, vector<8x100xf32>
    tpu.vector_store %arg12[%swap3A_56, %swap3A_57], %scan3A_37#7 {strides = array<i32>} : memref<8x100xf32, #tpu.memory_space<vmem>>, vector<8x100xf32>,
    %swap3A_59 = arith.constant 0 : index
    %swap3A_60 = arith.constant 0 : index
    %swap3A_61 = vector.load %arg13[%swap3A_59, %swap3A_60] : memref<8x100xf32, #tpu.memory_space<vmem>>, vector<8x100xf32>
    tpu.vector_store %arg13[%swap3A_59, %swap3A_60], %scan3A_37#8 {strides = array<i32>} : memref<8x100xf32, #tpu.memory_space<vmem>>, vector<8x100xf32>,
    return
  }
}

</mosaic_0001>

<sc_bundles>
// kernel: kernel.5.cloned.1.call-start
scs
__scs_entry_jumppad:
0x0: {  	(pc) =	sbr.rel $0x88, $3  }
0x1: {  	(tag) =	ssettag $0x0;
	lr =	simm.s32 $0x1  }
0x2: {  	[smem:$0x3FA0] =	sst lr;
	_ =	strace $0xD0000000  }
0x3: {  	_ = 	snop  }
0x4: {  	_ = 	snop  }
0x5: {  	_ = 	snop  }
0x6: {  	_ = 	snop  }
0x7: {  	_ = 	snop  }
__scs_overlays_trampoline_lowered:
0x8: {  	[smem:$0x3FAF] =	sst s0  }
0x9: {  	[smem:$0x3FB0] =	sst s1  }
0xa: {  	[smem:$0x3FB1] =	sst s2  }
0xb: {  	[smem:$0x3FB2] =	sst s3  }
0xc: {  	[smem:$0x3FB3] =	sst s4  }
0xd: {  	[smem:$0x3FB4] =	sst s5  }
0xe: {  	[smem:$0x3FB5] =	sst s6  }
0xf: {  	[smem:$0x3FB6] =	sst s7  }
0x10: {  	[smem:$0x3FB7] =	sst s8  }
0x11: {  	[smem:$0x3FB8] =	sst s9;
	s0 =	simm.s32 @!p0 $0x0  }
0x12: {  	s1 =	sld [smem:$0x3F9E];
	s0 =	simm.s32 @p0 $0x1  }
0x13: {  	[smem:$0x3FB9] =	sst s0;
	s0 =	simm.s32 @!p1 $0x0  }
0x14: {  	s2 =	sld [smem:$0x3F9D];
	s0 =	simm.s32 @p1 $0x1  }
0x15: {  	[smem:$0x3FBA] =	sst s0;
	s0 =	simm.s32 @!p2 $0x0  }
0x16: {  	s3 =	sld [smem:$0x3FDB];
	s0 =	simm.s32 @p2 $0x1  }
0x17: {  	s4 =	simm.s32 $0x1BF5;
	[smem:$0x3FBC] =	sst s0  }
0x18: {  	s0 =	sld [smem:$0x3F9F];
	_ =	swait.ge [sflag:s4], $0x0  }
0x19: {  	s7 =	sld [smem:$0x3FA0]  }
0x1a: {  	s8 =	sadd.s32 $0xFFFFE003, lr  }
0x1b: {  	s9 =	sadd.s32 $0xFFFFFEF7, lr;
	s5 =	simm.s32 $0xFFFFFFFF;
	p2 =	slt.u32 s8, $0xFFFFF086  }
0x1c: {  	p1 =	slt.u32 s9, $0xF7A;
	s5 =	simm.s32 @!p2 $0x0  }
0x1d: {  	s5 =	simm.s32 @p1 $0x1;
	p0 =	seq.s32 s7, s2  }
0x1e: {  	s7 =	smul.u32 @!p0 $0xF7A, s2;
	p2 =	seq.s32 @!p0 s5, $0x0  }
0x1f: {  	s9 =	smul.u32 $0xF7A, s1;
	s8 =	simm.s32 @!p0 $0x1BF5;
	p2 =	por !p2, p0  }
0x20: {  	[sflag:s8] =	ssyncset.s32 @!p0 $0xFFFFF086;
	s6 =	sadd.s32 @!p0 s3, s7;
	s7 =	simm.s32 @!p0 $0x108  }
0x21: {  	s3 =	sadd.s32 s3, s9;
	s6 =	sadd.s32 @!p0 $0x88, s6;
	s7 =	simm.s32 @p2 $0x1082  }
0x22: {  	[simem:s7], [sflag:s8] =	dma.local @!p0 [hbm:s6], $0xF7A  }
0x23: {  	s9 =	sor.u32 $0xD0000000, s2;
	s6 =	simm.s32 $0x108;
	_ =	swait.ge @!p0 [sflag:s8], $0x0  }
0x24: {  	s3 =	sadd.s32 $0x88, s3;
	s6 =	simm.s32 @!p1 $0x1082;
	[sflag:s4] =	ssyncset.s32 $0xFFFFF086  }
0x25: {  	[simem:s6], [sflag:s4] =	dma.local [hbm:s3], $0xF7A  }
0x26: {  	[smem:$0x3FA0] =	sst s1;
	(tag) =	ssettag s2;
	_ =	strace s9  }
0x27: {  	s1 =	sld [smem:$0x3FB0]  }
0x28: {  	s2 =	sld [smem:$0x3FB1]  }
0x29: {  	s4 =	sld [smem:$0x3FB3]  }
0x2a: {  	p0 =	seq.s32 s5, $0x0;
	s5 =	sld [smem:$0x3FB4]  }
0x2b: {  	s6 =	sld [smem:$0x3FB5]  }
0x2c: {  	s7 =	sld [smem:$0x3FB6]  }
0x2d: {  	s3 =	simm.s32 $0x108;
	s8 =	sld [smem:$0x3FB7]  }
0x2e: {  	s3 =	simm.s32 @!p0 $0x1082;
	s9 =	sld [smem:$0x3FB8]  }
0x2f: {  	lr =	sadd.s32 s0, s3;
	s0 =	sld [smem:$0x3FAF]  }
0x30: {  	s3 =	sld [smem:$0x3FB2]  }
0x31: {  	[smem:$0x3FBB] =	sst s10  }
0x32: {  	s10 =	sld [smem:$0x3FB9];
	_ =	sdelay $0x3  }
0x33: {  	p0 =	seq.s32 s10, $0x1;
	s10 =	sld [smem:$0x3FBB];
	_ =	sdelay $0x3  }
0x34: {  	[smem:$0x3FBB] =	sst s10  }
0x35: {  	s10 =	sld [smem:$0x3FBA];
	_ =	sdelay $0x3  }
0x36: {  	p1 =	seq.s32 s10, $0x1;
	s10 =	sld [smem:$0x3FBB];
	_ =	sdelay $0x3  }
0x37: {  	[smem:$0x3FBB] =	sst s10  }
0x38: {  	s10 =	sld [smem:$0x3FBC]  }
0x39: {  	_ = 	snop;
	(pc) =	sbr.ind lr, $3  }
0x3a: {  	_ = 	snop  }
0x3b: {  	_ = 	snop  }
0x3c: {  	p2 =	seq.s32 s10, $0x1;
	s10 =	sld [smem:$0x3FBB]  }
0x3d: {  	_ =	shalt  }
0x3e: {  	_ =	shalt  }
0x3f: {  	_ =	shalt  }
0x40: {  	_ =	shalt  }
0x41: {  	_ =	shalt  }
0x42: {  	_ =	shalt  }
0x43: {  	_ =	shalt  }
0x44: {  	_ =	shalt  }
0x45: {  	_ =	shalt  }
0x46: {  	_ =	shalt  }
0x47: {  	_ =	shalt  }
0x48: {  	_ =	shalt  }
0x49: {  	_ =	shalt  }
0x4a: {  	_ =	shalt  }
0x4b: {  	_ =	shalt  }
0x4c: {  	_ =	shalt  }
0x4d: {  	_ =	shalt  }
0x4e: {  	_ =	shalt  }
0x4f: {  	_ =	shalt  }
0x50: {  	_ =	shalt  }
0x51: {  	_ =	shalt  }
0x52: {  	_ =	shalt  }
0x53: {  	_ =	shalt  }
0x54: {  	_ =	shalt  }
0x55: {  	_ =	shalt  }
0x56: {  	_ =	shalt  }
0x57: {  	_ =	shalt  }
0x58: {  	_ =	shalt  }
0x59: {  	_ =	shalt  }
0x5a: {  	_ =	shalt  }
0x5b: {  	_ =	shalt  }
0x5c: {  	_ =	shalt  }
0x5d: {  	_ =	shalt  }
0x5e: {  	_ =	shalt  }
0x5f: {  	_ =	shalt  }
0x60: {  	_ =	shalt  }
0x61: {  	_ =	shalt  }
0x62: {  	_ =	shalt  }
0x63: {  	_ =	shalt  }
0x64: {  	_ =	shalt  }
0x65: {  	_ =	shalt  }
0x66: {  	_ =	shalt  }
0x67: {  	_ =	shalt  }
0x68: {  	_ =	shalt  }
0x69: {  	_ =	shalt  }
0x6a: {  	_ =	shalt  }
0x6b: {  	_ =	shalt  }
0x6c: {  	_ =	shalt  }
0x6d: {  	_ =	shalt  }
0x6e: {  	_ =	shalt  }
0x6f: {  	_ =	shalt  }
0x70: {  	_ =	shalt  }
0x71: {  	_ =	shalt  }
0x72: {  	_ =	shalt  }
0x73: {  	_ =	shalt  }
0x74: {  	_ =	shalt  }
0x75: {  	_ =	shalt  }
0x76: {  	_ =	shalt  }
0x77: {  	_ =	shalt  }
0x78: {  	_ =	shalt  }
0x79: {  	_ =	shalt  }
0x7a: {  	_ =	shalt  }
0x7b: {  	_ =	shalt  }
0x7c: {  	_ =	shalt  }
0x7d: {  	_ =	shalt  }
0x7e: {  	_ =	shalt  }
0x7f: {  	_ =	shalt  }
0x80: {  	_ =	shalt  }
0x81: {  	_ =	shalt  }
0x82: {  	_ =	shalt  }
0x83: {  	_ =	shalt  }
0x84: {  	_ =	shalt  }
0x85: {  	_ =	shalt  }
0x86: {  	_ =	shalt  }
0x87: {  	_ =	shalt  }
.Lfunc_end0:
.L_simem_size_0:
called_computation_lowered:
.L_overlay_start_0:
0x88: {  	s2 =	sld [smem:$0x3FD9]  }
0x89: {  	s3 =	sld [smem:$0x3FFE];
	_ =	sdelay $0x1  }
0x8a: {  	s1 =	srdreg.scid  }
0x8b: {  	s0 =	sand.u32 $0x1, s1  }
0x8c: {  	s14 =	sshll.u32 s0, $0xA;
	s2 =	sadd.s32 s3, s2  }
0x8d: {  	s2 =	sadd.s32 s2, s14  }
0x8e: {  	[smem:$0x3FC7] =	sst s2  }
0x8f: {  	_ = 	snop  }
0x90: {  	s2 =	sld [smem:$0x3FD0];
	_ =	sdelay $0x2  }
0x91: {  	s15 =	simm.s32 $0xA;
	s4 =	simm.s32 $0x10  }
0x92: {  	[smem:s4], [sflag:s15] =	dma.local [hbm:s2], $0x1  }
0x93: {  	_ =	swait.eq [sflag:s15], $0x1  }
0x94: {  	s16 =	sld [smem:$0x10]  }
0x95: {  	s17 =	sld [smem:$0x11]  }
0x96: {  	s5 =	sld [smem:$0x12];
	[sflag:s15] =	ssyncset.done $0x0  }
0x97: {  	s6 =	sld [smem:$0x13];
	[sflag:s15] =	ssyncadd.s32 $0xFFFFFFFF  }
0x98: {  	s18 =	sld [smem:$0x14];
	(tm) =	ssettm $0x1  }
0x99: {  	s7 =	sld [smem:$0x3FFB];
	_ =	sdelay $0x3  }
0x9a: {  	_ =	strace s7  }
0x9b: {  	s7 =	sld [smem:$0x3FFC];
	_ =	sdelay $0x3  }
0x9c: {  	_ =	strace s7  }
0x9d: {  	s7 =	sld [smem:$0x3FFD];
	_ =	sdelay $0x3  }
0x9e: {  	_ =	strace s7  }
0x9f: {  	_ =	strace $0x8FFFFFFF  }
0xa0: {  	s19 =	sld [smem:$0x3FDB];
	_ =	sdelay $0x1  }
0xa1: {  	s8 =	simm.s32 $_scs_section_size  }
0xa2: {  	s9 =	simm.s32 $_size__tile_overlayer_lowered;
	s10 =	simm.s32 $_tile_overlayer_lowered  }
0xa3: {  	s22 =	simm.s32 $0x1BFF;
	s21 =	sshll.u32 s10, $0x1;
	s7 =	sadd.s32 s8, s19  }
0xa4: {  	s11 =	simm.s32 $0x0;
	s20 =	sshll.u32 s9, $0x1;
	s9 =	sadd.s32 s21, s7  }
0xa5: {  	[timem:s11], [sflag:s22] =	dma.local [hbm:s9], s20  }
0xa6: {  	_ =	swait.ge [sflag:s22], s20  }
0xa7: {  	s8 =	ssub.s32 $0x0, s20;
	[sflag:s22] =	ssyncset.done $0x0  }
0xa8: {  	[sflag:s22] =	ssyncadd.s32 s8;
	_ =	sdelay $0x1  }
0xa9: {  	s23 =	simm.s32 $0x1B8B  }
0xaa: {  	_ =	swait.ge [sflag:s23], $0x1  }
0xab: {  	[sflag:s23] =	ssyncset.done $0x0  }
0xac: {  	s25 =	simm.s32 $0x1B8E;
	s24 =	sld [smem:$0x3FFE];
	[sflag:s23] =	ssyncadd.s32 $0xFFFFFFFF  }
0xad: {  	s26 =	simm.s32 $execute0_lowered;
	[smem:$0x3FD2] =	sst s25  }
0xae: {  	s9 =	sshll.u32 s26, $0x1;
	_ =	strace $0x80000046;
	[dreg:$0x1] =	wrdreg $0xFFFFFFFF  }
0xaf: {  	s28 =	simm.s32 $_size_execute0_lowered;
	s7 =	sadd.s32 s7, s9;
	[dreg:$0x0] =	wrdreg $0x0  }
0xb0: {  	s9 =	sshll.u32 s28, $0x1;
	[dreg:$0x2] =	wrdreg s7  }
0xb1: {  	[dreg:$0x3] =	wrdreg s9  }
0xb2: {  	[dreg:$0x4] =	wrdreg $0xC0  }
0xb3: {  	_ =	task [dreg:s11], $0x5FFFF  }
0xb4: {  	[dreg:$0x1] =	wrdreg $0xFFFFFFFF  }
0xb5: {  	[dreg:$0x0] =	wrdreg $0x60  }
0xb6: {  	[dreg:$0x2] =	wrdreg s24  }
0xb7: {  	[dreg:$0x3] =	wrdreg s16  }
0xb8: {  	[dreg:$0x4] =	wrdreg s18  }
0xb9: {  	[dreg:$0x5] =	wrdreg s6  }
0xba: {  	[dreg:$0x6] =	wrdreg s5  }
0xbb: {  	[dreg:$0x7] =	wrdreg s17  }
0xbc: {  	[dreg:$0x8] =	wrdreg $0x91800  }
0xbd: {  	[dreg:$0x9] =	wrdreg $0x9  }
0xbe: {  	_ =	task.clear_ibuf [dreg:s11], $0xAFFFF;
	_ =	strace $0x90000046  }
0xbf: {  	s29 =	simm.s32 $0x9;
	_ =	strace $0x80000048  }
0xc0: {  	_ =	swait.ge [sflag:s29], $0x1  }
0xc1: {  	[sflag:s29] =	ssyncadd.s32 $0xFFFFFFFF  }
0xc2: {  	_ =	strace $0x90000048  }
0xc3: {  	_ =	sfence  }
0xc4: {  	s30 =	sld [smem:$0x0];
	_ =	sdelay $0x2  }
0xc5: {  	s31 =	sshll.u32 s1, $0xD;
	s1 =	sshrl.u32 s1, $0x2  }
0xc6: {  	s3 =	sand.u32 $0x4000, s31;
	s1 =	sadd.s32 s1, s30  }
0xc7: {  	s0 =	sor.u32 s3, s0;
	s1 =	sshll.u32 s1, $0x11  }
0xc8: {  	s0 =	sor.u32 s1, s0  }
0xc9: {  	s0 =	sadd.s32 $0x8F2B, s0  }
0xca: {  	[sflag:s0] =	ssyncadd.remote.s32 $0x1  }
0xcb: {  	_ =	sfence.sel $0xFFFF  }
0xcc: {  	[dreg:$0x0] =	wrdreg $0xFFFFFFFF;
	(pc) =	sbr.abs _section_cstart, $3  }
0xcd: {  	[dreg:$0x1] =	wrdreg $0xFFFFFFFF  }
0xce: {  	_ =	task.clear_ibuf [dreg:s11], $0x2FFFF;
	_ =	strace $0x9FFFFFFF  }
0xcf: {  	(tm) =	ssettm $0x7FFFFFFF  }
tec
execute0_lowered:
.L_overlay_start_1:
0x0: {  	(tag) =	ssettag $0x1  }
0x1: {  	s3 =	rddreg [dreg:$0x0]  }
0x2: {  	s13 =	rddreg [dreg:$0x1]  }
0x3: {  	s14 =	rddreg [dreg:$0x2]  }
0x4: {  	s15 =	rddreg [dreg:$0x3]  }
0x5: {  	s12 =	rddreg [dreg:$0x4]  }
0x6: {  	s21 =	stileid.u32;
	s16 =	rddreg [dreg:$0x5]  }
0x7: {  	s2 =	srdreg.scid;
	s11 =	rddreg [dreg:$0x6]  }
0x8: {  	s28 =	simm.s32 $0x9080;
	s29 =	simm.s32 $0x1;
	s30 =	simm.s32 $0x9100  }
0x9: {  	s31 =	simm.s32 $0x0;
	s0 =	sand.u32 $0x3, s21;
	s4 =	sand.u32 $0x1, s2  }
0xa: {  	s10 =	sshrl.u32 s21, $0x2;
	s21 =	sshll.u32 s21, $0x4;
	s1 =	smul.u32 $0x1390, s0  }
0xb: {  	s2 =	sshll.u32 s4, $0x2;
	s4 =	ssub.s32 $0x2, s4;
	s22 =	sshll.u32 s10, $0x6  }
0xc: {  	p0 =	seq.s32 s0, $0x3;
	p1 =	sne.s32 s0, $0x0;
	s17 =	sor.u32 s10, s2  }
0xd: {  	v4 =	vimm.s32 $0x76543210;
	s2 =	simm.s32 $0x0;
	s7 =	sshrl.u32 s4, $0x1;
	s10 =	sadd.s32 s21, s11  }
0xe: {  	v5 =	vimm.s32 $0xFEDCBA98;
	v6 =	vimm.s32 $0xBA98FEDC;
	s11 =	sadd.s32 s22, s11;
	s5 =	sadd.s32 $0x1380, s1;
	s6 =	smul.u32 $0x4E20, s17  }
0xf: {  	v7 =	vimm.s32 $0x32107654;
	v8 =	vimm.s32 $0xDCFE98BA;
	s26 =	sadd.s32 $0x1390, s1;
	s18 =	smul.u32 $0xE, s17;
	s17 =	sshll.u32 s17, $0x1  }
0x10: {  	v0 =	vlaneseq.u32;
	v9 =	vimm.s32 $0x54761032;
	v10 =	vimm.s32 $0xEFCDAB89;
	[smem:$0x7FF] =	sst s2;
	s20 =	ssub.s32 s4, s7;
	s13 =	sadd.s32 s13, s17  }
0x11: {  	v11 =	vimm.s32 $0x67452301;
	vm0 =	vcmask $0x3F18;
	v3 =	vmov s26;
	_ =	strace $0x80000047;
	s26 =	smax.u32 s20, $0x1;
	[dreg:$0x9] =	wrdreg s13  }
0x12: {  	vm1 =	vcmask $0x3F14;
	vm2 =	vcmask $0x3F10;
	vm3 =	vcmask $0x3F0C;
	s6 =	sadd.s32 s1, s6;
	s14 =	sadd.s32 s14, s18;
	[dreg:$0x11] =	wrdreg s26  }
0x13: {  	vm4 =	vcmask $0x3F08;
	vm5 =	vmmov $0x1;
	v4 =	vunpack.c.l.s4.s8 v4;
	s19 =	sadd.s32 s18, s3;
	s17 =	sadd.s32 s15, s18;
	[dreg:$0xa] =	wrdreg s14  }
0x14: {  	v5 =	vunpack.c.l.s4.s8 v5;
	v6 =	vunpack.c.l.s4.s8 v6;
	v7 =	vunpack.c.l.s4.s8 v7;
	s21 =	sadd.s32 s12, s18;
	s22 =	sadd.s32 s16, s18;
	[dreg:$0xb] =	wrdreg s17  }
0x15: {  	v8 =	vunpack.c.l.s4.s8 v8;
	v9 =	vunpack.c.l.s4.s8 v9;
	v1 =	vor.u32 s5, v0;
	s26 =	simm.s32 $0x1400;
	s5 =	sshrl.u32 s6, $0x3;
	[dreg:$0xc] =	wrdreg s21  }
0x16: {  	v10 =	vunpack.c.l.s4.s8 v10;
	v11 =	vunpack.c.l.s4.s8 v11;
	v6 =	vunpack.c.0.s8.s32 v6;
	[dreg:$0xd] =	wrdreg s22;
	s23 =	sadd.s32 $0x24000, s19;
	s24 =	sadd.s32 $0x24200, s19  }
0x17: {  	v7 =	vunpack.c.0.s8.s32 v7;
	v8 =	vunpack.c.0.s8.s32 v8;
	v9 =	vunpack.c.0.s8.s32 v9;
	s25 =	sadd.s32 $0x24400, s19;
	s17 =	sadd.s32 $0x70, s1;
	[dreg:$0xe] =	wrdreg s23  }
0x18: {  	v5 =	vunpack.c.0.s8.s32 v5;
	v10 =	vunpack.c.0.s8.s32 v10;
	v11 =	vunpack.c.0.s8.s32 v11;
	s22 =	simm.s32 $0x2800;
	s9 =	sadd.s32 s5, s3;
	[dreg:$0xf] =	wrdreg s24  }
0x19: {  	v12 =	vunpack.c.0.s8.s32 v4;
	v2 =	vmov s1;
	v6 =	vcombine.low v7, v6;
	[dreg:$0x10] =	wrdreg s25;
	s23 =	simm.s32 $0x3C00;
	s24 =	simm.s32 $0x5000  }
0x1a: {  	v7 =	vcombine.low v9, v8;
	v5 =	vand.u32 $0xF, v5;
	v8 =	vcombine.low v11, v10;
	s25 =	simm.s32 $0x6400;
	s8 =	sadd.s32 $0x1000, s9;
	s4 =	sadd.s32 $0x6000, s9  }
0x1b: {  	v9 =	vimm.s32 $0x0;
	v10 =	vimm.s32 $0x1;
	v5 =	vcombine.low v5, v12;
	s5 =	sadd.s32 $0x15000, s9;
	s6 =	sadd.s32 $0x10000, s9;
	s7 =	sadd.s32 $0x1F000, s9  }
0x1c: {  	v6 =	vand.u32 $0xF, v6;
	v7 =	vand.u32 $0xF, v7;
	v8 =	vand.u32 $0xF, v8;
	[dreg:$0x8] =	wrdreg s8;
	s8 =	sadd.s32 $0x1A000, s9;
	s9 =	sadd.s32 $0xB000, s9  }
.LBB2_1:
0x1d: {  	s0 =	simm.s32 @p0 $0x0;
	s3 =	rddreg [dreg:$0x8];
	s1 =	simm.s32 @p0 $0x1  }
0x1e: {  	[tilespmem:s0], [sflag:$0x1] =	stream.linear.gather @p0 [hbm4b:s3+s0], $0x1370, $0x38;
	[tilespmem:$0x9190] =	vst v63  }
0x1f: {  	_ =	swait.ge @p0 [sflag:s1], $0x1370  }
0x20: {  	[sflag:s1] =	ssyncset.done @p0 $0x0  }
0x21: {  	s12 =	simm.s32 @p0 $0x1400;
	[sflag:s1] =	ssyncadd.s32 @p0 $0xFFFFEC90  }
0x22: {  	[tilespmem:s12], [sflag:$0x1] =	stream.linear.gather @p0 [hbm4b:s4+s0], $0x1370, $0x38;
	[tilespmem:$0x9190] =	vst v63  }
0x23: {  	_ =	swait.ge @p0 [sflag:s1], $0x1370  }
0x24: {  	[sflag:s1] =	ssyncset.done @p0 $0x0  }
0x25: {  	s12 =	simm.s32 @p0 $0x2800;
	[sflag:s1] =	ssyncadd.s32 @p0 $0xFFFFEC90  }
0x26: {  	[tilespmem:s12], [sflag:$0x1] =	stream.linear.gather @p0 [hbm4b:s5+s0], $0x1370, $0x38;
	[tilespmem:$0x9190] =	vst v63  }
0x27: {  	_ =	swait.ge @p0 [sflag:s1], $0x1370  }
0x28: {  	[sflag:s1] =	ssyncset.done @p0 $0x0  }
0x29: {  	s12 =	simm.s32 @p0 $0x3C00;
	[sflag:s1] =	ssyncadd.s32 @p0 $0xFFFFEC90  }
0x2a: {  	[tilespmem:s12], [sflag:$0x1] =	stream.linear.gather @p0 [hbm4b:s6+s0], $0x1370, $0x38;
	[tilespmem:$0x9190] =	vst v63  }
0x2b: {  	_ =	swait.ge @p0 [sflag:s1], $0x1370  }
0x2c: {  	[sflag:s1] =	ssyncset.done @p0 $0x0  }
0x2d: {  	s12 =	simm.s32 @p0 $0x5000;
	[sflag:s1] =	ssyncadd.s32 @p0 $0xFFFFEC90  }
0x2e: {  	[tilespmem:s12], [sflag:$0x1] =	stream.linear.gather @p0 [hbm4b:s7+s0], $0x1370, $0x38;
	[tilespmem:$0x9190] =	vst v63  }
0x2f: {  	_ =	swait.ge @p0 [sflag:s1], $0x1370  }
0x30: {  	[sflag:s1] =	ssyncset.done @p0 $0x0  }
0x31: {  	s12 =	simm.s32 @p0 $0x6400;
	[sflag:s1] =	ssyncadd.s32 @p0 $0xFFFFEC90  }
0x32: {  	[tilespmem:s12], [sflag:$0x1] =	stream.linear.gather @p0 [hbm4b:s8+s0], $0x1370, $0x38;
	[tilespmem:$0x9190] =	vst v63  }
0x33: {  	_ =	swait.ge @p0 [sflag:s1], $0x1370  }
0x34: {  	[sflag:s1] =	ssyncset.done @p0 $0x0  }
0x35: {  	s12 =	simm.s32 @p0 $0x7800;
	[sflag:s1] =	ssyncadd.s32 @p0 $0xFFFFEC90  }
0x36: {  	[tilespmem:s12], [sflag:$0x1] =	stream.linear.gather @p0 [hbm4b:s9+s0], $0x1370, $0x38;
	[tilespmem:$0x9190] =	vst v63  }
0x37: {  	_ =	swait.ge @p0 [sflag:s1], $0x1370  }
0x38: {  	[sflag:s1] =	ssyncset.done @p0 $0x0  }
0x39: {  	v17 =	vimm.f32 @p0 $-1.000000000e+00;
	[sflag:s1] =	ssyncadd.s32 @p0 $0xFFFFEC90  }
0x3a: {  	v18 =	vimm.s32 @p0 $0x0;
	[tilespmem:$0x1370] =	vst @p0 v17  }
0x3b: {  	v19 =	vimm.f32 @p0 $0.0e+00;
	[tilespmem:$0x2770] =	vst @p0 v18  }
0x3c: {  	[tilespmem:$0x3B70] =	vst @p0 v19  }
0x3d: {  	[tilespmem:$0x4F70] =	vst @p0 v19  }
0x3e: {  	[tilespmem:$0x6370] =	vst @p0 v19  }
0x3f: {  	[tilespmem:$0x7770] =	vst @p0 v19  }
0x40: {  	[tilespmem:$0x8B70] =	vst @p0 v19  }
0x41: {  	[tilespmem:$0x1380] =	vst @p0 v17  }
0x42: {  	[tilespmem:$0x2780] =	vst @p0 v18  }
0x43: {  	[tilespmem:$0x3B80] =	vst @p0 v19  }
0x44: {  	[tilespmem:$0x4F80] =	vst @p0 v19  }
0x45: {  	[tilespmem:$0x6380] =	vst @p0 v19  }
0x46: {  	[tilespmem:$0x7780] =	vst @p0 v19  }
0x47: {  	s0 =	simm.s32 @!p0 $0x0;
	s1 =	simm.s32 @!p0 $0x1;
	[tilespmem:$0x8B80] =	vst @p0 v19  }
0x48: {  	[tilespmem:s0], [sflag:$0x1] =	stream.linear.gather @!p0 [hbm4b:s3+s0], $0x1390, $0x38;
	[tilespmem:$0x9190] =	vst v63  }
0x49: {  	_ =	swait.ge @!p0 [sflag:s1], $0x1390  }
0x4a: {  	[sflag:s1] =	ssyncset.done @!p0 $0x0  }
0x4b: {  	s12 =	simm.s32 @!p0 $0x1400;
	[sflag:s1] =	ssyncadd.s32 @!p0 $0xFFFFEC70  }
0x4c: {  	[tilespmem:s12], [sflag:$0x1] =	stream.linear.gather @!p0 [hbm4b:s4+s0], $0x1390, $0x38;
	[tilespmem:$0x9190] =	vst v63  }
0x4d: {  	_ =	swait.ge @!p0 [sflag:s1], $0x1390  }
0x4e: {  	[sflag:s1] =	ssyncset.done @!p0 $0x0  }
0x4f: {  	s12 =	simm.s32 @!p0 $0x2800;
	[sflag:s1] =	ssyncadd.s32 @!p0 $0xFFFFEC70  }
0x50: {  	[tilespmem:s12], [sflag:$0x1] =	stream.linear.gather @!p0 [hbm4b:s5+s0], $0x1390, $0x38;
	[tilespmem:$0x9190] =	vst v63  }
0x51: {  	_ =	swait.ge @!p0 [sflag:s1], $0x1390  }
0x52: {  	[sflag:s1] =	ssyncset.done @!p0 $0x0  }
0x53: {  	s12 =	simm.s32 @!p0 $0x3C00;
	[sflag:s1] =	ssyncadd.s32 @!p0 $0xFFFFEC70  }
0x54: {  	[tilespmem:s12], [sflag:$0x1] =	stream.linear.gather @!p0 [hbm4b:s6+s0], $0x1390, $0x38;
	[tilespmem:$0x9190] =	vst v63  }
0x55: {  	_ =	swait.ge @!p0 [sflag:s1], $0x1390  }
0x56: {  	[sflag:s1] =	ssyncset.done @!p0 $0x0  }
0x57: {  	s12 =	simm.s32 @!p0 $0x5000;
	[sflag:s1] =	ssyncadd.s32 @!p0 $0xFFFFEC70  }
0x58: {  	[tilespmem:s12], [sflag:$0x1] =	stream.linear.gather @!p0 [hbm4b:s7+s0], $0x1390, $0x38;
	[tilespmem:$0x9190] =	vst v63  }
0x59: {  	_ =	swait.ge @!p0 [sflag:s1], $0x1390  }
0x5a: {  	[sflag:s1] =	ssyncset.done @!p0 $0x0  }
0x5b: {  	s12 =	simm.s32 @!p0 $0x6400;
	[sflag:s1] =	ssyncadd.s32 @!p0 $0xFFFFEC70  }
0x5c: {  	[tilespmem:s12], [sflag:$0x1] =	stream.linear.gather @!p0 [hbm4b:s8+s0], $0x1390, $0x38;
	[tilespmem:$0x9190] =	vst v63  }
0x5d: {  	_ =	swait.ge @!p0 [sflag:s1], $0x1390  }
0x5e: {  	[sflag:s1] =	ssyncset.done @!p0 $0x0  }
0x5f: {  	s12 =	simm.s32 @!p0 $0x7800;
	[sflag:s1] =	ssyncadd.s32 @!p0 $0xFFFFEC70  }
0x60: {  	[tilespmem:s12], [sflag:$0x1] =	stream.linear.gather @!p0 [hbm4b:s9+s0], $0x1390, $0x38;
	[tilespmem:$0x9190] =	vst v63  }
0x61: {  	_ =	swait.ge @!p0 [sflag:s1], $0x1390  }
0x62: {  	[sflag:s1] =	ssyncset.done @!p0 $0x0  }
0x63: {  	[sflag:s1] =	ssyncadd.s32 @!p0 $0xFFFFEC70  }
0x64: {  	v4 =	vimm.f32 $0.0e+00;
	[tilespmem:$0x8C00] =	vst v9  }
0x65: {  	[tilespmem:$0x8C80] =	vst v4  }
0x66: {  	[tilespmem:$0x8D00] =	vst v4  }
0x67: {  	[tilespmem:$0x8D80] =	vst v4  }
0x68: {  	[tilespmem:$0x8E00] =	vst v4  }
0x69: {  	[tilespmem:$0x8E80] =	vst v4  }
0x6a: {  	[tilespmem:$0x8F00] =	vst v4  }
0x6b: {  	[tilespmem:$0x8F80] =	vst v9  }
0x6c: {  	[tilespmem:$0x8C10] =	vst v9  }
0x6d: {  	[tilespmem:$0x8C90] =	vst v4  }
0x6e: {  	[tilespmem:$0x8D10] =	vst v4  }
0x6f: {  	[tilespmem:$0x8D90] =	vst v4  }
0x70: {  	[tilespmem:$0x8E10] =	vst v4  }
0x71: {  	[tilespmem:$0x8E90] =	vst v4  }
0x72: {  	[tilespmem:$0x8F10] =	vst v4  }
0x73: {  	[tilespmem:$0x8F90] =	vst v9  }
0x74: {  	[tilespmem:$0x8C20] =	vst v9  }
0x75: {  	[tilespmem:$0x8CA0] =	vst v4  }
0x76: {  	[tilespmem:$0x8D20] =	vst v4  }
0x77: {  	[tilespmem:$0x8DA0] =	vst v4  }
0x78: {  	[tilespmem:$0x8E20] =	vst v4  }
0x79: {  	[tilespmem:$0x8EA0] =	vst v4  }
0x7a: {  	[tilespmem:$0x8F20] =	vst v4  }
0x7b: {  	[tilespmem:$0x8FA0] =	vst v9  }
0x7c: {  	[tilespmem:$0x8C30] =	vst v9  }
0x7d: {  	[tilespmem:$0x8CB0] =	vst v4  }
0x7e: {  	[tilespmem:$0x8D30] =	vst v4  }
0x7f: {  	[tilespmem:$0x8DB0] =	vst v4  }
0x80: {  	[tilespmem:$0x8E30] =	vst v4  }
0x81: {  	[tilespmem:$0x8EB0] =	vst v4  }
0x82: {  	[tilespmem:$0x8F30] =	vst v4  }
0x83: {  	[tilespmem:$0x8FB0] =	vst v9  }
0x84: {  	[tilespmem:$0x8C40] =	vst v9  }
0x85: {  	[tilespmem:$0x8CC0] =	vst v4  }
0x86: {  	[tilespmem:$0x8D40] =	vst v4  }
0x87: {  	[tilespmem:$0x8DC0] =	vst v4  }
0x88: {  	[tilespmem:$0x8E40] =	vst v4  }
0x89: {  	[tilespmem:$0x8EC0] =	vst v4  }
0x8a: {  	[tilespmem:$0x8F40] =	vst v4  }
0x8b: {  	[tilespmem:$0x8FC0] =	vst v9  }
0x8c: {  	[tilespmem:$0x8C50] =	vst v9  }
0x8d: {  	[tilespmem:$0x8CD0] =	vst v4  }
0x8e: {  	[tilespmem:$0x8D50] =	vst v4  }
0x8f: {  	[tilespmem:$0x8DD0] =	vst v4  }
0x90: {  	[tilespmem:$0x8E50] =	vst v4  }
0x91: {  	[tilespmem:$0x8ED0] =	vst v4  }
0x92: {  	[tilespmem:$0x8F50] =	vst v4  }
0x93: {  	[tilespmem:$0x8FD0] =	vst v9  }
0x94: {  	[tilespmem:$0x8C60] =	vst v9  }
0x95: {  	[tilespmem:$0x8CE0] =	vst v4  }
0x96: {  	[tilespmem:$0x8D60] =	vst v4  }
0x97: {  	[tilespmem:$0x8DE0] =	vst v4  }
0x98: {  	[tilespmem:$0x8E60] =	vst v4  }
0x99: {  	[tilespmem:$0x8EE0] =	vst v4  }
0x9a: {  	[tilespmem:$0x8F60] =	vst v4  }
0x9b: {  	s15 =	simm.s32 $0x40;
	[tilespmem:$0x8FE0] =	vst v9  }
0x9c: {  	v17 =	vld [tilespmem:s15+$0xFFFFFFC0];
	_ =	sdelay $0x1  }
0x9d: {  	v18 =	vld [tilespmem:s15+$0xFFFFFFD0];
	_ =	sdelay $0x1  }
0x9e: {  	v19 =	vimm.f32 $-2.000000000e+00;
	v20 =	vld [tilespmem:s15+$0xFFFFFFE0]  }
0x9f: {  	vm6 =	vgt.f32 v17, v19  }
0xa0: {  	v21 =	vld [tilespmem:s15+$0xFFFFFFF0];
	v17 =	vsel vm6, v17, v19  }
0xa1: {  	vm7 =	vgt.f32 v18, v17  }
0xa2: {  	s16 =	sadd.s32 $0xFFFFFF90, s17;
	v24 =	vld [tilespmem:s15+$0x0];
	v18 =	vsel vm7, v18, v17  }
0xa3: {  	s18 =	sadd.s32 $0xFFFFFFA0, s17;
	v17 =	vor.u32 s16, v0;
	vm8 =	vgt.f32 v20, v18  }
0xa4: {  	s19 =	sadd.s32 $0xFFFFFFB0, s17;
	v22 =	vld [tilespmem:s15+$0x10];
	v19 =	vsel vm6, v17, v9;
	v20 =	vsel vm8, v20, v18;
	v18 =	vor.u32 s18, v0  }
0xa5: {  	vm6 =	vgt.f32 v21, v20;
	v23 =	vsel vm7, v18, v19;
	v19 =	vor.u32 s19, v0  }
0xa6: {  	s20 =	sadd.s32 $0xFFFFFFC0, s17;
	v25 =	vsel vm6, v21, v20;
	v21 =	vsel vm8, v19, v23;
	v23 =	vld [tilespmem:s15+$0x20]  }
0xa7: {  	s21 =	sadd.s32 $0xFFFFFFD0, s17;
	v20 =	vor.u32 s20, v0;
	vm7 =	vgt.f32 v24, v25  }
0xa8: {  	s1 =	sadd.s32 $0xFFFFFFE0, s17;
	v27 =	vsel vm6, v20, v21;
	v21 =	vor.u32 s21, v0;
	v26 =	vsel vm7, v24, v25;
	v24 =	vld [tilespmem:s15+$0x30]  }
0xa9: {  	s13 =	simm.s32 $0xC0;
	s12 =	simm.s32 $0x0;
	s0 =	smov.u32 s17;
	v25 =	vsel vm7, v21, v27;
	v27 =	vor.u32 s1, v0;
	vm6 =	vgt.f32 v22, v26  }
.LBB2_2:
0xaa: {  	v28 =	vld [tilespmem:s13+$0xFFFFFFC0];
	s12 =	sadd.s32 $0x8, s12;
	v22 =	vsel vm6, v22, v26;
	v25 =	vsel vm6, v27, v25;
	s14 =	sadd.s32 $0xFFFFFFF0, s0  }
0xab: {  	p2 =	slt.u32 s12, $0x130;
	v26 =	vor.u32 s14, v0;
	vm6 =	vgt.f32 v23, v22  }
0xac: {  	v27 =	vld [tilespmem:s13+$0xFFFFFFD0];
	v22 =	vsel vm6, v23, v22;
	v23 =	vsel vm6, v26, v25  }
0xad: {  	v25 =	vor.u32 s0, v0;
	s0 =	sadd.s32 $0x80, s0;
	vm6 =	vgt.f32 v24, v22  }
0xae: {  	s14 =	sadd.s32 $0xFFFFFF90, s0;
	v26 =	vld [tilespmem:s13+$0xFFFFFFE0];
	v22 =	vsel vm6, v24, v22;
	v23 =	vsel vm6, v25, v23  }
0xaf: {  	v24 =	vor.u32 s14, v0;
	vm6 =	vgt.f32 v28, v22  }
0xb0: {  	s14 =	sadd.s32 $0xFFFFFFA0, s0;
	v22 =	vsel vm6, v28, v22;
	v23 =	vsel vm6, v24, v23;
	v24 =	vld [tilespmem:s13+$0xFFFFFFF0]  }
0xb1: {  	v25 =	vor.u32 s14, v0;
	vm6 =	vgt.f32 v27, v22  }
0xb2: {  	s14 =	sadd.s32 $0xFFFFFFB0, s0;
	v22 =	vsel vm6, v27, v22;
	v23 =	vsel vm6, v25, v23;
	v25 =	vld [tilespmem:s13+$0x0]  }
0xb3: {  	v27 =	vor.u32 s14, v0;
	vm6 =	vgt.f32 v26, v22  }
0xb4: {  	s14 =	sadd.s32 $0xFFFFFFC0, s0;
	v26 =	vsel vm6, v26, v22;
	v23 =	vsel vm6, v27, v23;
	v22 =	vld [tilespmem:s13+$0x10]  }
.Ltmp0:
0xb5: {  	v27 =	vor.u32 s14, v0;
	vm6 =	vgt.f32 v24, v26;
	(pc) =	sbr.rel @p2 .LBB2_2-.Ltmp0, $4  }
0xb6: {  	s14 =	sadd.s32 $0xFFFFFFD0, s0;
	v24 =	vsel vm6, v24, v26;
	v27 =	vsel vm6, v27, v23;
	v23 =	vld [tilespmem:s13+$0x20]  }
0xb7: {  	v28 =	vor.u32 s14, v0;
	vm6 =	vgt.f32 v25, v24  }
0xb8: {  	s14 =	sadd.s32 $0xFFFFFFE0, s0;
	v26 =	vsel vm6, v25, v24;
	v25 =	vsel vm6, v28, v27;
	v24 =	vld [tilespmem:s13+$0x30]  }
0xb9: {  	v27 =	vor.u32 s14, v0;
	s13 =	sadd.s32 $0x80, s13;
	vm6 =	vgt.f32 v22, v26  }
0xba: {  	v22 =	vsel vm6, v22, v26;
	v26 =	vld [tilespmem:$0x1380]  }
0xbb: {  	vm7 =	vgt.f32 v23, v22  }
0xbc: {  	s12 =	sadd.s32 $0xFFFFFFF0, s0;
	v22 =	vsel vm7, v23, v22  }
0xbd: {  	v23 =	vsel vm6, v27, v25;
	v25 =	vor.u32 s12, v0;
	vm8 =	vgt.f32 v24, v22  }
0xbe: {  	v23 =	vsel vm7, v25, v23;
	v22 =	vsel vm8, v24, v22;
	v24 =	vor.u32 s0, v0  }
0xbf: {  	vm6 =	vgt.f32 v26, v22;
	v23 =	vsel vm8, v24, v23  }
0xc0: {  	s0 =	simm.s32 $0x0;
	v24 =	vsel vm6, v26, v22;
	v25 =	vsel vm6, v1, v23;
	v22 =	vimm.s32 $0x0  }
.LBB2_4:
0xc1: {  	v26 =	vperm.xlane v24, v5;
	v27 =	vperm.xlane v25, v5;
	_ =	sdelay $0x1  }
0xc2: {  	vm6 =	veq.f32 v26, v24;
	vm7 =	vlt.s32 v27, v25  }
0xc3: {  	vm8 =	vgt.f32 v26, v24;
	vm6 =	vmand vm6, vm7  }
0xc4: {  	vm6 =	vmor vm8, vm6  }
0xc5: {  	v24 =	vsel vm6, v26, v24;
	v25 =	vsel vm6, v27, v25  }
0xc6: {  	v26 =	vperm.xlane v24, v6;
	v27 =	vperm.xlane v25, v6;
	_ =	sdelay $0x1  }
0xc7: {  	vm6 =	veq.f32 v26, v24;
	vm7 =	vlt.s32 v27, v25  }
0xc8: {  	vm14 =	vgt.f32 v26, v24;
	vm6 =	vmand vm6, vm7  }
0xc9: {  	vm6 =	vmor vm14, vm6  }
0xca: {  	v24 =	vsel vm6, v26, v24;
	v25 =	vsel vm6, v27, v25  }
0xcb: {  	v26 =	vperm.xlane v24, v7;
	v27 =	vperm.xlane v25, v7;
	_ =	sdelay $0x1  }
0xcc: {  	vm6 =	veq.f32 v26, v24;
	vm7 =	vlt.s32 v27, v25  }
0xcd: {  	vm15 =	vgt.f32 v26, v24;
	vm6 =	vmand vm6, vm7  }
0xce: {  	vm6 =	vmor vm15, vm6  }
0xcf: {  	v24 =	vsel vm6, v26, v24;
	v25 =	vsel vm6, v27, v25  }
0xd0: {  	v26 =	vperm.xlane v24, v8;
	v27 =	vperm.xlane v25, v8;
	_ =	sdelay $0x1  }
0xd1: {  	vm6 =	veq.f32 v26, v24;
	vm7 =	vlt.s32 v27, v25  }
0xd2: {  	vm12 =	vgt.f32 v26, v24;
	vm6 =	vmand vm6, vm7  }
0xd3: {  	vm6 =	vmor vm12, vm6  }
0xd4: {  	v25 =	vsel vm6, v27, v25  }
0xd5: {  	v27 =	vsub.s32 v25, v2;
	_ =	sdelay $0x4  }
0xd6: {  	v28 =	vld.idx.msk [tilespmem:v27+s26+$0x0], $0xffff;
	_ =	sdelay $0x1  }
0xd7: {  	v29 =	vld.idx.msk [tilespmem:v27+s25+$0x0], $0xffff  }
0xd8: {  	v30 =	vld.idx.msk [tilespmem:v27+s24+$0x0], $0xffff  }
0xd9: {  	v31 =	vld.idx.msk [tilespmem:v27+s23+$0x0], $0xffff  }
0xda: {  	v27 =	vld.idx.msk [tilespmem:v27+s22+$0x0], $0xffff;
	v28 =	vcvt.s32.f32 v28;
	_ =	sdelay $0x1  }
0xdb: {  	v28 =	vsel vm0, v28, v29  }
0xdc: {  	v28 =	vsel vm1, v28, v30  }
0xdd: {  	v25 =	vcvt.s32.f32 v25;
	v28 =	vsel vm2, v28, v31  }
0xde: {  	v27 =	vsel vm3, v28, v27  }
0xdf: {  	v24 =	vsel vm6, v26, v24;
	v25 =	vsel vm4, v27, v25  }
0xe0: {  	v24 =	vsel vm5, v24, v25  }
0xe1: {  	[tilespmem:$0x9080] =	vst v24  }
0xe2: {  	[spmem:s10] =	stream.linear.scatter [tilespmem:s28], [sflag:$0x1], $0x10, $0x38;
	[tilespmem:$0x9190] =	vst v63  }
0xe3: {  	_ =	swait.ge [sflag:s29], $0x10  }
0xe4: {  	[sflag:s29] =	ssyncset.done $0x0  }
0xe5: {  	[sflag:s29] =	ssyncadd.s32 $0xFFFFFFF0  }
0xe6: {  	[bflag:$0x0] =	sbarrier.arrive $0xFFFF  }
0xe7: {  	[tilespmem:s30], [sflag:$0x1] =	stream.linear.gather [spmem:s11], $0x40, $0x38;
	[tilespmem:$0x9190] =	vst v63  }
0xe8: {  	_ =	swait.ge [sflag:s29], $0x40  }
0xe9: {  	[sflag:s29] =	ssyncset.done $0x0  }
0xea: {  	[sflag:s29] =	ssyncadd.s32 $0xFFFFFFC0  }
0xeb: {  	[bflag:$0x0] =	sbarrier.arrive $0xFFFF  }
0xec: {  	v24 =	vld [tilespmem:$0x9100]  }
0xed: {  	v25 =	vld [tilespmem:$0x9110];
	_ =	sdelay $0x3  }
0xee: {  	v28 =	vld [tilespmem:$0x9120];
	v26 =	vperm.xlane v24, v9;
	v27 =	vperm.xlane v24, v10  }
0xef: {  	v29 =	vperm.xlane v25, v9;
	v30 =	vperm.xlane v25, v10;
	_ =	sdelay $0x1  }
0xf0: {  	vm6 =	veq.f32 v29, v26;
	vm7 =	vlt.f32 v30, v27  }
0xf1: {  	v31 =	vld [tilespmem:$0x9130];
	vm13 =	vgt.f32 v29, v26;
	vm6 =	vmand vm6, vm7  }
0xf2: {  	v32 =	vperm.xlane v28, v9;
	v33 =	vperm.xlane v28, v10;
	vm6 =	vmor vm13, vm6  }
0xf3: {  	v26 =	vsel vm6, v29, v26;
	v27 =	vsel vm6, v30, v27  }
0xf4: {  	vm7 =	veq.f32 v32, v26;
	vm14 =	vlt.f32 v33, v27  }
0xf5: {  	vm9 =	vgt.f32 v32, v26;
	vm7 =	vmand vm7, vm14  }
0xf6: {  	v29 =	vperm.xlane v31, v9;
	v30 =	vperm.xlane v31, v10;
	vm7 =	vmor vm9, vm7  }
0xf7: {  	v32 =	vsel vm7, v32, v26;
	v26 =	vsel vm7, v33, v27  }
0xf8: {  	vm15 =	veq.f32 v29, v32;
	vm12 =	vlt.f32 v30, v26  }
0xf9: {  	vm10 =	vgt.f32 v29, v32;
	vm8 =	vmand vm15, vm12  }
0xfa: {  	vm8 =	vmor vm10, vm8  }
0xfb: {  	v26 =	vsel vm8, v30, v26  }
0xfc: {  	v26 =	vtrunc.f32 v26  }
0xfd: {  	v30 =	vcvt.f32.s32 v26  }
0xfe: {  	v24 =	vsel vm6, v25, v24  }
0xff: {  	v4 =	vimm.s32 $0x2;
	v24 =	vsel vm7, v28, v24;
	v26 =	vsub.s32 v30, v2  }
0x100: {  	vm13 =	vge.s32 v30, v2;
	vm14 =	vgt.s32 v3, v30;
	vm15 =	vgt.s32 v26, $0x0  }
0x101: {  	v31 =	vsel vm8, v31, v24;
	vm6 =	vmand vm13, vm14;
	v25 =	vnsel vm15, $0x0, v26  }
0x102: {  	vm6 =	vmand vm6, vm5;
	v26 =	vperm.xlane v31, v4;
	v4 =	vimm.s32 $0x4  }
0x103: {  	v12 =	vmin.u32 v25, $0x138F;
	v25 =	vperm.xlane v31, v4;
	v4 =	vimm.s32 $0x3  }
0x104: {  	v34 =	vmov @!p1 s0;
	v28 =	vperm.xlane v31, v4;
	v4 =	vimm.s32 $0x5  }
0x105: {  	v24 =	vsel vm8, v29, v32;
	v32 =	vimm.f32 @!p1 $0.0e+00;
	v27 =	vperm.xlane v31, v4  }
0x106: {  	vm7 =	vgt.f32 @!p1 v24, $2.500000000e-01;
	v29 =	vadd.f32 @!p1 v25, v26;
	v4 =	vimm.s32 $0x6  }
0x107: {  	v31 =	vperm.xlane v31, v4;
	v4 =	vimm.f32 $-1.000000000e+00;
	v35 =	vadd.f32 @!p1 v27, v28  }
0x108: {  	s12 =	simm.s32 @!p1 $0x8C00;
	v32 =	vsel @!p1 vm7, $0x3F800000, v32;
	v29 =	vmul.f32 @!p1 $5.000000000e-01, v29;
	[tilespmem:v12+s2+$0x0] =	vst.idx.msk vm6, v4  }
0x109: {  	[tilespmem:v34+s12+$0x0] =	vst.idx.msk @!p1 $0x1, v30;
	s12 =	simm.s32 @!p1 $0x8C80;
	v30 =	vmul.f32 @!p1 v32, v24;
	v33 =	vmul.f32 @!p1 $5.000000000e-01, v35  }
0x10a: {  	v35 =	vsub.f32 v25, v26;
	v29 =	vmul.f32 @!p1 v32, v29;
	[tilespmem:v34+s12+$0x0] =	vst.idx.msk @!p1 $0x1, v32;
	s12 =	simm.s32 @!p1 $0x8D00  }
0x10b: {  	v36 =	vsub.f32 v27, v28;
	[tilespmem:v34+s12+$0x0] =	vst.idx.msk @!p1 $0x1, v30;
	s12 =	simm.s32 @!p1 $0x8D80;
	v30 =	vmul.f32 @!p1 v32, v33  }
0x10c: {  	v31 =	vtrunc.f32 @!p1 v31;
	[tilespmem:v34+s12+$0x0] =	vst.idx.msk @!p1 $0x1, v29;
	s12 =	simm.s32 @!p1 $0x8E00;
	v29 =	vmul.f32 @!p1 v32, v35  }
0x10d: {  	v31 =	vcvt.f32.s32 @!p1 v31;
	[tilespmem:v34+s12+$0x0] =	vst.idx.msk @!p1 $0x1, v30;
	s12 =	simm.s32 @!p1 $0x8E80;
	v30 =	vmul.f32 @!p1 v32, v36  }
0x10e: {  	[tilespmem:v34+s12+$0x0] =	vst.idx.msk @!p1 $0x1, v29;
	s12 =	simm.s32 @!p1 $0x8F00  }
0x10f: {  	v29 =	vnsel @!p1 vm7, $0xFFFFFFFF, v31;
	[tilespmem:v34+s12+$0x0] =	vst.idx.msk @!p1 $0x1, v30;
	s12 =	simm.s32 @!p1 $0x8F80  }
0x110: {  	s20 =	simm.s32 $0x7840;
	[tilespmem:v34+s12+$0x0] =	vst.idx.msk @!p1 $0x1, v29  }
0x111: {  	v30 =	vld [tilespmem:s20+$0x20]  }
0x112: {  	s15 =	simm.s32 $0x2840;
	v31 =	vld [tilespmem:s20+$0x10]  }
0x113: {  	s16 =	simm.s32 $0x3C40;
	v13 =	vld [tilespmem:s15+$0x30]  }
0x114: {  	s14 =	simm.s32 $0x5040;
	v14 =	vld [tilespmem:s16+$0x30]  }
0x115: {  	s13 =	simm.s32 $0x6440;
	v34 =	vld [tilespmem:s14+$0x30]  }
0x116: {  	v37 =	vld [tilespmem:s13+$0x30]  }
0x117: {  	v38 =	vld [tilespmem:s20+$0x0]  }
0x118: {  	v39 =	vld [tilespmem:s15+$0x20]  }
0x119: {  	v40 =	vld [tilespmem:s16+$0x20]  }
0x11a: {  	v41 =	vld [tilespmem:s14+$0x20]  }
0x11b: {  	v42 =	vld [tilespmem:s13+$0x20]  }
0x11c: {  	v44 =	vld [tilespmem:s15+$0x10]  }
0x11d: {  	v45 =	vld [tilespmem:s16+$0x10]  }
0x11e: {  	v46 =	vld [tilespmem:s14+$0x10]  }
0x11f: {  	v47 =	vld [tilespmem:s13+$0x10]  }
0x120: {  	v48 =	vld [tilespmem:s20+$0xFFFFFFE0]  }
0x121: {  	v49 =	vld [tilespmem:s15+$0x0]  }
0x122: {  	v50 =	vld [tilespmem:s16+$0x0]  }
0x123: {  	v51 =	vld [tilespmem:s14+$0x0]  }
0x124: {  	v52 =	vld [tilespmem:s13+$0x0]  }
0x125: {  	v53 =	vld [tilespmem:s20+$0xFFFFFFD0]  }
0x126: {  	v54 =	vld [tilespmem:s15+$0xFFFFFFF0]  }
0x127: {  	v55 =	vld [tilespmem:s16+$0xFFFFFFF0]  }
0x128: {  	v29 =	vmul.f32 v36, v35;
	v56 =	vld [tilespmem:s14+$0xFFFFFFF0]  }
0x129: {  	v35 =	vld [tilespmem:s13+$0xFFFFFFF0]  }
0x12a: {  	v36 =	vld [tilespmem:s20+$0xFFFFFFC0];
	v58 =	vadd.f32 v31, v29;
	v59 =	vadd.f32 v30, v29  }
0x12b: {  	v57 =	vld [tilespmem:s15+$0xFFFFFFE0];
	v31 =	vmax.f32 v26, v13;
	v32 =	vmax.f32 v28, v14;
	v33 =	vmin.f32 v25, v34  }
0x12c: {  	v60 =	vld [tilespmem:s13+$0xFFFFFFE0];
	v34 =	vmin.f32 v27, v37;
	v38 =	vadd.f32 v38, v29;
	v39 =	vmax.f32 v26, v39  }
0x12d: {  	v61 =	vld [tilespmem:s15+$0xFFFFFFD0];
	v40 =	vmax.f32 v28, v40;
	v41 =	vmin.f32 v25, v41;
	v42 =	vmin.f32 v27, v42  }
0x12e: {  	v62 =	vld [tilespmem:s16+$0xFFFFFFD0];
	v44 =	vmax.f32 v26, v44;
	v45 =	vmax.f32 v28, v45;
	v46 =	vmin.f32 v25, v46  }
0x12f: {  	v63 =	vld [tilespmem:s15+$0xFFFFFFC0];
	v48 =	vadd.f32 v48, v29;
	v49 =	vmax.f32 v26, v49;
	v47 =	vmin.f32 v27, v47  }
0x130: {  	v11 =	vld [tilespmem:s16+$0xFFFFFFC0];
	v50 =	vmax.f32 v28, v50;
	v51 =	vmin.f32 v25, v51;
	v52 =	vmin.f32 v27, v52  }
0x131: {  	v12 =	vld [tilespmem:s14+$0xFFFFFFC0];
	v53 =	vadd.f32 v53, v29;
	v54 =	vmax.f32 v26, v54;
	v55 =	vmax.f32 v28, v55  }
0x132: {  	v37 =	vld [tilespmem:s14+$0xFFFFFFE0];
	v36 =	vadd.f32 v36, v29;
	v56 =	vmin.f32 v25, v56;
	v35 =	vmin.f32 v27, v35  }
0x133: {  	v57 =	vmax.f32 v26, v57;
	v61 =	vmax.f32 v26, v61;
	v39 =	vsub.f32 v41, v39;
	v41 =	vld [tilespmem:s13+$0xFFFFFFC0]  }
0x134: {  	v62 =	vmax.f32 v28, v62;
	v60 =	vmin.f32 v27, v60;
	v40 =	vsub.f32 v42, v40;
	v42 =	vld [tilespmem:s14+$0xFFFFFFD0]  }
0x135: {  	v63 =	vmax.f32 v26, v63;
	v44 =	vsub.f32 v46, v44;
	v46 =	vld [tilespmem:s13+$0xFFFFFFD0];
	v45 =	vsub.f32 v47, v45  }
0x136: {  	v12 =	vmin.f32 v25, v12;
	v47 =	vsub.f32 v51, v49;
	v49 =	vsub.f32 v52, v50  }
0x137: {  	v30 =	vld [tilespmem:s16+$0xFFFFFFE0];
	v11 =	vmax.f32 v28, v11;
	v12 =	vsub.f32 v12, v63;
	v52 =	vsub.f32 v56, v54  }
0x138: {  	v35 =	vsub.f32 v35, v55;
	v33 =	vsub.f32 v33, v31;
	v41 =	vmin.f32 v27, v41  }
0x139: {  	v34 =	vsub.f32 v34, v32;
	v12 =	vmax.f32 v12, $0.0e+00;
	v11 =	vsub.f32 v41, v11  }
0x13a: {  	v37 =	vmin.f32 v25, v37;
	v50 =	vmin.f32 v25, v42;
	v51 =	vmin.f32 v27, v46  }
0x13b: {  	v41 =	vsub.f32 v50, v61;
	v42 =	vsub.f32 v51, v62;
	v11 =	vmax.f32 v11, $0.0e+00  }
0x13c: {  	s18 =	simm.s32 $0x40;
	v43 =	vld [tilespmem:s20+$0xFFFFFFF0];
	v30 =	vmax.f32 v28, v30;
	v54 =	vsub.f32 v37, v57;
	v11 =	vmul.f32 v11, v12  }
0x13d: {  	s19 =	simm.s32 $0x78C0;
	v13 =	vld [tilespmem:s18+$0xFFFFFFC0];
	v57 =	vsub.f32 v60, v30;
	v55 =	vmax.f32 v41, $0.0e+00;
	v56 =	vmax.f32 v42, $0.0e+00  }
0x13e: {  	v31 =	vld [tilespmem:s19+$0x20];
	v35 =	vmax.f32 v35, $0.0e+00;
	v37 =	vmul.f32 v56, v55;
	v36 =	vsub.f32 v36, v11  }
0x13f: {  	v32 =	vld [tilespmem:s19+$0x10];
	s13 =	simm.s32 $0x3CC0;
	v60 =	vmax.f32 v52, $0.0e+00;
	v42 =	vmax.f32 v57, $0.0e+00;
	v12 =	vmax.f32 v54, $0.0e+00  }
0x140: {  	v15 =	vld [tilespmem:s13+$0xFFFFFFE0];
	v12 =	vmul.f32 v42, v12;
	v61 =	vsub.f32 v53, v37;
	v36 =	vadd.f32 $9.999999710e-10, v36  }
0x141: {  	v43 =	vadd.f32 v43, v29;
	v63 =	vmax.f32 v49, $0.0e+00;
	v49 =	vld [tilespmem:s18+$0xFFFFFFF0];
	v35 =	vmul.f32 v35, v60  }
0x142: {  	v30 =	vld [tilespmem:s18+$0x30];
	v48 =	vsub.f32 v48, v12;
	v51 =	vadd.f32 $9.999999710e-10, v61;
	(erf) = vrcp.f32 v36  }
0x143: {  	v44 =	vmax.f32 v44, $0.0e+00;
	v45 =	vmax.f32 v45, $0.0e+00;
	v46 =	vld [tilespmem:s18+$0x20];
	v62 =	vmax.f32 v47, $0.0e+00  }
0x144: {  	v43 =	vsub.f32 v43, v35;
	v57 =	vld [tilespmem:s20+$0x30];
	v48 =	vadd.f32 $9.999999710e-10, v48;
	(erf) = vrcp.f32 v51  }
0x145: {  	v39 =	vmax.f32 v39, $0.0e+00;
	v40 =	vmax.f32 v40, $0.0e+00;
	v50 =	vld [tilespmem:s18+$0x10];
	v41 =	vmul.f32 v63, v62  }
0x146: {  	s15 =	simm.s32 $0x64C0;
	v44 =	vmul.f32 v45, v44;
	v47 =	vld [tilespmem:s18+$0xFFFFFFD0];
	v43 =	vadd.f32 $9.999999710e-10, v43;
	(erf) = vrcp.f32 v48  }
0x147: {  	s12 =	simm.s32 $0x28C0;
	v33 =	vmax.f32 v33, $0.0e+00;
	v34 =	vmax.f32 v34, $0.0e+00;
	v54 =	vld [tilespmem:s15+$0x30];
	v38 =	vsub.f32 v38, v41  }
0x148: {  	v39 =	vmul.f32 v40, v39;
	v58 =	vsub.f32 v58, v44;
	v55 =	vld [tilespmem:s12+$0x20];
	(erf) = vrcp.f32 v43  }
0x149: {  	s14 =	simm.s32 $0x50C0;
	v56 =	vld [tilespmem:s13+$0x20];
	v53 =	vmul.f32 v34, v33;
	v38 =	vadd.f32 $9.999999710e-10, v38;
	v60 =	vadd.f32 v57, v29  }
0x14a: {  	v4 =	vimm.s32 $0x0;
	v59 =	vsub.f32 v59, v39;
	v51 =	vld [tilespmem:s14+$0x20]  }
0x14b: {  	v40 =	vadd.f32 $9.999999710e-10, v58;
	v42 =	vld [tilespmem:s18+$0x0];
	v33 =	vsub.f32 v60, v53;
	(erf) = vrcp.f32 v38;
	v61 =	vpop (erf)  }
0x14c: {  	v52 =	vor.u32 s1, v0;
	v62 =	vadd.f32 $9.999999710e-10, v59;
	v38 =	vld [tilespmem:s14+$0x30];
	v11 =	vmul.f32 v61, v11  }
0x14d: {  	v63 =	vimm.f32 $-2.000000000e+00;
	v34 =	vld [tilespmem:s19+$0x0];
	v57 =	vadd.f32 $9.999999710e-10, v33;
	(erf) = vrcp.f32 v40;
	v14 =	vpop (erf)  }
0x14e: {  	v36 =	vld [tilespmem:s18+$0xFFFFFFE0];
	(erf) = vrcp.f32 v62;
	vm6 =	vgt.f32 v11, $4.499999880e-01;
	v11 =	vmul.f32 v14, v37  }
0x14f: {  	v48 =	vld [tilespmem:s13+$0x30];
	v51 =	vmin.f32 v25, v51;
	v58 =	vpop (erf);
	(erf) = vrcp.f32 v57;
	v33 =	vsel vm6, $0xBF800000, v13  }
0x150: {  	v43 =	vld [tilespmem:s12+$0x30];
	vm6 =	vgt.f32 v33, v63;
	vm7 =	vgt.f32 v11, $4.499999880e-01;
	v11 =	vmul.f32 v58, v12  }
0x151: {  	v38 =	vmin.f32 v25, v38;
	v59 =	vpop (erf);
	v12 =	vld [tilespmem:s15+$0x20];
	v40 =	vsel vm6, v33, v63;
	v37 =	vsel vm7, $0xBF800000, v47  }
0x152: {  	v47 =	vld [tilespmem:s19+$0xFFFFFFF0];
	vm7 =	vgt.f32 v37, v40;
	vm12 =	vgt.f32 v11, $4.499999880e-01;
	v11 =	vmul.f32 v59, v35  }
0x153: {  	v58 =	vld [tilespmem:s13+$0x10];
	v60 =	vsel vm6, v17, v4;
	v61 =	vsel vm7, v37, v40;
	v40 =	vsel vm12, $0xBF800000, v36  }
0x154: {  	v62 =	vpop (erf);
	v35 =	vld [tilespmem:s12+$0x10];
	v63 =	vsel vm7, v18, v60;
	vm6 =	vgt.f32 v40, v61;
	vm13 =	vgt.f32 v11, $4.499999880e-01  }
0x155: {  	v59 =	vld [tilespmem:s15+$0x10];
	v11 =	vmul.f32 v62, v41;
	v57 =	vsel vm6, v40, v61;
	v45 =	vsel vm13, $0xBF800000, v49  }
0x156: {  	v36 =	vld [tilespmem:s14+$0x10];
	v13 =	vpop (erf);
	v41 =	vsel vm6, v19, v63;
	v12 =	vmin.f32 v27, v12;
	vm7 =	vgt.f32 v45, v57  }
0x157: {  	v60 =	vld [tilespmem:s12+$0x0];
	v14 =	vpop (erf);
	vm14 =	vgt.f32 v11, $4.499999880e-01;
	v11 =	vmul.f32 v13, v44;
	v47 =	vadd.f32 v47, v29  }
0x158: {  	v49 =	vld [tilespmem:s19+$0xFFFFFFE0];
	v63 =	vpop (erf);
	v44 =	vsel vm7, v45, v57;
	v57 =	vsel vm14, $0xBF800000, v42;
	v13 =	vsel vm7, v20, v41  }
0x159: {  	v61 =	vld [tilespmem:s13+$0x0];
	v42 =	vmul.f32 v63, v53;
	v35 =	vmax.f32 v26, v35;
	vm6 =	vgt.f32 v57, v44  }
0x15a: {  	vm15 =	vgt.f32 v11, $4.499999880e-01;
	v11 =	vmul.f32 v14, v39;
	v14 =	vsel vm6, v57, v44;
	v44 =	vld [tilespmem:s14+$0x0]  }
0x15b: {  	s21 =	sadd.s32 $0xFFFFFFF0, s17;
	v36 =	vmin.f32 v25, v36;
	v62 =	vsel vm15, $0xBF800000, v50;
	v39 =	vsel vm6, v21, v13;
	v50 =	vld [tilespmem:s12+$0xFFFFFFD0]  }
0x15c: {  	v13 =	vor.u32 s21, v0;
	vm6 =	vgt.f32 v62, v14;
	vm7 =	vgt.f32 v11, $4.499999880e-01;
	v11 =	vld [tilespmem:s15+$0x0]  }
0x15d: {  	v49 =	vadd.f32 v49, v29;
	v41 =	vsel vm6, v62, v14;
	v53 =	vsel vm7, $0xBF800000, v46;
	v46 =	vld [tilespmem:s12+$0xFFFFFFF0]  }
0x15e: {  	v39 =	vsel vm6, v52, v39;
	vm7 =	vgt.f32 v42, $4.499999880e-01;
	v52 =	vld [tilespmem:s14+$0xFFFFFFF0];
	v42 =	vmin.f32 v27, v54  }
0x15f: {  	v54 =	vmax.f32 v28, v56;
	v56 =	vmax.f32 v28, v58;
	v58 =	vld [tilespmem:s15+$0xFFFFFFC0];
	vm6 =	vgt.f32 v53, v41  }
0x160: {  	v63 =	vsel vm6, v53, v41;
	v41 =	vsel vm6, v13, v39;
	v39 =	vmax.f32 v28, v48;
	v48 =	vld [tilespmem:s12+$0xFFFFFFC0]  }
0x161: {  	v13 =	vsel vm7, $0xBF800000, v30;
	v30 =	vmax.f32 v26, v43;
	v43 =	vmax.f32 v26, v55;
	v55 =	vld [tilespmem:s13+$0xFFFFFFC0]  }
0x162: {  	v60 =	vmax.f32 v26, v60;
	v38 =	vsub.f32 v38, v30;
	v30 =	vld [tilespmem:s14+$0xFFFFFFC0];
	v39 =	vsub.f32 v42, v39  }
0x163: {  	v42 =	vsub.f32 v51, v43;
	v51 =	vld [tilespmem:s14+$0xFFFFFFD0];
	v43 =	vsub.f32 v12, v54;
	v54 =	vmin.f32 v27, v59  }
0x164: {  	v12 =	vld [tilespmem:s12+$0xFFFFFFE0];
	v59 =	vmax.f32 v28, v61;
	v61 =	vsub.f32 v36, v35;
	v36 =	vmin.f32 v25, v44  }
0x165: {  	v15 =	vmax.f32 v28, v15;
	v56 =	vsub.f32 v54, v56;
	v54 =	vsub.f32 v36, v60;
	v36 =	vld [tilespmem:s14+$0xFFFFFFE0]  }
0x166: {  	v35 =	vld [tilespmem:s13+$0xFFFFFFD0];
	v14 =	vmax.f32 v26, v50;
	vm6 =	vgt.f32 v13, v63;
	v11 =	vmin.f32 v27, v11  }
0x167: {  	v50 =	vld [tilespmem:s15+$0xFFFFFFD0];
	v11 =	vsub.f32 v11, v59;
	v58 =	vmin.f32 v27, v58;
	v52 =	vmin.f32 v25, v52  }
0x168: {  	v59 =	vld [tilespmem:s19+$0xFFFFFFD0];
	v48 =	vmax.f32 v26, v48;
	v55 =	vmax.f32 v28, v55;
	v30 =	vmin.f32 v25, v30  }
0x169: {  	v55 =	vsub.f32 v58, v55;
	v48 =	vsub.f32 v30, v48;
	v30 =	vmin.f32 v25, v51;
	v51 =	vld [tilespmem:s13+$0xFFFFFFF0]  }
0x16a: {  	v58 =	vor.u32 s17, v0;
	v44 =	vmin.f32 v25, v36;
	v36 =	vadd.f32 v32, v29;
	v32 =	vld [tilespmem:s15+$0xFFFFFFE0]  }
0x16b: {  	v12 =	vmax.f32 v26, v12;
	v60 =	vsub.f32 v30, v14;
	v14 =	vld [tilespmem:s15+$0xFFFFFFF0];
	v30 =	vmax.f32 v26, v46  }
0x16c: {  	v50 =	vmin.f32 v27, v50;
	v12 =	vsub.f32 v44, v12;
	v46 =	vsub.f32 v52, v30;
	v52 =	vld [tilespmem:s19+$0xFFFFFFC0]  }
0x16d: {  	v30 =	vmax.f32 v28, v35;
	v35 =	vadd.f32 v31, v29;
	v31 =	vmax.f32 v48, $0.0e+00  }
0x16e: {  	v50 =	vsub.f32 v50, v30;
	v30 =	vsel vm6, v58, v41;
	v58 =	vmax.f32 v55, $0.0e+00  }
0x16f: {  	v41 =	vadd.f32 v34, v29;
	v55 =	vadd.f32 v59, v29;
	v44 =	vmul.f32 v58, v31  }
0x170: {  	s16 =	simm.s32 $0xC0;
	v31 =	vsel vm6, v13, v63;
	v63 =	vmax.f32 v28, v51;
	v59 =	vmin.f32 v27, v32  }
0x171: {  	[tilespmem:s18+$0xFFFFFFC0] =	vst v33;
	v33 =	vld [tilespmem:s16+$0x20];
	v50 =	vmax.f32 v50, $0.0e+00;
	v14 =	vmin.f32 v27, v14;
	v58 =	vadd.f32 v52, v29  }
0x172: {  	[tilespmem:s18+$0xFFFFFFD0] =	vst v37;
	v37 =	vld [tilespmem:s16+$0x0];
	v15 =	vsub.f32 v59, v15;
	v14 =	vsub.f32 v14, v63;
	v63 =	vmax.f32 v60, $0.0e+00  }
0x173: {  	[tilespmem:s18+$0xFFFFFFE0] =	vst v40;
	v40 =	vld [tilespmem:s16+$0xFFFFFFF0];
	v12 =	vmax.f32 v12, $0.0e+00;
	v48 =	vmul.f32 v50, v63;
	v58 =	vsub.f32 v58, v44  }
0x174: {  	[tilespmem:s18+$0xFFFFFFF0] =	vst v45;
	v45 =	vld [tilespmem:s16+$0xFFFFFFE0];
	v46 =	vmax.f32 v46, $0.0e+00;
	v15 =	vmax.f32 v15, $0.0e+00;
	v14 =	vmax.f32 v14, $0.0e+00  }
0x175: {  	v34 =	vld [tilespmem:s16+$0x10];
	v50 =	vmul.f32 v15, v12;
	v59 =	vsub.f32 v55, v48;
	v51 =	vadd.f32 $9.999999710e-10, v58  }
0x176: {  	[tilespmem:s18+$0x0] =	vst v57;
	v11 =	vmax.f32 v11, $0.0e+00;
	v32 =	vld [tilespmem:s16+$0x30];
	v60 =	vmax.f32 v54, $0.0e+00;
	v46 =	vmul.f32 v14, v46  }
0x177: {  	[tilespmem:s18+$0x10] =	vst v62;
	v54 =	vld [tilespmem:s16+$0xFFFFFFC0];
	v15 =	vsub.f32 v49, v50;
	v63 =	vadd.f32 $9.999999710e-10, v59;
	(erf) = vrcp.f32 v51  }
0x178: {  	[tilespmem:s18+$0x20] =	vst v53;
	v57 =	vmax.f32 v56, $0.0e+00;
	v52 =	vld [tilespmem:s19+$0x30];
	v55 =	vmax.f32 v61, $0.0e+00;
	v49 =	vmul.f32 v11, v60  }
0x179: {  	s21 =	smov.u32 s17;
	[tilespmem:s18+$0x30] =	vst v13;
	s18 =	simm.s32 $0x8;
	s19 =	simm.s32 $0x7940;
	v56 =	vsub.f32 v47, v46;
	v51 =	vld [tilespmem:s16+$0xFFFFFFD0];
	v53 =	vadd.f32 $9.999999710e-10, v15;
	(erf) = vrcp.f32 v63  }
.LBB2_5:
0x17a: {  	v47 =	vld [tilespmem:s19+$0x20];
	v11 =	vmul.f32 v57, v55;
	v12 =	vmax.f32 v42, $0.0e+00;
	v13 =	vmax.f32 v43, $0.0e+00  }
0x17b: {  	v15 =	vsub.f32 v41, v49;
	s12 =	sadd.s32 $0x80, s12;
	v42 =	vld [tilespmem:s19+$0x10];
	v14 =	vadd.f32 $9.999999710e-10, v56;
	(erf) = vrcp.f32 v53  }
0x17c: {  	v43 =	vmax.f32 v39, $0.0e+00;
	s13 =	sadd.s32 $0x80, s13;
	s21 =	sadd.s32 $0x80, s21;
	v12 =	vmul.f32 v13, v12;
	v13 =	vmax.f32 v38, $0.0e+00;
	v41 =	vld [tilespmem:s12+$0x30]  }
0x17d: {  	s14 =	sadd.s32 $0x80, s14;
	s20 =	sadd.s32 $0xFFFFFFE0, s21;
	v15 =	vadd.f32 $9.999999710e-10, v15;
	v36 =	vsub.f32 v36, v11;
	v38 =	vld [tilespmem:s13+$0x30];
	(erf) = vrcp.f32 v14  }
0x17e: {  	s15 =	sadd.s32 $0x80, s15;
	v13 =	vmul.f32 v43, v13;
	v14 =	vor.u32 s20, v0;
	v39 =	vld [tilespmem:s14+$0x30];
	v53 =	vadd.f32 v52, v29  }
0x17f: {  	s3 =	sadd.s32 $0xFFFFFFD0, s21;
	s20 =	sadd.s32 $0xFFFFFFC0, s21;
	v35 =	vsub.f32 v35, v12;
	v36 =	vadd.f32 $9.999999710e-10, v36;
	v43 =	vld [tilespmem:s15+$0x30];
	(erf) = vrcp.f32 v15  }
0x180: {  	v55 =	vor.u32 s3, v0;
	v15 =	vor.u32 s20, v0;
	v52 =	vld [tilespmem:s19+$0x0];
	v56 =	vsub.f32 v53, v13;
	v57 =	vpop (erf)  }
0x181: {  	s3 =	sadd.s32 $0xFFFFFFA0, s21;
	s20 =	sadd.s32 $0xFFFFFFB0, s21;
	v35 =	vadd.f32 $9.999999710e-10, v35;
	v53 =	vld [tilespmem:s12+$0x20];
	v44 =	vmul.f32 v57, v44;
	(erf) = vrcp.f32 v36  }
0x182: {  	v58 =	vor.u32 s20, v0;
	v36 =	vor.u32 s3, v0;
	v57 =	vld [tilespmem:s13+$0x20];
	v56 =	vadd.f32 $9.999999710e-10, v56;
	v59 =	vpop (erf)  }
0x183: {  	s3 =	sadd.s32 $0xFFFFFF90, s21;
	v60 =	vld [tilespmem:s14+$0x20];
	vm6 =	vgt.f32 v44, $4.499999880e-01;
	v44 =	vmul.f32 v59, v48;
	(erf) = vrcp.f32 v35  }
0x184: {  	v35 =	vor.u32 s3, v0;
	v48 =	vld [tilespmem:s15+$0x20];
	v54 =	vsel vm6, $0xBF800000, v54;
	v59 =	vpop (erf);
	(erf) = vrcp.f32 v56  }
0x185: {  	v56 =	vld [tilespmem:s19+$0xFFFFFFF0];
	[tilespmem:s16+$0xFFFFFFC0] =	vst v54;
	vm6 =	vgt.f32 v54, v31;
	vm7 =	vgt.f32 v44, $4.499999880e-01;
	v44 =	vmul.f32 v59, v50  }
0x186: {  	v50 =	vld [tilespmem:s12+$0x10];
	v31 =	vsel vm6, v54, v31;
	v30 =	vsel vm6, v35, v30;
	v35 =	vsel vm7, $0xBF800000, v51;
	v51 =	vpop (erf)  }
0x187: {  	v54 =	vld [tilespmem:s13+$0x10];
	[tilespmem:s16+$0xFFFFFFD0] =	vst v35;
	vm6 =	vgt.f32 v35, v31;
	vm7 =	vgt.f32 v44, $4.499999880e-01;
	v44 =	vmul.f32 v51, v46  }
0x188: {  	v46 =	vld [tilespmem:s14+$0x10];
	v31 =	vsel vm6, v35, v31;
	v30 =	vsel vm6, v36, v30;
	v35 =	vsel vm7, $0xBF800000, v45;
	v36 =	vpop (erf)  }
0x189: {  	v45 =	vld [tilespmem:s15+$0x10];
	[tilespmem:s16+$0xFFFFFFE0] =	vst v35;
	vm6 =	vgt.f32 v35, v31;
	vm7 =	vgt.f32 v44, $4.499999880e-01;
	v36 =	vmul.f32 v36, v49  }
0x18a: {  	v44 =	vld [tilespmem:s19+$0xFFFFFFE0];
	v31 =	vsel vm6, v35, v31;
	v30 =	vsel vm6, v58, v30;
	v4 =	vsel vm7, $0xBF800000, v40;
	v40 =	vpop (erf)  }
0x18b: {  	v49 =	vld [tilespmem:s12+$0x0];
	[tilespmem:s16+$0xFFFFFFF0] =	vst v4;
	vm6 =	vgt.f32 v4, v31;
	vm7 =	vgt.f32 v36, $4.499999880e-01;
	v11 =	vmul.f32 v40, v11  }
0x18c: {  	v40 =	vld [tilespmem:s13+$0x0];
	v31 =	vsel vm6, v4, v31;
	v15 =	vsel vm6, v15, v30;
	v30 =	vsel vm7, $0xBF800000, v37;
	v35 =	vpop (erf)  }
0x18d: {  	v37 =	vld [tilespmem:s14+$0x0];
	[tilespmem:s16+$0x0] =	vst v30;
	vm6 =	vgt.f32 v30, v31;
	vm7 =	vgt.f32 v11, $4.499999880e-01;
	v11 =	vmul.f32 v35, v12;
	v12 =	vpop (erf)  }
0x18e: {  	v51 =	vld [tilespmem:s15+$0x0];
	v30 =	vsel vm6, v30, v31;
	v15 =	vsel vm6, v55, v15;
	v31 =	vsel vm7, $0xBF800000, v34  }
0x18f: {  	v34 =	vld [tilespmem:s19+$0xFFFFFFD0];
	[tilespmem:s16+$0x10] =	vst v31;
	vm6 =	vgt.f32 v31, v30;
	vm7 =	vgt.f32 v11, $4.499999880e-01;
	v11 =	vmul.f32 v12, v13  }
0x190: {  	s3 =	sadd.s32 $0xFFFFFFF0, s21;
	v12 =	vld [tilespmem:s12+$0xFFFFFFF0];
	v13 =	vsel vm6, v31, v30;
	v14 =	vsel vm6, v14, v15;
	v15 =	vsel vm7, $0xBF800000, v33  }
0x191: {  	v30 =	vor.u32 s3, v0;
	v33 =	vld [tilespmem:s13+$0xFFFFFFF0];
	[tilespmem:s16+$0x20] =	vst v15;
	vm6 =	vgt.f32 v15, v13;
	vm7 =	vgt.f32 v11, $4.499999880e-01  }
0x192: {  	v11 =	vld [tilespmem:s14+$0xFFFFFFF0];
	v13 =	vsel vm6, v15, v13;
	v14 =	vsel vm6, v30, v14;
	v15 =	vsel vm7, $0xBF800000, v32  }
0x193: {  	v30 =	vor.u32 s21, v0;
	v32 =	vld [tilespmem:s15+$0xFFFFFFF0];
	[tilespmem:s16+$0x30] =	vst v15;
	vm6 =	vgt.f32 v15, v13  }
0x194: {  	v55 =	vld [tilespmem:s19+$0xFFFFFFC0];
	v31 =	vsel vm6, v15, v13;
	v30 =	vsel vm6, v30, v14  }
0x195: {  	v36 =	vadd.f32 v42, v29;
	v35 =	vadd.f32 v47, v29;
	v14 =	vmax.f32 v26, v41;
	v13 =	vld [tilespmem:s12+$0xFFFFFFE0]  }
0x196: {  	v42 =	vmax.f32 v28, v38;
	v38 =	vmin.f32 v25, v39;
	v39 =	vmin.f32 v27, v43;
	v15 =	vld [tilespmem:s13+$0xFFFFFFE0]  }
0x197: {  	v47 =	vmax.f32 v26, v53;
	v41 =	vadd.f32 v52, v29;
	v52 =	vmax.f32 v28, v57;
	v43 =	vld [tilespmem:s14+$0xFFFFFFE0]  }
0x198: {  	v48 =	vmin.f32 v27, v48;
	v56 =	vadd.f32 v56, v29;
	v57 =	vmin.f32 v25, v60;
	v53 =	vld [tilespmem:s15+$0xFFFFFFE0]  }
0x199: {  	v50 =	vmax.f32 v26, v50;
	v54 =	vmax.f32 v28, v54;
	v46 =	vmin.f32 v25, v46;
	v58 =	vld [tilespmem:s12+$0xFFFFFFD0]  }
0x19a: {  	v45 =	vmin.f32 v27, v45;
	v60 =	vadd.f32 v44, v29;
	v44 =	vmax.f32 v26, v49;
	v59 =	vld [tilespmem:s13+$0xFFFFFFD0]  }
0x19b: {  	v40 =	vmax.f32 v28, v40;
	v37 =	vmin.f32 v25, v37;
	v51 =	vmin.f32 v27, v51;
	v49 =	vld [tilespmem:s12+$0xFFFFFFC0]  }
0x19c: {  	v62 =	vadd.f32 v34, v29;
	v12 =	vmax.f32 v26, v12;
	v33 =	vmax.f32 v28, v33;
	v61 =	vld [tilespmem:s13+$0xFFFFFFC0]  }
0x19d: {  	v11 =	vmin.f32 v25, v11;
	v32 =	vmin.f32 v27, v32;
	v55 =	vadd.f32 v55, v29;
	v34 =	vld [tilespmem:s14+$0xFFFFFFC0]  }
0x19e: {  	s18 =	sadd.s32 $0x8, s18;
	v13 =	vmax.f32 v26, v13;
	v15 =	vmax.f32 v28, v15;
	v16 =	vmin.f32 v25, v43;
	v63 =	vld [tilespmem:s15+$0xFFFFFFC0]  }
0x19f: {  	p2 =	slt.u32 s18, $0x130;
	v53 =	vmin.f32 v27, v53;
	v58 =	vmax.f32 v26, v58;
	v4 =	vld [tilespmem:s14+$0xFFFFFFD0];
	v59 =	vmax.f32 v28, v59  }
0x1a0: {  	v39 =	vsub.f32 v39, v42;
	v38 =	vsub.f32 v38, v14;
	v49 =	vmax.f32 v26, v49;
	v23 =	vld [tilespmem:s15+$0xFFFFFFD0]  }
0x1a1: {  	v42 =	vsub.f32 v57, v47;
	v43 =	vsub.f32 v48, v52;
	v14 =	vmax.f32 v28, v61  }
0x1a2: {  	v47 =	vsub.f32 v46, v50;
	v52 =	vsub.f32 v45, v54;
	v34 =	vmin.f32 v25, v34  }
0x1a3: {  	v51 =	vsub.f32 v51, v40;
	v54 =	vsub.f32 v37, v44;
	v45 =	vmin.f32 v27, v63  }
0x1a4: {  	v34 =	vsub.f32 v34, v49;
	v14 =	vsub.f32 v45, v14;
	v4 =	vmin.f32 v25, v4  }
0x1a5: {  	v11 =	vsub.f32 v11, v12;
	v23 =	vmin.f32 v27, v23;
	v4 =	vsub.f32 v4, v58  }
0x1a6: {  	s16 =	sadd.s32 $0x80, s16;
	v12 =	vmax.f32 v34, $0.0e+00;
	v14 =	vmax.f32 v14, $0.0e+00;
	v23 =	vsub.f32 v23, v59  }
0x1a7: {  	v44 =	vmul.f32 v14, v12;
	v12 =	vsub.f32 v16, v13;
	v13 =	vsub.f32 v32, v33;
	v32 =	vld [tilespmem:s16+$0x30]  }
0x1a8: {  	v15 =	vsub.f32 v53, v15;
	v4 =	vmax.f32 v4, $0.0e+00;
	v14 =	vmax.f32 v23, $0.0e+00;
	v33 =	vld [tilespmem:s16+$0x20]  }
0x1a9: {  	v16 =	vsub.f32 v55, v44;
	v48 =	vmul.f32 v14, v4;
	v4 =	vmax.f32 v11, $0.0e+00;
	v34 =	vld [tilespmem:s16+$0x10]  }
0x1aa: {  	v11 =	vmax.f32 v12, $0.0e+00;
	v12 =	vmax.f32 v15, $0.0e+00;
	v13 =	vmax.f32 v13, $0.0e+00;
	v37 =	vld [tilespmem:s16+$0x0]  }
.Ltmp1:
0x1ab: {  	v50 =	vmul.f32 v12, v11;
	v14 =	vadd.f32 $9.999999710e-10, v16;
	v15 =	vsub.f32 v62, v48;
	v40 =	vld [tilespmem:s16+$0xFFFFFFF0];
	(pc) =	sbr.rel @p2 .LBB2_5-.Ltmp1, $4  }
0x1ac: {  	v46 =	vmul.f32 v13, v4;
	v4 =	vmax.f32 v54, $0.0e+00;
	v11 =	vmax.f32 v51, $0.0e+00;
	v45 =	vld [tilespmem:s16+$0xFFFFFFE0]  }
0x1ad: {  	v13 =	vsub.f32 v60, v50;
	v51 =	vld [tilespmem:s16+$0xFFFFFFD0];
	v12 =	vadd.f32 $9.999999710e-10, v15;
	(erf) = vrcp.f32 v14  }
0x1ae: {  	v57 =	vmax.f32 v52, $0.0e+00;
	v55 =	vmax.f32 v47, $0.0e+00;
	v49 =	vmul.f32 v11, v4;
	v54 =	vld [tilespmem:s16+$0xFFFFFFC0]  }
0x1af: {  	v56 =	vsub.f32 v56, v46;
	v53 =	vadd.f32 $9.999999710e-10, v13;
	v52 =	vld [tilespmem:s19+$0x30];
	s19 =	sadd.s32 $0x80, s19;
	(erf) = vrcp.f32 v12  }
0x1b0: {  	_ = 	snop  }
0x1b1: {  	v4 =	vmul.f32 v57, v55;
	v11 =	vmax.f32 v42, $0.0e+00  }
0x1b2: {  	v12 =	vmax.f32 v43, $0.0e+00;
	v14 =	vsub.f32 v41, v49;
	v63 =	vmax.f32 v38, $0.0e+00  }
0x1b3: {  	v15 =	vmax.f32 v39, $0.0e+00;
	v13 =	vadd.f32 $9.999999710e-10, v56;
	v11 =	vmul.f32 v12, v11  }
0x1b4: {  	v12 =	vmul.f32 v15, v63;
	v16 =	vsub.f32 v36, v4;
	v15 =	vadd.f32 v52, v29  }
0x1b5: {  	(erf) = vrcp.f32 v53;
	v14 =	vadd.f32 $9.999999710e-10, v14;
	v23 =	vsub.f32 v35, v11  }
0x1b6: {  	(erf) = vrcp.f32 v13;
	v38 =	vadd.f32 $9.999999710e-10, v16;
	v15 =	vsub.f32 v15, v12  }
0x1b7: {  	(erf) = vrcp.f32 v14;
	v39 =	vadd.f32 $9.999999710e-10, v23  }
0x1b8: {  	(erf) = vrcp.f32 v38;
	v41 =	vadd.f32 $9.999999710e-10, v15  }
0x1b9: {  	(erf) = vrcp.f32 v39  }
0x1ba: {  	(erf) = vrcp.f32 v41;
	_ =	sdelay $0x1  }
0x1bb: {  	v42 =	vpop (erf)  }
0x1bc: {  	v13 =	vmul.f32 v42, v44;
	v43 =	vpop (erf)  }
0x1bd: {  	v14 =	vmul.f32 v43, v48;
	v15 =	vpop (erf)  }
0x1be: {  	vm6 =	vgt.f32 v13, $4.499999880e-01;
	v47 =	vmul.f32 v15, v50;
	v15 =	vpop (erf)  }
0x1bf: {  	v16 =	vsel vm6, $0xBF800000, v54;
	vm6 =	vgt.f32 v14, $4.499999880e-01;
	v48 =	vmul.f32 v15, v46;
	v15 =	vpop (erf)  }
0x1c0: {  	[tilespmem:s16+$0xFFFFFFC0] =	vst v16;
	v23 =	vsel vm6, $0xBF800000, v51;
	vm6 =	vgt.f32 v47, $4.499999880e-01;
	v50 =	vmul.f32 v15, v49;
	v15 =	vpop (erf)  }
0x1c1: {  	[tilespmem:s16+$0xFFFFFFD0] =	vst v23;
	v51 =	vsel vm6, $0xBF800000, v45;
	vm6 =	vgt.f32 v48, $4.499999880e-01;
	v4 =	vmul.f32 v15, v4;
	v52 =	vpop (erf)  }
0x1c2: {  	[tilespmem:s16+$0xFFFFFFE0] =	vst v51;
	v15 =	vsel vm6, $0xBF800000, v40;
	vm6 =	vgt.f32 v50, $4.499999880e-01;
	v11 =	vmul.f32 v52, v11;
	v53 =	vpop (erf)  }
0x1c3: {  	[tilespmem:s16+$0xFFFFFFF0] =	vst v15;
	v54 =	vsel vm6, $0xBF800000, v37;
	vm6 =	vgt.f32 v4, $4.499999880e-01;
	v4 =	vmul.f32 v53, v12  }
0x1c4: {  	[tilespmem:s16+$0x0] =	vst v54;
	v55 =	vsel vm6, $0xBF800000, v34;
	vm6 =	vgt.f32 v11, $4.499999880e-01  }
0x1c5: {  	[tilespmem:s16+$0x10] =	vst v55;
	v11 =	vsel vm6, $0xBF800000, v33;
	vm6 =	vgt.f32 v4, $4.499999880e-01  }
0x1c6: {  	[tilespmem:s16+$0x20] =	vst v11;
	v4 =	vsel vm6, $0xBF800000, v32  }
0x1c7: {  	[tilespmem:s16+$0x30] =	vst v4  }
0x1c8: {  	v56 =	vld [tilespmem:$0x3B80]  }
0x1c9: {  	v57 =	vld [tilespmem:$0x4F80]  }
0x1ca: {  	v58 =	vld [tilespmem:$0x6380]  }
0x1cb: {  	v59 =	vld [tilespmem:$0x7780];
	_ =	sdelay $0x3  }
0x1cc: {  	v13 =	vmax.f32 v26, v56;
	v26 =	vld [tilespmem:$0x8B80]  }
0x1cd: {  	v28 =	vmax.f32 v28, v57;
	v25 =	vmin.f32 v25, v58;
	v27 =	vmin.f32 v27, v59  }
0x1ce: {  	v13 =	vsub.f32 v25, v13;
	v25 =	vsub.f32 v27, v28;
	_ =	sdelay $0x1  }
0x1cf: {  	v13 =	vmax.f32 v13, $0.0e+00;
	v25 =	vmax.f32 v25, $0.0e+00  }
0x1d0: {  	v13 =	vmul.f32 v25, v13;
	v25 =	vadd.f32 v26, v29;
	_ =	sdelay $0x1  }
0x1d1: {  	v25 =	vsub.f32 v25, v13  }
0x1d2: {  	vm6 =	vgt.f32 v16, v31  }
0x1d3: {  	v16 =	vsel vm6, v16, v31;
	v25 =	vadd.f32 $9.999999710e-10, v25  }
0x1d4: {  	vm7 =	vgt.f32 v23, v16  }
0x1d5: {  	s3 =	sadd.s32 $0x80, s21;
	v16 =	vsel vm7, v23, v16;
	(erf) = vrcp.f32 v25  }
0x1d6: {  	s12 =	sadd.s32 $0xFFFFFF90, s3;
	vm8 =	vgt.f32 v51, v16  }
0x1d7: {  	v23 =	vor.u32 s12, v0;
	v16 =	vsel vm8, v51, v16  }
0x1d8: {  	s13 =	sadd.s32 $0xFFFFFFA0, s3;
	s18 =	sadd.s32 $0xFFFFFFC0, s3;
	v23 =	vsel vm6, v23, v30;
	vm6 =	vgt.f32 v15, v16  }
0x1d9: {  	s16 =	sadd.s32 $0xFFFFFFB0, s3;
	v15 =	vsel vm6, v15, v16;
	v16 =	vor.u32 s18, v0;
	v25 =	vor.u32 s13, v0  }
0x1da: {  	s20 =	sadd.s32 $0xFFFFFFE0, s3;
	v23 =	vsel vm7, v25, v23;
	v25 =	vor.u32 s16, v0;
	vm7 =	vgt.f32 v54, v15  }
0x1db: {  	s19 =	sadd.s32 $0xFFFFFFD0, s3;
	v23 =	vsel vm8, v25, v23;
	v14 =	vsel vm7, v54, v15;
	v15 =	vor.u32 s20, v0  }
0x1dc: {  	v25 =	vor.u32 s19, v0;
	v16 =	vsel vm6, v16, v23  }
0x1dd: {  	vm6 =	vgt.f32 v55, v14;
	v23 =	vld [tilespmem:$0x1380];
	v16 =	vsel vm7, v25, v16  }
0x1de: {  	s0 =	sadd.s32 $0x1, s0;
	v12 =	vsel vm6, v55, v14;
	v60 =	vsel vm6, v15, v16;
	v15 =	vpop (erf)  }
0x1df: {  	s21 =	sadd.s32 $0xFFFFFFF0, s3;
	p2 =	sne.s32 s0, $0x64;
	vm6 =	vgt.f32 v11, v12;
	v13 =	vmul.f32 v15, v13  }
.Ltmp2:
0x1e0: {  	v62 =	vor.u32 s3, v0;
	v16 =	vor.u32 s21, v0;
	v11 =	vsel vm6, v11, v12;
	(pc) =	sbr.rel @p2 .LBB2_4-.Ltmp2, $4  }
0x1e1: {  	v61 =	vsel vm6, v16, v60;
	vm6 =	vgt.f32 v4, v11;
	vm7 =	vgt.f32 v13, $4.499999880e-01  }
0x1e2: {  	v4 =	vsel vm6, v4, v11;
	v11 =	vsel vm7, $0xBF800000, v23;
	vm7 =	vgt.f32 v24, $2.500000000e-01  }
0x1e3: {  	v12 =	vsel vm6, v62, v61;
	v63 =	vsel vm7, $0x1, v9;
	vm6 =	vgt.f32 v11, v4  }
0x1e4: {  	[tilespmem:$0x1380] =	vst v11;
	v22 =	vadd.s32 v63, v22;
	v24 =	vsel vm6, v11, v4;
	v25 =	vsel vm6, v1, v12  }
0x1e5: {  	[tilespmem:$0x9000] =	vst @!p1 v22;
	s0 =	simm.s32 @!p1 $0x0;
	s1 =	simm.s32 @!p1 $0x9000;
	s3 =	rddreg [dreg:$0x9]  }
0x1e6: {  	[hbm4b:s3+s0] =	stream.linear.scatter @!p1 [tilespmem:s1], [sflag:$0x1], $0x10, $0x38;
	[tilespmem:$0x9190] =	vst v63  }
0x1e7: {  	s1 =	simm.s32 @!p1 $0x1  }
0x1e8: {  	_ =	swait.ge @!p1 [sflag:s1], $0x10  }
0x1e9: {  	[sflag:s1] =	ssyncset.done @!p1 $0x0  }
0x1ea: {  	s3 =	simm.s32 @!p1 $0x8D00;
	s12 =	rddreg [dreg:$0xa];
	[sflag:s1] =	ssyncadd.s32 @!p1 $0xFFFFFFF0  }
0x1eb: {  	[hbm4b:s12+s0] =	stream.linear.scatter @!p1 [tilespmem:s3], [sflag:$0x1], $0x70, $0x38;
	[tilespmem:$0x9190] =	vst v63  }
0x1ec: {  	_ =	swait.ge @!p1 [sflag:s1], $0x70  }
0x1ed: {  	[sflag:s1] =	ssyncset.done @!p1 $0x0  }
0x1ee: {  	s3 =	simm.s32 @!p1 $0x8F80;
	s12 =	rddreg [dreg:$0xb];
	[sflag:s1] =	ssyncadd.s32 @!p1 $0xFFFFFF90  }
0x1ef: {  	[hbm4b:s12+s0] =	stream.linear.scatter @!p1 [tilespmem:s3], [sflag:$0x1], $0x70, $0x38;
	[tilespmem:$0x9190] =	vst v63  }
0x1f0: {  	_ =	swait.ge @!p1 [sflag:s1], $0x70  }
0x1f1: {  	[sflag:s1] =	ssyncset.done @!p1 $0x0  }
0x1f2: {  	s3 =	simm.s32 @!p1 $0x8C00;
	s12 =	rddreg [dreg:$0xc];
	[sflag:s1] =	ssyncadd.s32 @!p1 $0xFFFFFF90  }
0x1f3: {  	[hbm4b:s12+s0] =	stream.linear.scatter @!p1 [tilespmem:s3], [sflag:$0x1], $0x70, $0x38;
	[tilespmem:$0x9190] =	vst v63  }
0x1f4: {  	_ =	swait.ge @!p1 [sflag:s1], $0x70  }
0x1f5: {  	[sflag:s1] =	ssyncset.done @!p1 $0x0  }
0x1f6: {  	s3 =	simm.s32 @!p1 $0x8D80;
	s12 =	rddreg [dreg:$0xd];
	[sflag:s1] =	ssyncadd.s32 @!p1 $0xFFFFFF90  }
0x1f7: {  	[hbm4b:s12+s0] =	stream.linear.scatter @!p1 [tilespmem:s3], [sflag:$0x1], $0x70, $0x38;
	[tilespmem:$0x9190] =	vst v63  }
0x1f8: {  	_ =	swait.ge @!p1 [sflag:s1], $0x70  }
0x1f9: {  	[sflag:s1] =	ssyncset.done @!p1 $0x0  }
0x1fa: {  	s3 =	simm.s32 @!p1 $0x8E00;
	s12 =	rddreg [dreg:$0xe];
	[sflag:s1] =	ssyncadd.s32 @!p1 $0xFFFFFF90  }
0x1fb: {  	[hbm4b:s12+s0] =	stream.linear.scatter @!p1 [tilespmem:s3], [sflag:$0x1], $0x70, $0x38;
	[tilespmem:$0x9190] =	vst v63  }
0x1fc: {  	_ =	swait.ge @!p1 [sflag:s1], $0x70  }
0x1fd: {  	[sflag:s1] =	ssyncset.done @!p1 $0x0  }
0x1fe: {  	s3 =	simm.s32 @!p1 $0x8E80;
	s12 =	rddreg [dreg:$0xf];
	[sflag:s1] =	ssyncadd.s32 @!p1 $0xFFFFFF90  }
0x1ff: {  	[hbm4b:s12+s0] =	stream.linear.scatter @!p1 [tilespmem:s3], [sflag:$0x1], $0x70, $0x38;
	[tilespmem:$0x9190] =	vst v63  }
0x200: {  	_ =	swait.ge @!p1 [sflag:s1], $0x70  }
0x201: {  	[sflag:s1] =	ssyncset.done @!p1 $0x0  }
0x202: {  	s3 =	simm.s32 @!p1 $0x8F00;
	s12 =	rddreg [dreg:$0x10];
	[sflag:s1] =	ssyncadd.s32 @!p1 $0xFFFFFF90  }
0x203: {  	[hbm4b:s12+s0] =	stream.linear.scatter @!p1 [tilespmem:s3], [sflag:$0x1], $0x70, $0x38;
	[tilespmem:$0x9190] =	vst v63  }
0x204: {  	_ =	swait.ge @!p1 [sflag:s1], $0x70  }
0x205: {  	s31 =	sadd.s32 $0x1, s31;
	s21 =	rddreg [dreg:$0x11]  }
0x206: {  	p2 =	sne.s32 s31, s21  }
.Ltmp3:
0x207: {  	_ = 	snop;
	(pc) =	sbr.rel @p2 .LBB2_1-.Ltmp3, $3  }
0x208: {  	_ =	sdelay $0x1  }
0x209: {  	[sflag:s1] =	ssyncset.done @!p1 $0x0  }
0x20a: {  	[sflag:s1] =	ssyncadd.s32 @!p1 $0xFFFFFF90  }
0x20b: {  	_ =	sfence.sel $0x180000  }
0x20c: {  	[bflag:$0x0] =	sbarrier.arrive $0xFFFF  }
0x20d: {  	_ =	strace $0x90000047  }
0x20e: {  	s0 =	stileid.u32;
	[bflag:$0x2] =	sbarrier.arrive $0xFFFF  }
0x20f: {  	p0 =	sne.s32 s0, $0x0;
	s0 =	rddreg [dreg:$0x7]  }
0x210: {  	s0 =	sadd.s32 @!p0 $0x100000, s0  }
0x211: {  	[sflag:s0] =	ssyncadd.tile.s32 @!p0 $0x1;
	_ =	shalt  }
.Lfunc_end2:
_tile_overlayer_lowered:
.L_overlay_start_2:
0x212: {  	(tag) =	ssettag $0x2  }
0x213: {  	s0 =	rddreg [dreg:$0x0];
	s2 =	stileid.u32  }
0x214: {  	s1 =	rddreg [dreg:$0x1];
	p0 =	sne.s32 s2, $0x0  }
0x215: {  	s3 =	rddreg [dreg:$0x2];
	[bflag:$0x3] =	sbarrier.arrive $0xFFFF;
	s2 =	simm.s32 @!p0 $0x1C01  }
0x216: {  	[timem:s3], [sflag:s2] =	dma.local @!p0 [hbm:s0], s1  }
0x217: {  	s0 =	simm.s32 @!p0 $0x1  }
0x218: {  	_ =	swait.ge @!p0 [sflag:s0], s1  }
0x219: {  	s1 =	ssub.s32 @!p0 $0x0, s1;
	[sflag:s0] =	ssyncset.done @!p0 $0x0  }
0x21a: {  	[sflag:s0] =	ssyncadd.s32 @!p0 s1  }
0x21b: {  	[bflag:$0x3] =	sbarrier.arrive $0xFFFF  }
0x21c: {  	_ =	shalt  }

</sc_bundles>
